<compile_context>
chip_gen: v7x
topology: tpu7x:2x2x1
jax: 0.10.2.dev20260603
libtpu: 0.0.44.dev20260713+nightly
codegen_flags: <defaults>
</compile_context>

<pallas_src>
import functools

import jax
import jax.numpy as jnp
from jax import lax
from jax.experimental import pallas as pl
from jax.experimental.pallas import tpu as pltpu
from jax.experimental.pallas import tpu_sc as plsc

DIM = 64
LANES = 16
NUM_CORES = 2
NUM_SUBCORES = 16
NUM_WORKERS = NUM_CORES * NUM_SUBCORES
GROUP = 16


def _sc_body(bpw, tw_hbm, cw_hbm, tt_hbm, ct_hbm, out_hbm,
             tidx_v, cidx_v, trows_v, crows_v, out_v, sem_a, sem_b):
    wid = lax.axis_index("s") * NUM_CORES + lax.axis_index("c")
    base = wid * bpw

    pltpu.sync_copy(tw_hbm.at[pl.ds(base, bpw)], tidx_v)
    pltpu.sync_copy(cw_hbm.at[pl.ds(base, bpw)], cidx_v)

    lane = lax.iota(jnp.int32, LANES)
    lane0 = lane == 0
    hrows = trows_v.shape[0]
    ngroups = hrows // GROUP

    def fire(gslot, sem, hbase):
        vt = tidx_v[pl.ds(hbase + gslot * GROUP, GROUP)]
        vc = cidx_v[pl.ds(hbase + gslot * GROUP, GROUP)]
        for j in range(GROUP):
            r = gslot * GROUP + j
            pltpu.async_copy(
                tt_hbm.at[pl.ds(vt[j], 1), :],
                trows_v.at[pl.ds(r, 1), :], sem)
            pltpu.async_copy(
                ct_hbm.at[pl.ds(vc[j], 1), :],
                crows_v.at[pl.ds(r, 1), :], sem)

    def drain(sem):
        for j in range(GROUP):
            pltpu.make_async_copy(
                tt_hbm.at[pl.ds(0, 1), :],
                trows_v.at[pl.ds(j, 1), :], sem).wait()
            pltpu.make_async_copy(
                ct_hbm.at[pl.ds(0, 1), :],
                crows_v.at[pl.ds(j, 1), :], sem).wait()

    def half_body(h, carry):
        hbase = h * hrows

        fire(0, sem_a, hbase)

        def fetch_group(g, carry2):
            even = (g % 2) == 0

            @pl.when(jnp.logical_and(g < ngroups, even))
            def _():
                fire(g, sem_a, hbase)

            @pl.when(jnp.logical_and(g < ngroups, jnp.logical_not(even)))
            def _():
                fire(g, sem_b, hbase)

            @pl.when((g % 2) == 1)
            def _():
                drain(sem_a)

            @pl.when((g % 2) == 0)
            def _():
                drain(sem_b)

            return carry2

        lax.fori_loop(1, ngroups + 1, fetch_group, 0)

        def row_body(r, carry2):
            acc = (trows_v[r, pl.ds(0, LANES)] * crows_v[r, pl.ds(0, LANES)])
            for k in range(1, DIM // LANES):
                acc = acc + (trows_v[r, pl.ds(k * LANES, LANES)]
                             * crows_v[r, pl.ds(k * LANES, LANES)])
            s = jnp.sum(acc)
            plsc.store_scatter(out_v,
                               [jnp.full((LANES,), hbase + r, jnp.int32)],
                               jnp.full((LANES,), s, jnp.float32), mask=lane0)
            return carry2

        lax.fori_loop(0, hrows, row_body, 0, unroll=4)
        return carry

    lax.fori_loop(0, bpw // hrows, half_body, 0)

    pltpu.sync_copy(out_v, out_hbm.at[pl.ds(base, bpw)])


def kernel(target_word, context_words, target_table, context_table):
    b = target_word.shape[0]
    bpw = b // NUM_WORKERS
    mesh = plsc.VectorSubcoreMesh(core_axis_name="c", subcore_axis_name="s")

    sc_call = pl.kernel(
        functools.partial(_sc_body, bpw),
        mesh=mesh,
        compiler_params=pltpu.CompilerParams(
            needs_layout_passes=False, use_tc_tiling_on_sc=True),
        out_type=jax.ShapeDtypeStruct((b,), jnp.float32),
        scratch_types=[
            pltpu.VMEM((bpw,), jnp.int32),
            pltpu.VMEM((bpw,), jnp.int32),
            pltpu.VMEM((bpw // 2, DIM), jnp.float32),
            pltpu.VMEM((bpw // 2, DIM), jnp.float32),
            pltpu.VMEM((bpw,), jnp.float32),
            pltpu.SemaphoreType.DMA,
            pltpu.SemaphoreType.DMA,
        ],
    )
    return sc_call(target_word.astype(jnp.int32),
                   context_words.astype(jnp.int32),
                   target_table, context_table)

# --- scband reference (transcript-rebuilt; emitter-appended) ---
"""Pipeline reference for scband-skip-gram-model-68427418960313 (READ-ONLY COPY).

The authoritative reference and input builder live on the scoring server;
editing this copy changes nothing except your own understanding.
"""

import jax, jax.numpy as jnp
import numpy as np

VOCAB = 1000000
DIM = 64
B = 16384

def setup_inputs(seed: int = 0) -> dict:
    key = jax.random.key(seed)
    k1, k2, k3, k4 = jax.random.split(key, 4)
    target_word = jax.random.randint(k1, (B,), 0, VOCAB, dtype=jnp.int64 if jax.config.jax_enable_x64 else jnp.int32)
    context_words = jax.random.randint(k2, (B,), 0, VOCAB, dtype=jnp.int64 if jax.config.jax_enable_x64 else jnp.int32)
    target_table = jax.random.normal(k3, (VOCAB, DIM), dtype=jnp.float32)
    context_table = jax.random.normal(k4, (VOCAB, DIM), dtype=jnp.float32)
    return {
        "target_word": target_word,
        "context_words": context_words,
        "target_table": target_table,
        "context_table": context_table,
    }

def reference(target_word, context_words, target_table, context_table):
    # Faithful translation of SkipGramModel.forward
    target_embed = jnp.take(target_table, target_word, axis=0)    # [B, D]
    context_embed = jnp.take(context_table, context_words, axis=0)  # [B, D]
    score = jnp.sum(target_embed * context_embed, axis=1)          # [B]
    return score

if __name__ == "__main__":
    import jax
    _d = setup_inputs()
    print(jax.jit(kernel)(*tuple(_d.values())))

</pallas_src>

<mosaic_0001>
#map = affine_map<(d0, d1) -> (0)>
#map1 = affine_map<(d0, d1) -> (0, 0)>
module attributes {stable_mosaic.version = 14 : i64} {
  func.func @_sc_body(%arg0: i32, %arg1: i32, %arg2: memref<16384xi32, #tpu.memory_space<hbm>>, %arg3: memref<16384xi32, #tpu.memory_space<hbm>>, %arg4: memref<1000000x64xf32, #tpu.memory_space<hbm>>, %arg5: memref<1000000x64xf32, #tpu.memory_space<hbm>>, %arg6: memref<16384xf32, #tpu.memory_space<hbm>>, %arg7: memref<512xi32, #tpu.memory_space<vmem>>, %arg8: memref<512xi32, #tpu.memory_space<vmem>>, %arg9: memref<256x64xf32, #tpu.memory_space<vmem>>, %arg10: memref<256x64xf32, #tpu.memory_space<vmem>>, %arg11: memref<512xf32, #tpu.memory_space<vmem>>, %arg12: memref<!tpu.dma_semaphore, #tpu.memory_space<semaphore_mem>>, %arg13: memref<!tpu.dma_semaphore, #tpu.memory_space<semaphore_mem>>) attributes {dimension_semantics = [#tpu.dimension_semantics<core_parallel>, #tpu.dimension_semantics<subcore_parallel>], iteration_bounds = array<i64: 2, 16>, scalar_prefetch = 0 : i64, scratch_operands = 7 : i64, tpu.core_type = #tpu.core_type<sc_vector_subcore>, window_params = [{transform_indices = #map}, {transform_indices = #map}, {transform_indices = #map1}, {transform_indices = #map1}, {transform_indices = #map}]} {
    %mul3A = arith.constant 2 : i32
    %mul3A_0 = arith.muli %arg1, %mul3A : i32
    %add3A = arith.addi %mul3A_0, %arg0 : i32
    %mul3A_1 = arith.constant 512 : i32
    %mul3A_2 = arith.muli %add3A, %mul3A_1 : i32
    "tpu.region"() ({
      %run_scoped3A = tpu.sem_alloc : memref<!tpu.dma_semaphore, #tpu.memory_space<semaphore_mem>>
      %dma_start3A = tpu.memref_slice %arg2[%mul3A_2] : memref<16384xi32, #tpu.memory_space<hbm>> -> memref<512xi32, #tpu.memory_space<hbm>>
      %dma_start3A_10 = tpu.memref_slice %arg2[%mul3A_2] : memref<16384xi32, #tpu.memory_space<hbm>> -> memref<512xi32, #tpu.memory_space<hbm>>
      tpu.enqueue_dma source(%dma_start3A_10 : memref<512xi32, #tpu.memory_space<hbm>>) target(%arg7 : memref<512xi32, #tpu.memory_space<vmem>>) target_semaphore(%run_scoped3A : memref<!tpu.dma_semaphore, #tpu.memory_space<semaphore_mem>>)
      %dma_wait3A = tpu.memref_slice %arg2[%mul3A_2] : memref<16384xi32, #tpu.memory_space<hbm>> -> memref<512xi32, #tpu.memory_space<hbm>>
      %dma_wait3A_11 = tpu.memref_slice %arg2[%mul3A_2] : memref<16384xi32, #tpu.memory_space<hbm>> -> memref<512xi32, #tpu.memory_space<hbm>>
      tpu.wait_dma2 semaphore(%run_scoped3A : memref<!tpu.dma_semaphore, #tpu.memory_space<semaphore_mem>>) src(%dma_wait3A_11 : memref<512xi32, #tpu.memory_space<hbm>>) dst(%arg7 : memref<512xi32, #tpu.memory_space<vmem>>)
      tpu.yield
    }) : () -> ()
    "tpu.region"() ({
      %run_scoped3A = tpu.sem_alloc : memref<!tpu.dma_semaphore, #tpu.memory_space<semaphore_mem>>
      %dma_start3A = tpu.memref_slice %arg3[%mul3A_2] : memref<16384xi32, #tpu.memory_space<hbm>> -> memref<512xi32, #tpu.memory_space<hbm>>
      %dma_start3A_10 = tpu.memref_slice %arg3[%mul3A_2] : memref<16384xi32, #tpu.memory_space<hbm>> -> memref<512xi32, #tpu.memory_space<hbm>>
      tpu.enqueue_dma source(%dma_start3A_10 : memref<512xi32, #tpu.memory_space<hbm>>) target(%arg8 : memref<512xi32, #tpu.memory_space<vmem>>) target_semaphore(%run_scoped3A : memref<!tpu.dma_semaphore, #tpu.memory_space<semaphore_mem>>)
      %dma_wait3A = tpu.memref_slice %arg3[%mul3A_2] : memref<16384xi32, #tpu.memory_space<hbm>> -> memref<512xi32, #tpu.memory_space<hbm>>
      %dma_wait3A_11 = tpu.memref_slice %arg3[%mul3A_2] : memref<16384xi32, #tpu.memory_space<hbm>> -> memref<512xi32, #tpu.memory_space<hbm>>
      tpu.wait_dma2 semaphore(%run_scoped3A : memref<!tpu.dma_semaphore, #tpu.memory_space<semaphore_mem>>) src(%dma_wait3A_11 : memref<512xi32, #tpu.memory_space<hbm>>) dst(%arg8 : memref<512xi32, #tpu.memory_space<vmem>>)
      tpu.yield
    }) : () -> ()
    %iota3A = tpu.iota {dimensions = array<i32: 0>} : vector<16xi32>
    %eq3A = arith.constant 0 : i32
    %eq3A_3 = vector.broadcast %eq3A : i32 to vector<16xi32>
    %eq3A_4 = arith.cmpi eq, %iota3A, %eq3A_3 : vector<16xi32>
    %scan3A = arith.constant 0 : i32
    %scan3A_5 = arith.constant 0 : i32
    %scan3A_6 = arith.constant 2 : i32
    %scan3A_7 = arith.addi %scan3A_5, %scan3A_6 : i32
    %scan3A_8 = arith.constant 1 : i32
    scf.for %scan3A_10 = %scan3A_5 to %scan3A_7 step %scan3A_8  : i32 {
      %mul3A_11 = arith.constant 256 : i32
      %mul3A_12 = arith.muli %scan3A_10, %mul3A_11 : i32
      %add3A_13 = arith.constant 0 : i32
      %add3A_14 = arith.addi %mul3A_12, %add3A_13 : i32
      %get3A = arith.index_cast %add3A_14 : i32 to index
      %get3A_15 = tpu.vector_load %arg7[%get3A] {strides = array<i32>} : memref<512xi32, #tpu.memory_space<vmem>>, vector<16xi32>,
      %add3A_16 = arith.constant 0 : i32
      %add3A_17 = arith.addi %mul3A_12, %add3A_16 : i32
      %get3A_18 = arith.index_cast %add3A_17 : i32 to index
      %get3A_19 = tpu.vector_load %arg8[%get3A_18] {strides = array<i32>} : memref<512xi32, #tpu.memory_space<vmem>>, vector<16xi32>,
      %slice3A = vector.extract_strided_slice %get3A_15 {offsets = [0], sizes = [1], strides = [1]} : vector<16xi32> to vector<1xi32>
      %squeeze3A = vector.extract %slice3A[0] : i32 from vector<1xi32>
      %dma_start3A = arith.constant 0 : i32
      %dma_start3A_20 = arith.constant 0 : i32
      %dma_start3A_21 = tpu.memref_slice %arg9[%dma_start3A, %dma_start3A_20] : memref<256x64xf32, #tpu.memory_space<vmem>> -> memref<1x64xf32, #tpu.memory_space<vmem>>
      %dma_start3A_22 = arith.constant 0 : i32
      %dma_start3A_23 = tpu.memref_slice %arg4[%squeeze3A, %dma_start3A_22] : memref<1000000x64xf32, #tpu.memory_space<hbm>> -> memref<1x64xf32, #tpu.memory_space<hbm>>
      %dma_start3A_24 = arith.constant 0 : i32
      %dma_start3A_25 = arith.constant 0 : i32
      %dma_start3A_26 = tpu.memref_slice %arg9[%dma_start3A_24, %dma_start3A_25] : memref<256x64xf32, #tpu.memory_space<vmem>> -> memref<1x64xf32, #tpu.memory_space<vmem>>
      %dma_start3A_27 = arith.constant 0 : i32
      %dma_start3A_28 = tpu.memref_slice %arg4[%squeeze3A, %dma_start3A_27] : memref<1000000x64xf32, #tpu.memory_space<hbm>> -> memref<1x64xf32, #tpu.memory_space<hbm>>
      tpu.enqueue_dma source(%dma_start3A_28 : memref<1x64xf32, #tpu.memory_space<hbm>>) target(%dma_start3A_26 : memref<1x64xf32, #tpu.memory_space<vmem>>) target_semaphore(%arg12 : memref<!tpu.dma_semaphore, #tpu.memory_space<semaphore_mem>>)
      %slice3A_29 = vector.extract_strided_slice %get3A_19 {offsets = [0], sizes = [1], strides = [1]} : vector<16xi32> to vector<1xi32>
      %squeeze3A_30 = vector.extract %slice3A_29[0] : i32 from vector<1xi32>
      %dma_start3A_31 = arith.constant 0 : i32
      %dma_start3A_32 = arith.constant 0 : i32
      %dma_start3A_33 = tpu.memref_slice %arg10[%dma_start3A_31, %dma_start3A_32] : memref<256x64xf32, #tpu.memory_space<vmem>> -> memref<1x64xf32, #tpu.memory_space<vmem>>
      %dma_start3A_34 = arith.constant 0 : i32
      %dma_start3A_35 = tpu.memref_slice %arg5[%squeeze3A_30, %dma_start3A_34] : memref<1000000x64xf32, #tpu.memory_space<hbm>> -> memref<1x64xf32, #tpu.memory_space<hbm>>
      %dma_start3A_36 = arith.constant 0 : i32
      %dma_start3A_37 = arith.constant 0 : i32
      %dma_start3A_38 = tpu.memref_slice %arg10[%dma_start3A_36, %dma_start3A_37] : memref<256x64xf32, #tpu.memory_space<vmem>> -> memref<1x64xf32, #tpu.memory_space<vmem>>
      %dma_start3A_39 = arith.constant 0 : i32
      %dma_start3A_40 = tpu.memref_slice %arg5[%squeeze3A_30, %dma_start3A_39] : memref<1000000x64xf32, #tpu.memory_space<hbm>> -> memref<1x64xf32, #tpu.memory_space<hbm>>
      tpu.enqueue_dma source(%dma_start3A_40 : memref<1x64xf32, #tpu.memory_space<hbm>>) target(%dma_start3A_38 : memref<1x64xf32, #tpu.memory_space<vmem>>) target_semaphore(%arg12 : memref<!tpu.dma_semaphore, #tpu.memory_space<semaphore_mem>>)
      %slice3A_41 = vector.extract_strided_slice %get3A_15 {offsets = [1], sizes = [1], strides = [1]} : vector<16xi32> to vector<1xi32>
      %squeeze3A_42 = vector.extract %slice3A_41[0] : i32 from vector<1xi32>
      %dma_start3A_43 = arith.constant 1 : i32
      %dma_start3A_44 = arith.constant 0 : i32
      %dma_start3A_45 = tpu.memref_slice %arg9[%dma_start3A_43, %dma_start3A_44] : memref<256x64xf32, #tpu.memory_space<vmem>> -> memref<1x64xf32, #tpu.memory_space<vmem>>
      %dma_start3A_46 = arith.constant 0 : i32
      %dma_start3A_47 = tpu.memref_slice %arg4[%squeeze3A_42, %dma_start3A_46] : memref<1000000x64xf32, #tpu.memory_space<hbm>> -> memref<1x64xf32, #tpu.memory_space<hbm>>
      %dma_start3A_48 = arith.constant 1 : i32
      %dma_start3A_49 = arith.constant 0 : i32
      %dma_start3A_50 = tpu.memref_slice %arg9[%dma_start3A_48, %dma_start3A_49] : memref<256x64xf32, #tpu.memory_space<vmem>> -> memref<1x64xf32, #tpu.memory_space<vmem>>
      %dma_start3A_51 = arith.constant 0 : i32
      %dma_start3A_52 = tpu.memref_slice %arg4[%squeeze3A_42, %dma_start3A_51] : memref<1000000x64xf32, #tpu.memory_space<hbm>> -> memref<1x64xf32, #tpu.memory_space<hbm>>
      tpu.enqueue_dma source(%dma_start3A_52 : memref<1x64xf32, #tpu.memory_space<hbm>>) target(%dma_start3A_50 : memref<1x64xf32, #tpu.memory_space<vmem>>) target_semaphore(%arg12 : memref<!tpu.dma_semaphore, #tpu.memory_space<semaphore_mem>>)
      %slice3A_53 = vector.extract_strided_slice %get3A_19 {offsets = [1], sizes = [1], strides = [1]} : vector<16xi32> to vector<1xi32>
      %squeeze3A_54 = vector.extract %slice3A_53[0] : i32 from vector<1xi32>
      %dma_start3A_55 = arith.constant 1 : i32
      %dma_start3A_56 = arith.constant 0 : i32
      %dma_start3A_57 = tpu.memref_slice %arg10[%dma_start3A_55, %dma_start3A_56] : memref<256x64xf32, #tpu.memory_space<vmem>> -> memref<1x64xf32, #tpu.memory_space<vmem>>
      %dma_start3A_58 = arith.constant 0 : i32
      %dma_start3A_59 = tpu.memref_slice %arg5[%squeeze3A_54, %dma_start3A_58] : memref<1000000x64xf32, #tpu.memory_space<hbm>> -> memref<1x64xf32, #tpu.memory_space<hbm>>
      %dma_start3A_60 = arith.constant 1 : i32
      %dma_start3A_61 = arith.constant 0 : i32
      %dma_start3A_62 = tpu.memref_slice %arg10[%dma_start3A_60, %dma_start3A_61] : memref<256x64xf32, #tpu.memory_space<vmem>> -> memref<1x64xf32, #tpu.memory_space<vmem>>
      %dma_start3A_63 = arith.constant 0 : i32
      %dma_start3A_64 = tpu.memref_slice %arg5[%squeeze3A_54, %dma_start3A_63] : memref<1000000x64xf32, #tpu.memory_space<hbm>> -> memref<1x64xf32, #tpu.memory_space<hbm>>
      tpu.enqueue_dma source(%dma_start3A_64 : memref<1x64xf32, #tpu.memory_space<hbm>>) target(%dma_start3A_62 : memref<1x64xf32, #tpu.memory_space<vmem>>) target_semaphore(%arg12 : memref<!tpu.dma_semaphore, #tpu.memory_space<semaphore_mem>>)
      %slice3A_65 = vector.extract_strided_slice %get3A_15 {offsets = [2], sizes = [1], strides = [1]} : vector<16xi32> to vector<1xi32>
      %squeeze3A_66 = vector.extract %slice3A_65[0] : i32 from vector<1xi32>
      %dma_start3A_67 = arith.constant 2 : i32
      %dma_start3A_68 = arith.constant 0 : i32
      %dma_start3A_69 = tpu.memref_slice %arg9[%dma_start3A_67, %dma_start3A_68] : memref<256x64xf32, #tpu.memory_space<vmem>> -> memref<1x64xf32, #tpu.memory_space<vmem>>
      %dma_start3A_70 = arith.constant 0 : i32
      %dma_start3A_71 = tpu.memref_slice %arg4[%squeeze3A_66, %dma_start3A_70] : memref<1000000x64xf32, #tpu.memory_space<hbm>> -> memref<1x64xf32, #tpu.memory_space<hbm>>
      %dma_start3A_72 = arith.constant 2 : i32
      %dma_start3A_73 = arith.constant 0 : i32
      %dma_start3A_74 = tpu.memref_slice %arg9[%dma_start3A_72, %dma_start3A_73] : memref<256x64xf32, #tpu.memory_space<vmem>> -> memref<1x64xf32, #tpu.memory_space<vmem>>
      %dma_start3A_75 = arith.constant 0 : i32
      %dma_start3A_76 = tpu.memref_slice %arg4[%squeeze3A_66, %dma_start3A_75] : memref<1000000x64xf32, #tpu.memory_space<hbm>> -> memref<1x64xf32, #tpu.memory_space<hbm>>
      tpu.enqueue_dma source(%dma_start3A_76 : memref<1x64xf32, #tpu.memory_space<hbm>>) target(%dma_start3A_74 : memref<1x64xf32, #tpu.memory_space<vmem>>) target_semaphore(%arg12 : memref<!tpu.dma_semaphore, #tpu.memory_space<semaphore_mem>>)
      %slice3A_77 = vector.extract_strided_slice %get3A_19 {offsets = [2], sizes = [1], strides = [1]} : vector<16xi32> to vector<1xi32>
      %squeeze3A_78 = vector.extract %slice3A_77[0] : i32 from vector<1xi32>
      %dma_start3A_79 = arith.constant 2 : i32
      %dma_start3A_80 = arith.constant 0 : i32
      %dma_start3A_81 = tpu.memref_slice %arg10[%dma_start3A_79, %dma_start3A_80] : memref<256x64xf32, #tpu.memory_space<vmem>> -> memref<1x64xf32, #tpu.memory_space<vmem>>
      %dma_start3A_82 = arith.constant 0 : i32
      %dma_start3A_83 = tpu.memref_slice %arg5[%squeeze3A_78, %dma_start3A_82] : memref<1000000x64xf32, #tpu.memory_space<hbm>> -> memref<1x64xf32, #tpu.memory_space<hbm>>
      %dma_start3A_84 = arith.constant 2 : i32
      %dma_start3A_85 = arith.constant 0 : i32
      %dma_start3A_86 = tpu.memref_slice %arg10[%dma_start3A_84, %dma_start3A_85] : memref<256x64xf32, #tpu.memory_space<vmem>> -> memref<1x64xf32, #tpu.memory_space<vmem>>
      %dma_start3A_87 = arith.constant 0 : i32
      %dma_start3A_88 = tpu.memref_slice %arg5[%squeeze3A_78, %dma_start3A_87] : memref<1000000x64xf32, #tpu.memory_space<hbm>> -> memref<1x64xf32, #tpu.memory_space<hbm>>
      tpu.enqueue_dma source(%dma_start3A_88 : memref<1x64xf32, #tpu.memory_space<hbm>>) target(%dma_start3A_86 : memref<1x64xf32, #tpu.memory_space<vmem>>) target_semaphore(%arg12 : memref<!tpu.dma_semaphore, #tpu.memory_space<semaphore_mem>>)
      %slice3A_89 = vector.extract_strided_slice %get3A_15 {offsets = [3], sizes = [1], strides = [1]} : vector<16xi32> to vector<1xi32>
      %squeeze3A_90 = vector.extract %slice3A_89[0] : i32 from vector<1xi32>
      %dma_start3A_91 = arith.constant 3 : i32
      %dma_start3A_92 = arith.constant 0 : i32
      %dma_start3A_93 = tpu.memref_slice %arg9[%dma_start3A_91, %dma_start3A_92] : memref<256x64xf32, #tpu.memory_space<vmem>> -> memref<1x64xf32, #tpu.memory_space<vmem>>
      %dma_start3A_94 = arith.constant 0 : i32
      %dma_start3A_95 = tpu.memref_slice %arg4[%squeeze3A_90, %dma_start3A_94] : memref<1000000x64xf32, #tpu.memory_space<hbm>> -> memref<1x64xf32, #tpu.memory_space<hbm>>
      %dma_start3A_96 = arith.constant 3 : i32
      %dma_start3A_97 = arith.constant 0 : i32
      %dma_start3A_98 = tpu.memref_slice %arg9[%dma_start3A_96, %dma_start3A_97] : memref<256x64xf32, #tpu.memory_space<vmem>> -> memref<1x64xf32, #tpu.memory_space<vmem>>
      %dma_start3A_99 = arith.constant 0 : i32
      %dma_start3A_100 = tpu.memref_slice %arg4[%squeeze3A_90, %dma_start3A_99] : memref<1000000x64xf32, #tpu.memory_space<hbm>> -> memref<1x64xf32, #tpu.memory_space<hbm>>
      tpu.enqueue_dma source(%dma_start3A_100 : memref<1x64xf32, #tpu.memory_space<hbm>>) target(%dma_start3A_98 : memref<1x64xf32, #tpu.memory_space<vmem>>) target_semaphore(%arg12 : memref<!tpu.dma_semaphore, #tpu.memory_space<semaphore_mem>>)
      %slice3A_101 = vector.extract_strided_slice %get3A_19 {offsets = [3], sizes = [1], strides = [1]} : vector<16xi32> to vector<1xi32>
      %squeeze3A_102 = vector.extract %slice3A_101[0] : i32 from vector<1xi32>
      %dma_start3A_103 = arith.constant 3 : i32
      %dma_start3A_104 = arith.constant 0 : i32
      %dma_start3A_105 = tpu.memref_slice %arg10[%dma_start3A_103, %dma_start3A_104] : memref<256x64xf32, #tpu.memory_space<vmem>> -> memref<1x64xf32, #tpu.memory_space<vmem>>
      %dma_start3A_106 = arith.constant 0 : i32
      %dma_start3A_107 = tpu.memref_slice %arg5[%squeeze3A_102, %dma_start3A_106] : memref<1000000x64xf32, #tpu.memory_space<hbm>> -> memref<1x64xf32, #tpu.memory_space<hbm>>
      %dma_start3A_108 = arith.constant 3 : i32
      %dma_start3A_109 = arith.constant 0 : i32
      %dma_start3A_110 = tpu.memref_slice %arg10[%dma_start3A_108, %dma_start3A_109] : memref<256x64xf32, #tpu.memory_space<vmem>> -> memref<1x64xf32, #tpu.memory_space<vmem>>
      %dma_start3A_111 = arith.constant 0 : i32
      %dma_start3A_112 = tpu.memref_slice %arg5[%squeeze3A_102, %dma_start3A_111] : memref<1000000x64xf32, #tpu.memory_space<hbm>> -> memref<1x64xf32, #tpu.memory_space<hbm>>
      tpu.enqueue_dma source(%dma_start3A_112 : memref<1x64xf32, #tpu.memory_space<hbm>>) target(%dma_start3A_110 : memref<1x64xf32, #tpu.memory_space<vmem>>) target_semaphore(%arg12 : memref<!tpu.dma_semaphore, #tpu.memory_space<semaphore_mem>>)
      %slice3A_113 = vector.extract_strided_slice %get3A_15 {offsets = [4], sizes = [1], strides = [1]} : vector<16xi32> to vector<1xi32>
      %squeeze3A_114 = vector.extract %slice3A_113[0] : i32 from vector<1xi32>
      %dma_start3A_115 = arith.constant 4 : i32
      %dma_start3A_116 = arith.constant 0 : i32
      %dma_start3A_117 = tpu.memref_slice %arg9[%dma_start3A_115, %dma_start3A_116] : memref<256x64xf32, #tpu.memory_space<vmem>> -> memref<1x64xf32, #tpu.memory_space<vmem>>
      %dma_start3A_118 = arith.constant 0 : i32
      %dma_start3A_119 = tpu.memref_slice %arg4[%squeeze3A_114, %dma_start3A_118] : memref<1000000x64xf32, #tpu.memory_space<hbm>> -> memref<1x64xf32, #tpu.memory_space<hbm>>
      %dma_start3A_120 = arith.constant 4 : i32
      %dma_start3A_121 = arith.constant 0 : i32
      %dma_start3A_122 = tpu.memref_slice %arg9[%dma_start3A_120, %dma_start3A_121] : memref<256x64xf32, #tpu.memory_space<vmem>> -> memref<1x64xf32, #tpu.memory_space<vmem>>
      %dma_start3A_123 = arith.constant 0 : i32
      %dma_start3A_124 = tpu.memref_slice %arg4[%squeeze3A_114, %dma_start3A_123] : memref<1000000x64xf32, #tpu.memory_space<hbm>> -> memref<1x64xf32, #tpu.memory_space<hbm>>
      tpu.enqueue_dma source(%dma_start3A_124 : memref<1x64xf32, #tpu.memory_space<hbm>>) target(%dma_start3A_122 : memref<1x64xf32, #tpu.memory_space<vmem>>) target_semaphore(%arg12 : memref<!tpu.dma_semaphore, #tpu.memory_space<semaphore_mem>>)
      %slice3A_125 = vector.extract_strided_slice %get3A_19 {offsets = [4], sizes = [1], strides = [1]} : vector<16xi32> to vector<1xi32>
      %squeeze3A_126 = vector.extract %slice3A_125[0] : i32 from vector<1xi32>
      %dma_start3A_127 = arith.constant 4 : i32
      %dma_start3A_128 = arith.constant 0 : i32
      %dma_start3A_129 = tpu.memref_slice %arg10[%dma_start3A_127, %dma_start3A_128] : memref<256x64xf32, #tpu.memory_space<vmem>> -> memref<1x64xf32, #tpu.memory_space<vmem>>
      %dma_start3A_130 = arith.constant 0 : i32
      %dma_start3A_131 = tpu.memref_slice %arg5[%squeeze3A_126, %dma_start3A_130] : memref<1000000x64xf32, #tpu.memory_space<hbm>> -> memref<1x64xf32, #tpu.memory_space<hbm>>
      %dma_start3A_132 = arith.constant 4 : i32
      %dma_start3A_133 = arith.constant 0 : i32
      %dma_start3A_134 = tpu.memref_slice %arg10[%dma_start3A_132, %dma_start3A_133] : memref<256x64xf32, #tpu.memory_space<vmem>> -> memref<1x64xf32, #tpu.memory_space<vmem>>
      %dma_start3A_135 = arith.constant 0 : i32
      %dma_start3A_136 = tpu.memref_slice %arg5[%squeeze3A_126, %dma_start3A_135] : memref<1000000x64xf32, #tpu.memory_space<hbm>> -> memref<1x64xf32, #tpu.memory_space<hbm>>
      tpu.enqueue_dma source(%dma_start3A_136 : memref<1x64xf32, #tpu.memory_space<hbm>>) target(%dma_start3A_134 : memref<1x64xf32, #tpu.memory_space<vmem>>) target_semaphore(%arg12 : memref<!tpu.dma_semaphore, #tpu.memory_space<semaphore_mem>>)
      %slice3A_137 = vector.extract_strided_slice %get3A_15 {offsets = [5], sizes = [1], strides = [1]} : vector<16xi32> to vector<1xi32>
      %squeeze3A_138 = vector.extract %slice3A_137[0] : i32 from vector<1xi32>
      %dma_start3A_139 = arith.constant 5 : i32
      %dma_start3A_140 = arith.constant 0 : i32
      %dma_start3A_141 = tpu.memref_slice %arg9[%dma_start3A_139, %dma_start3A_140] : memref<256x64xf32, #tpu.memory_space<vmem>> -> memref<1x64xf32, #tpu.memory_space<vmem>>
      %dma_start3A_142 = arith.constant 0 : i32
      %dma_start3A_143 = tpu.memref_slice %arg4[%squeeze3A_138, %dma_start3A_142] : memref<1000000x64xf32, #tpu.memory_space<hbm>> -> memref<1x64xf32, #tpu.memory_space<hbm>>
      %dma_start3A_144 = arith.constant 5 : i32
      %dma_start3A_145 = arith.constant 0 : i32
      %dma_start3A_146 = tpu.memref_slice %arg9[%dma_start3A_144, %dma_start3A_145] : memref<256x64xf32, #tpu.memory_space<vmem>> -> memref<1x64xf32, #tpu.memory_space<vmem>>
      %dma_start3A_147 = arith.constant 0 : i32
      %dma_start3A_148 = tpu.memref_slice %arg4[%squeeze3A_138, %dma_start3A_147] : memref<1000000x64xf32, #tpu.memory_space<hbm>> -> memref<1x64xf32, #tpu.memory_space<hbm>>
      tpu.enqueue_dma source(%dma_start3A_148 : memref<1x64xf32, #tpu.memory_space<hbm>>) target(%dma_start3A_146 : memref<1x64xf32, #tpu.memory_space<vmem>>) target_semaphore(%arg12 : memref<!tpu.dma_semaphore, #tpu.memory_space<semaphore_mem>>)
      %slice3A_149 = vector.extract_strided_slice %get3A_19 {offsets = [5], sizes = [1], strides = [1]} : vector<16xi32> to vector<1xi32>
      %squeeze3A_150 = vector.extract %slice3A_149[0] : i32 from vector<1xi32>
      %dma_start3A_151 = arith.constant 5 : i32
      %dma_start3A_152 = arith.constant 0 : i32
      %dma_start3A_153 = tpu.memref_slice %arg10[%dma_start3A_151, %dma_start3A_152] : memref<256x64xf32, #tpu.memory_space<vmem>> -> memref<1x64xf32, #tpu.memory_space<vmem>>
      %dma_start3A_154 = arith.constant 0 : i32
      %dma_start3A_155 = tpu.memref_slice %arg5[%squeeze3A_150, %dma_start3A_154] : memref<1000000x64xf32, #tpu.memory_space<hbm>> -> memref<1x64xf32, #tpu.memory_space<hbm>>
      %dma_start3A_156 = arith.constant 5 : i32
      %dma_start3A_157 = arith.constant 0 : i32
      %dma_start3A_158 = tpu.memref_slice %arg10[%dma_start3A_156, %dma_start3A_157] : memref<256x64xf32, #tpu.memory_space<vmem>> -> memref<1x64xf32, #tpu.memory_space<vmem>>
      %dma_start3A_159 = arith.constant 0 : i32
      %dma_start3A_160 = tpu.memref_slice %arg5[%squeeze3A_150, %dma_start3A_159] : memref<1000000x64xf32, #tpu.memory_space<hbm>> -> memref<1x64xf32, #tpu.memory_space<hbm>>
      tpu.enqueue_dma source(%dma_start3A_160 : memref<1x64xf32, #tpu.memory_space<hbm>>) target(%dma_start3A_158 : memref<1x64xf32, #tpu.memory_space<vmem>>) target_semaphore(%arg12 : memref<!tpu.dma_semaphore, #tpu.memory_space<semaphore_mem>>)
      %slice3A_161 = vector.extract_strided_slice %get3A_15 {offsets = [6], sizes = [1], strides = [1]} : vector<16xi32> to vector<1xi32>
      %squeeze3A_162 = vector.extract %slice3A_161[0] : i32 from vector<1xi32>
      %dma_start3A_163 = arith.constant 6 : i32
      %dma_start3A_164 = arith.constant 0 : i32
      %dma_start3A_165 = tpu.memref_slice %arg9[%dma_start3A_163, %dma_start3A_164] : memref<256x64xf32, #tpu.memory_space<vmem>> -> memref<1x64xf32, #tpu.memory_space<vmem>>
      %dma_start3A_166 = arith.constant 0 : i32
      %dma_start3A_167 = tpu.memref_slice %arg4[%squeeze3A_162, %dma_start3A_166] : memref<1000000x64xf32, #tpu.memory_space<hbm>> -> memref<1x64xf32, #tpu.memory_space<hbm>>
      %dma_start3A_168 = arith.constant 6 : i32
      %dma_start3A_169 = arith.constant 0 : i32
      %dma_start3A_170 = tpu.memref_slice %arg9[%dma_start3A_168, %dma_start3A_169] : memref<256x64xf32, #tpu.memory_space<vmem>> -> memref<1x64xf32, #tpu.memory_space<vmem>>
      %dma_start3A_171 = arith.constant 0 : i32
      %dma_start3A_172 = tpu.memref_slice %arg4[%squeeze3A_162, %dma_start3A_171] : memref<1000000x64xf32, #tpu.memory_space<hbm>> -> memref<1x64xf32, #tpu.memory_space<hbm>>
      tpu.enqueue_dma source(%dma_start3A_172 : memref<1x64xf32, #tpu.memory_space<hbm>>) target(%dma_start3A_170 : memref<1x64xf32, #tpu.memory_space<vmem>>) target_semaphore(%arg12 : memref<!tpu.dma_semaphore, #tpu.memory_space<semaphore_mem>>)
      %slice3A_173 = vector.extract_strided_slice %get3A_19 {offsets = [6], sizes = [1], strides = [1]} : vector<16xi32> to vector<1xi32>
      %squeeze3A_174 = vector.extract %slice3A_173[0] : i32 from vector<1xi32>
      %dma_start3A_175 = arith.constant 6 : i32
      %dma_start3A_176 = arith.constant 0 : i32
      %dma_start3A_177 = tpu.memref_slice %arg10[%dma_start3A_175, %dma_start3A_176] : memref<256x64xf32, #tpu.memory_space<vmem>> -> memref<1x64xf32, #tpu.memory_space<vmem>>
      %dma_start3A_178 = arith.constant 0 : i32
      %dma_start3A_179 = tpu.memref_slice %arg5[%squeeze3A_174, %dma_start3A_178] : memref<1000000x64xf32, #tpu.memory_space<hbm>> -> memref<1x64xf32, #tpu.memory_space<hbm>>
      %dma_start3A_180 = arith.constant 6 : i32
      %dma_start3A_181 = arith.constant 0 : i32
      %dma_start3A_182 = tpu.memref_slice %arg10[%dma_start3A_180, %dma_start3A_181] : memref<256x64xf32, #tpu.memory_space<vmem>> -> memref<1x64xf32, #tpu.memory_space<vmem>>
      %dma_start3A_183 = arith.constant 0 : i32
      %dma_start3A_184 = tpu.memref_slice %arg5[%squeeze3A_174, %dma_start3A_183] : memref<1000000x64xf32, #tpu.memory_space<hbm>> -> memref<1x64xf32, #tpu.memory_space<hbm>>
      tpu.enqueue_dma source(%dma_start3A_184 : memref<1x64xf32, #tpu.memory_space<hbm>>) target(%dma_start3A_182 : memref<1x64xf32, #tpu.memory_space<vmem>>) target_semaphore(%arg12 : memref<!tpu.dma_semaphore, #tpu.memory_space<semaphore_mem>>)
      %slice3A_185 = vector.extract_strided_slice %get3A_15 {offsets = [7], sizes = [1], strides = [1]} : vector<16xi32> to vector<1xi32>
      %squeeze3A_186 = vector.extract %slice3A_185[0] : i32 from vector<1xi32>
      %dma_start3A_187 = arith.constant 7 : i32
      %dma_start3A_188 = arith.constant 0 : i32
      %dma_start3A_189 = tpu.memref_slice %arg9[%dma_start3A_187, %dma_start3A_188] : memref<256x64xf32, #tpu.memory_space<vmem>> -> memref<1x64xf32, #tpu.memory_space<vmem>>
      %dma_start3A_190 = arith.constant 0 : i32
      %dma_start3A_191 = tpu.memref_slice %arg4[%squeeze3A_186, %dma_start3A_190] : memref<1000000x64xf32, #tpu.memory_space<hbm>> -> memref<1x64xf32, #tpu.memory_space<hbm>>
      %dma_start3A_192 = arith.constant 7 : i32
      %dma_start3A_193 = arith.constant 0 : i32
      %dma_start3A_194 = tpu.memref_slice %arg9[%dma_start3A_192, %dma_start3A_193] : memref<256x64xf32, #tpu.memory_space<vmem>> -> memref<1x64xf32, #tpu.memory_space<vmem>>
      %dma_start3A_195 = arith.constant 0 : i32
      %dma_start3A_196 = tpu.memref_slice %arg4[%squeeze3A_186, %dma_start3A_195] : memref<1000000x64xf32, #tpu.memory_space<hbm>> -> memref<1x64xf32, #tpu.memory_space<hbm>>
      tpu.enqueue_dma source(%dma_start3A_196 : memref<1x64xf32, #tpu.memory_space<hbm>>) target(%dma_start3A_194 : memref<1x64xf32, #tpu.memory_space<vmem>>) target_semaphore(%arg12 : memref<!tpu.dma_semaphore, #tpu.memory_space<semaphore_mem>>)
      %slice3A_197 = vector.extract_strided_slice %get3A_19 {offsets = [7], sizes = [1], strides = [1]} : vector<16xi32> to vector<1xi32>
      %squeeze3A_198 = vector.extract %slice3A_197[0] : i32 from vector<1xi32>
      %dma_start3A_199 = arith.constant 7 : i32
      %dma_start3A_200 = arith.constant 0 : i32
      %dma_start3A_201 = tpu.memref_slice %arg10[%dma_start3A_199, %dma_start3A_200] : memref<256x64xf32, #tpu.memory_space<vmem>> -> memref<1x64xf32, #tpu.memory_space<vmem>>
      %dma_start3A_202 = arith.constant 0 : i32
      %dma_start3A_203 = tpu.memref_slice %arg5[%squeeze3A_198, %dma_start3A_202] : memref<1000000x64xf32, #tpu.memory_space<hbm>> -> memref<1x64xf32, #tpu.memory_space<hbm>>
      %dma_start3A_204 = arith.constant 7 : i32
      %dma_start3A_205 = arith.constant 0 : i32
      %dma_start3A_206 = tpu.memref_slice %arg10[%dma_start3A_204, %dma_start3A_205] : memref<256x64xf32, #tpu.memory_space<vmem>> -> memref<1x64xf32, #tpu.memory_space<vmem>>
      %dma_start3A_207 = arith.constant 0 : i32
      %dma_start3A_208 = tpu.memref_slice %arg5[%squeeze3A_198, %dma_start3A_207] : memref<1000000x64xf32, #tpu.memory_space<hbm>> -> memref<1x64xf32, #tpu.memory_space<hbm>>
      tpu.enqueue_dma source(%dma_start3A_208 : memref<1x64xf32, #tpu.memory_space<hbm>>) target(%dma_start3A_206 : memref<1x64xf32, #tpu.memory_space<vmem>>) target_semaphore(%arg12 : memref<!tpu.dma_semaphore, #tpu.memory_space<semaphore_mem>>)
      %slice3A_209 = vector.extract_strided_slice %get3A_15 {offsets = [8], sizes = [1], strides = [1]} : vector<16xi32> to vector<1xi32>
      %squeeze3A_210 = vector.extract %slice3A_209[0] : i32 from vector<1xi32>
      %dma_start3A_211 = arith.constant 8 : i32
      %dma_start3A_212 = arith.constant 0 : i32
      %dma_start3A_213 = tpu.memref_slice %arg9[%dma_start3A_211, %dma_start3A_212] : memref<256x64xf32, #tpu.memory_space<vmem>> -> memref<1x64xf32, #tpu.memory_space<vmem>>
      %dma_start3A_214 = arith.constant 0 : i32
      %dma_start3A_215 = tpu.memref_slice %arg4[%squeeze3A_210, %dma_start3A_214] : memref<1000000x64xf32, #tpu.memory_space<hbm>> -> memref<1x64xf32, #tpu.memory_space<hbm>>
      %dma_start3A_216 = arith.constant 8 : i32
      %dma_start3A_217 = arith.constant 0 : i32
      %dma_start3A_218 = tpu.memref_slice %arg9[%dma_start3A_216, %dma_start3A_217] : memref<256x64xf32, #tpu.memory_space<vmem>> -> memref<1x64xf32, #tpu.memory_space<vmem>>
      %dma_start3A_219 = arith.constant 0 : i32
      %dma_start3A_220 = tpu.memref_slice %arg4[%squeeze3A_210, %dma_start3A_219] : memref<1000000x64xf32, #tpu.memory_space<hbm>> -> memref<1x64xf32, #tpu.memory_space<hbm>>
      tpu.enqueue_dma source(%dma_start3A_220 : memref<1x64xf32, #tpu.memory_space<hbm>>) target(%dma_start3A_218 : memref<1x64xf32, #tpu.memory_space<vmem>>) target_semaphore(%arg12 : memref<!tpu.dma_semaphore, #tpu.memory_space<semaphore_mem>>)
      %slice3A_221 = vector.extract_strided_slice %get3A_19 {offsets = [8], sizes = [1], strides = [1]} : vector<16xi32> to vector<1xi32>
      %squeeze3A_222 = vector.extract %slice3A_221[0] : i32 from vector<1xi32>
      %dma_start3A_223 = arith.constant 8 : i32
      %dma_start3A_224 = arith.constant 0 : i32
      %dma_start3A_225 = tpu.memref_slice %arg10[%dma_start3A_223, %dma_start3A_224] : memref<256x64xf32, #tpu.memory_space<vmem>> -> memref<1x64xf32, #tpu.memory_space<vmem>>
      %dma_start3A_226 = arith.constant 0 : i32
      %dma_start3A_227 = tpu.memref_slice %arg5[%squeeze3A_222, %dma_start3A_226] : memref<1000000x64xf32, #tpu.memory_space<hbm>> -> memref<1x64xf32, #tpu.memory_space<hbm>>
      %dma_start3A_228 = arith.constant 8 : i32
      %dma_start3A_229 = arith.constant 0 : i32
      %dma_start3A_230 = tpu.memref_slice %arg10[%dma_start3A_228, %dma_start3A_229] : memref<256x64xf32, #tpu.memory_space<vmem>> -> memref<1x64xf32, #tpu.memory_space<vmem>>
      %dma_start3A_231 = arith.constant 0 : i32
      %dma_start3A_232 = tpu.memref_slice %arg5[%squeeze3A_222, %dma_start3A_231] : memref<1000000x64xf32, #tpu.memory_space<hbm>> -> memref<1x64xf32, #tpu.memory_space<hbm>>
      tpu.enqueue_dma source(%dma_start3A_232 : memref<1x64xf32, #tpu.memory_space<hbm>>) target(%dma_start3A_230 : memref<1x64xf32, #tpu.memory_space<vmem>>) target_semaphore(%arg12 : memref<!tpu.dma_semaphore, #tpu.memory_space<semaphore_mem>>)
      %slice3A_233 = vector.extract_strided_slice %get3A_15 {offsets = [9], sizes = [1], strides = [1]} : vector<16xi32> to vector<1xi32>
      %squeeze3A_234 = vector.extract %slice3A_233[0] : i32 from vector<1xi32>
      %dma_start3A_235 = arith.constant 9 : i32
      %dma_start3A_236 = arith.constant 0 : i32
      %dma_start3A_237 = tpu.memref_slice %arg9[%dma_start3A_235, %dma_start3A_236] : memref<256x64xf32, #tpu.memory_space<vmem>> -> memref<1x64xf32, #tpu.memory_space<vmem>>
      %dma_start3A_238 = arith.constant 0 : i32
      %dma_start3A_239 = tpu.memref_slice %arg4[%squeeze3A_234, %dma_start3A_238] : memref<1000000x64xf32, #tpu.memory_space<hbm>> -> memref<1x64xf32, #tpu.memory_space<hbm>>
      %dma_start3A_240 = arith.constant 9 : i32
      %dma_start3A_241 = arith.constant 0 : i32
      %dma_start3A_242 = tpu.memref_slice %arg9[%dma_start3A_240, %dma_start3A_241] : memref<256x64xf32, #tpu.memory_space<vmem>> -> memref<1x64xf32, #tpu.memory_space<vmem>>
      %dma_start3A_243 = arith.constant 0 : i32
      %dma_start3A_244 = tpu.memref_slice %arg4[%squeeze3A_234, %dma_start3A_243] : memref<1000000x64xf32, #tpu.memory_space<hbm>> -> memref<1x64xf32, #tpu.memory_space<hbm>>
      tpu.enqueue_dma source(%dma_start3A_244 : memref<1x64xf32, #tpu.memory_space<hbm>>) target(%dma_start3A_242 : memref<1x64xf32, #tpu.memory_space<vmem>>) target_semaphore(%arg12 : memref<!tpu.dma_semaphore, #tpu.memory_space<semaphore_mem>>)
      %slice3A_245 = vector.extract_strided_slice %get3A_19 {offsets = [9], sizes = [1], strides = [1]} : vector<16xi32> to vector<1xi32>
      %squeeze3A_246 = vector.extract %slice3A_245[0] : i32 from vector<1xi32>
      %dma_start3A_247 = arith.constant 9 : i32
      %dma_start3A_248 = arith.constant 0 : i32
      %dma_start3A_249 = tpu.memref_slice %arg10[%dma_start3A_247, %dma_start3A_248] : memref<256x64xf32, #tpu.memory_space<vmem>> -> memref<1x64xf32, #tpu.memory_space<vmem>>
      %dma_start3A_250 = arith.constant 0 : i32
      %dma_start3A_251 = tpu.memref_slice %arg5[%squeeze3A_246, %dma_start3A_250] : memref<1000000x64xf32, #tpu.memory_space<hbm>> -> memref<1x64xf32, #tpu.memory_space<hbm>>
      %dma_start3A_252 = arith.constant 9 : i32
      %dma_start3A_253 = arith.constant 0 : i32
      %dma_start3A_254 = tpu.memref_slice %arg10[%dma_start3A_252, %dma_start3A_253] : memref<256x64xf32, #tpu.memory_space<vmem>> -> memref<1x64xf32, #tpu.memory_space<vmem>>
      %dma_start3A_255 = arith.constant 0 : i32
      %dma_start3A_256 = tpu.memref_slice %arg5[%squeeze3A_246, %dma_start3A_255] : memref<1000000x64xf32, #tpu.memory_space<hbm>> -> memref<1x64xf32, #tpu.memory_space<hbm>>
      tpu.enqueue_dma source(%dma_start3A_256 : memref<1x64xf32, #tpu.memory_space<hbm>>) target(%dma_start3A_254 : memref<1x64xf32, #tpu.memory_space<vmem>>) target_semaphore(%arg12 : memref<!tpu.dma_semaphore, #tpu.memory_space<semaphore_mem>>)
      %slice3A_257 = vector.extract_strided_slice %get3A_15 {offsets = [10], sizes = [1], strides = [1]} : vector<16xi32> to vector<1xi32>
      %squeeze3A_258 = vector.extract %slice3A_257[0] : i32 from vector<1xi32>
      %dma_start3A_259 = arith.constant 10 : i32
      %dma_start3A_260 = arith.constant 0 : i32
      %dma_start3A_261 = tpu.memref_slice %arg9[%dma_start3A_259, %dma_start3A_260] : memref<256x64xf32, #tpu.memory_space<vmem>> -> memref<1x64xf32, #tpu.memory_space<vmem>>
      %dma_start3A_262 = arith.constant 0 : i32
      %dma_start3A_263 = tpu.memref_slice %arg4[%squeeze3A_258, %dma_start3A_262] : memref<1000000x64xf32, #tpu.memory_space<hbm>> -> memref<1x64xf32, #tpu.memory_space<hbm>>
      %dma_start3A_264 = arith.constant 10 : i32
      %dma_start3A_265 = arith.constant 0 : i32
      %dma_start3A_266 = tpu.memref_slice %arg9[%dma_start3A_264, %dma_start3A_265] : memref<256x64xf32, #tpu.memory_space<vmem>> -> memref<1x64xf32, #tpu.memory_space<vmem>>
      %dma_start3A_267 = arith.constant 0 : i32
      %dma_start3A_268 = tpu.memref_slice %arg4[%squeeze3A_258, %dma_start3A_267] : memref<1000000x64xf32, #tpu.memory_space<hbm>> -> memref<1x64xf32, #tpu.memory_space<hbm>>
      tpu.enqueue_dma source(%dma_start3A_268 : memref<1x64xf32, #tpu.memory_space<hbm>>) target(%dma_start3A_266 : memref<1x64xf32, #tpu.memory_space<vmem>>) target_semaphore(%arg12 : memref<!tpu.dma_semaphore, #tpu.memory_space<semaphore_mem>>)
      %slice3A_269 = vector.extract_strided_slice %get3A_19 {offsets = [10], sizes = [1], strides = [1]} : vector<16xi32> to vector<1xi32>
      %squeeze3A_270 = vector.extract %slice3A_269[0] : i32 from vector<1xi32>
      %dma_start3A_271 = arith.constant 10 : i32
      %dma_start3A_272 = arith.constant 0 : i32
      %dma_start3A_273 = tpu.memref_slice %arg10[%dma_start3A_271, %dma_start3A_272] : memref<256x64xf32, #tpu.memory_space<vmem>> -> memref<1x64xf32, #tpu.memory_space<vmem>>
      %dma_start3A_274 = arith.constant 0 : i32
      %dma_start3A_275 = tpu.memref_slice %arg5[%squeeze3A_270, %dma_start3A_274] : memref<1000000x64xf32, #tpu.memory_space<hbm>> -> memref<1x64xf32, #tpu.memory_space<hbm>>
      %dma_start3A_276 = arith.constant 10 : i32
      %dma_start3A_277 = arith.constant 0 : i32
      %dma_start3A_278 = tpu.memref_slice %arg10[%dma_start3A_276, %dma_start3A_277] : memref<256x64xf32, #tpu.memory_space<vmem>> -> memref<1x64xf32, #tpu.memory_space<vmem>>
      %dma_start3A_279 = arith.constant 0 : i32
      %dma_start3A_280 = tpu.memref_slice %arg5[%squeeze3A_270, %dma_start3A_279] : memref<1000000x64xf32, #tpu.memory_space<hbm>> -> memref<1x64xf32, #tpu.memory_space<hbm>>
      tpu.enqueue_dma source(%dma_start3A_280 : memref<1x64xf32, #tpu.memory_space<hbm>>) target(%dma_start3A_278 : memref<1x64xf32, #tpu.memory_space<vmem>>) target_semaphore(%arg12 : memref<!tpu.dma_semaphore, #tpu.memory_space<semaphore_mem>>)
      %slice3A_281 = vector.extract_strided_slice %get3A_15 {offsets = [11], sizes = [1], strides = [1]} : vector<16xi32> to vector<1xi32>
      %squeeze3A_282 = vector.extract %slice3A_281[0] : i32 from vector<1xi32>
      %dma_start3A_283 = arith.constant 11 : i32
      %dma_start3A_284 = arith.constant 0 : i32
      %dma_start3A_285 = tpu.memref_slice %arg9[%dma_start3A_283, %dma_start3A_284] : memref<256x64xf32, #tpu.memory_space<vmem>> -> memref<1x64xf32, #tpu.memory_space<vmem>>
      %dma_start3A_286 = arith.constant 0 : i32
      %dma_start3A_287 = tpu.memref_slice %arg4[%squeeze3A_282, %dma_start3A_286] : memref<1000000x64xf32, #tpu.memory_space<hbm>> -> memref<1x64xf32, #tpu.memory_space<hbm>>
      %dma_start3A_288 = arith.constant 11 : i32
      %dma_start3A_289 = arith.constant 0 : i32
      %dma_start3A_290 = tpu.memref_slice %arg9[%dma_start3A_288, %dma_start3A_289] : memref<256x64xf32, #tpu.memory_space<vmem>> -> memref<1x64xf32, #tpu.memory_space<vmem>>
      %dma_start3A_291 = arith.constant 0 : i32
      %dma_start3A_292 = tpu.memref_slice %arg4[%squeeze3A_282, %dma_start3A_291] : memref<1000000x64xf32, #tpu.memory_space<hbm>> -> memref<1x64xf32, #tpu.memory_space<hbm>>
      tpu.enqueue_dma source(%dma_start3A_292 : memref<1x64xf32, #tpu.memory_space<hbm>>) target(%dma_start3A_290 : memref<1x64xf32, #tpu.memory_space<vmem>>) target_semaphore(%arg12 : memref<!tpu.dma_semaphore, #tpu.memory_space<semaphore_mem>>)
      %slice3A_293 = vector.extract_strided_slice %get3A_19 {offsets = [11], sizes = [1], strides = [1]} : vector<16xi32> to vector<1xi32>
      %squeeze3A_294 = vector.extract %slice3A_293[0] : i32 from vector<1xi32>
      %dma_start3A_295 = arith.constant 11 : i32
      %dma_start3A_296 = arith.constant 0 : i32
      %dma_start3A_297 = tpu.memref_slice %arg10[%dma_start3A_295, %dma_start3A_296] : memref<256x64xf32, #tpu.memory_space<vmem>> -> memref<1x64xf32, #tpu.memory_space<vmem>>
      %dma_start3A_298 = arith.constant 0 : i32
      %dma_start3A_299 = tpu.memref_slice %arg5[%squeeze3A_294, %dma_start3A_298] : memref<1000000x64xf32, #tpu.memory_space<hbm>> -> memref<1x64xf32, #tpu.memory_space<hbm>>
      %dma_start3A_300 = arith.constant 11 : i32
      %dma_start3A_301 = arith.constant 0 : i32
      %dma_start3A_302 = tpu.memref_slice %arg10[%dma_start3A_300, %dma_start3A_301] : memref<256x64xf32, #tpu.memory_space<vmem>> -> memref<1x64xf32, #tpu.memory_space<vmem>>
      %dma_start3A_303 = arith.constant 0 : i32
      %dma_start3A_304 = tpu.memref_slice %arg5[%squeeze3A_294, %dma_start3A_303] : memref<1000000x64xf32, #tpu.memory_space<hbm>> -> memref<1x64xf32, #tpu.memory_space<hbm>>
      tpu.enqueue_dma source(%dma_start3A_304 : memref<1x64xf32, #tpu.memory_space<hbm>>) target(%dma_start3A_302 : memref<1x64xf32, #tpu.memory_space<vmem>>) target_semaphore(%arg12 : memref<!tpu.dma_semaphore, #tpu.memory_space<semaphore_mem>>)
      %slice3A_305 = vector.extract_strided_slice %get3A_15 {offsets = [12], sizes = [1], strides = [1]} : vector<16xi32> to vector<1xi32>
      %squeeze3A_306 = vector.extract %slice3A_305[0] : i32 from vector<1xi32>
      %dma_start3A_307 = arith.constant 12 : i32
      %dma_start3A_308 = arith.constant 0 : i32
      %dma_start3A_309 = tpu.memref_slice %arg9[%dma_start3A_307, %dma_start3A_308] : memref<256x64xf32, #tpu.memory_space<vmem>> -> memref<1x64xf32, #tpu.memory_space<vmem>>
      %dma_start3A_310 = arith.constant 0 : i32
      %dma_start3A_311 = tpu.memref_slice %arg4[%squeeze3A_306, %dma_start3A_310] : memref<1000000x64xf32, #tpu.memory_space<hbm>> -> memref<1x64xf32, #tpu.memory_space<hbm>>
      %dma_start3A_312 = arith.constant 12 : i32
      %dma_start3A_313 = arith.constant 0 : i32
      %dma_start3A_314 = tpu.memref_slice %arg9[%dma_start3A_312, %dma_start3A_313] : memref<256x64xf32, #tpu.memory_space<vmem>> -> memref<1x64xf32, #tpu.memory_space<vmem>>
      %dma_start3A_315 = arith.constant 0 : i32
      %dma_start3A_316 = tpu.memref_slice %arg4[%squeeze3A_306, %dma_start3A_315] : memref<1000000x64xf32, #tpu.memory_space<hbm>> -> memref<1x64xf32, #tpu.memory_space<hbm>>
      tpu.enqueue_dma source(%dma_start3A_316 : memref<1x64xf32, #tpu.memory_space<hbm>>) target(%dma_start3A_314 : memref<1x64xf32, #tpu.memory_space<vmem>>) target_semaphore(%arg12 : memref<!tpu.dma_semaphore, #tpu.memory_space<semaphore_mem>>)
      %slice3A_317 = vector.extract_strided_slice %get3A_19 {offsets = [12], sizes = [1], strides = [1]} : vector<16xi32> to vector<1xi32>
      %squeeze3A_318 = vector.extract %slice3A_317[0] : i32 from vector<1xi32>
      %dma_start3A_319 = arith.constant 12 : i32
      %dma_start3A_320 = arith.constant 0 : i32
      %dma_start3A_321 = tpu.memref_slice %arg10[%dma_start3A_319, %dma_start3A_320] : memref<256x64xf32, #tpu.memory_space<vmem>> -> memref<1x64xf32, #tpu.memory_space<vmem>>
      %dma_start3A_322 = arith.constant 0 : i32
      %dma_start3A_323 = tpu.memref_slice %arg5[%squeeze3A_318, %dma_start3A_322] : memref<1000000x64xf32, #tpu.memory_space<hbm>> -> memref<1x64xf32, #tpu.memory_space<hbm>>
      %dma_start3A_324 = arith.constant 12 : i32
      %dma_start3A_325 = arith.constant 0 : i32
      %dma_start3A_326 = tpu.memref_slice %arg10[%dma_start3A_324, %dma_start3A_325] : memref<256x64xf32, #tpu.memory_space<vmem>> -> memref<1x64xf32, #tpu.memory_space<vmem>>
      %dma_start3A_327 = arith.constant 0 : i32
      %dma_start3A_328 = tpu.memref_slice %arg5[%squeeze3A_318, %dma_start3A_327] : memref<1000000x64xf32, #tpu.memory_space<hbm>> -> memref<1x64xf32, #tpu.memory_space<hbm>>
      tpu.enqueue_dma source(%dma_start3A_328 : memref<1x64xf32, #tpu.memory_space<hbm>>) target(%dma_start3A_326 : memref<1x64xf32, #tpu.memory_space<vmem>>) target_semaphore(%arg12 : memref<!tpu.dma_semaphore, #tpu.memory_space<semaphore_mem>>)
      %slice3A_329 = vector.extract_strided_slice %get3A_15 {offsets = [13], sizes = [1], strides = [1]} : vector<16xi32> to vector<1xi32>
      %squeeze3A_330 = vector.extract %slice3A_329[0] : i32 from vector<1xi32>
      %dma_start3A_331 = arith.constant 13 : i32
      %dma_start3A_332 = arith.constant 0 : i32
      %dma_start3A_333 = tpu.memref_slice %arg9[%dma_start3A_331, %dma_start3A_332] : memref<256x64xf32, #tpu.memory_space<vmem>> -> memref<1x64xf32, #tpu.memory_space<vmem>>
      %dma_start3A_334 = arith.constant 0 : i32
      %dma_start3A_335 = tpu.memref_slice %arg4[%squeeze3A_330, %dma_start3A_334] : memref<1000000x64xf32, #tpu.memory_space<hbm>> -> memref<1x64xf32, #tpu.memory_space<hbm>>
      %dma_start3A_336 = arith.constant 13 : i32
      %dma_start3A_337 = arith.constant 0 : i32
      %dma_start3A_338 = tpu.memref_slice %arg9[%dma_start3A_336, %dma_start3A_337] : memref<256x64xf32, #tpu.memory_space<vmem>> -> memref<1x64xf32, #tpu.memory_space<vmem>>
      %dma_start3A_339 = arith.constant 0 : i32
      %dma_start3A_340 = tpu.memref_slice %arg4[%squeeze3A_330, %dma_start3A_339] : memref<1000000x64xf32, #tpu.memory_space<hbm>> -> memref<1x64xf32, #tpu.memory_space<hbm>>
      tpu.enqueue_dma source(%dma_start3A_340 : memref<1x64xf32, #tpu.memory_space<hbm>>) target(%dma_start3A_338 : memref<1x64xf32, #tpu.memory_space<vmem>>) target_semaphore(%arg12 : memref<!tpu.dma_semaphore, #tpu.memory_space<semaphore_mem>>)
      %slice3A_341 = vector.extract_strided_slice %get3A_19 {offsets = [13], sizes = [1], strides = [1]} : vector<16xi32> to vector<1xi32>
      %squeeze3A_342 = vector.extract %slice3A_341[0] : i32 from vector<1xi32>
      %dma_start3A_343 = arith.constant 13 : i32
      %dma_start3A_344 = arith.constant 0 : i32
      %dma_start3A_345 = tpu.memref_slice %arg10[%dma_start3A_343, %dma_start3A_344] : memref<256x64xf32, #tpu.memory_space<vmem>> -> memref<1x64xf32, #tpu.memory_space<vmem>>
      %dma_start3A_346 = arith.constant 0 : i32
      %dma_start3A_347 = tpu.memref_slice %arg5[%squeeze3A_342, %dma_start3A_346] : memref<1000000x64xf32, #tpu.memory_space<hbm>> -> memref<1x64xf32, #tpu.memory_space<hbm>>
      %dma_start3A_348 = arith.constant 13 : i32
      %dma_start3A_349 = arith.constant 0 : i32
      %dma_start3A_350 = tpu.memref_slice %arg10[%dma_start3A_348, %dma_start3A_349] : memref<256x64xf32, #tpu.memory_space<vmem>> -> memref<1x64xf32, #tpu.memory_space<vmem>>
      %dma_start3A_351 = arith.constant 0 : i32
      %dma_start3A_352 = tpu.memref_slice %arg5[%squeeze3A_342, %dma_start3A_351] : memref<1000000x64xf32, #tpu.memory_space<hbm>> -> memref<1x64xf32, #tpu.memory_space<hbm>>
      tpu.enqueue_dma source(%dma_start3A_352 : memref<1x64xf32, #tpu.memory_space<hbm>>) target(%dma_start3A_350 : memref<1x64xf32, #tpu.memory_space<vmem>>) target_semaphore(%arg12 : memref<!tpu.dma_semaphore, #tpu.memory_space<semaphore_mem>>)
      %slice3A_353 = vector.extract_strided_slice %get3A_15 {offsets = [14], sizes = [1], strides = [1]} : vector<16xi32> to vector<1xi32>
      %squeeze3A_354 = vector.extract %slice3A_353[0] : i32 from vector<1xi32>
      %dma_start3A_355 = arith.constant 14 : i32
      %dma_start3A_356 = arith.constant 0 : i32
      %dma_start3A_357 = tpu.memref_slice %arg9[%dma_start3A_355, %dma_start3A_356] : memref<256x64xf32, #tpu.memory_space<vmem>> -> memref<1x64xf32, #tpu.memory_space<vmem>>
      %dma_start3A_358 = arith.constant 0 : i32
      %dma_start3A_359 = tpu.memref_slice %arg4[%squeeze3A_354, %dma_start3A_358] : memref<1000000x64xf32, #tpu.memory_space<hbm>> -> memref<1x64xf32, #tpu.memory_space<hbm>>
      %dma_start3A_360 = arith.constant 14 : i32
      %dma_start3A_361 = arith.constant 0 : i32
      %dma_start3A_362 = tpu.memref_slice %arg9[%dma_start3A_360, %dma_start3A_361] : memref<256x64xf32, #tpu.memory_space<vmem>> -> memref<1x64xf32, #tpu.memory_space<vmem>>
      %dma_start3A_363 = arith.constant 0 : i32
      %dma_start3A_364 = tpu.memref_slice %arg4[%squeeze3A_354, %dma_start3A_363] : memref<1000000x64xf32, #tpu.memory_space<hbm>> -> memref<1x64xf32, #tpu.memory_space<hbm>>
      tpu.enqueue_dma source(%dma_start3A_364 : memref<1x64xf32, #tpu.memory_space<hbm>>) target(%dma_start3A_362 : memref<1x64xf32, #tpu.memory_space<vmem>>) target_semaphore(%arg12 : memref<!tpu.dma_semaphore, #tpu.memory_space<semaphore_mem>>)
      %slice3A_365 = vector.extract_strided_slice %get3A_19 {offsets = [14], sizes = [1], strides = [1]} : vector<16xi32> to vector<1xi32>
      %squeeze3A_366 = vector.extract %slice3A_365[0] : i32 from vector<1xi32>
      %dma_start3A_367 = arith.constant 14 : i32
      %dma_start3A_368 = arith.constant 0 : i32
      %dma_start3A_369 = tpu.memref_slice %arg10[%dma_start3A_367, %dma_start3A_368] : memref<256x64xf32, #tpu.memory_space<vmem>> -> memref<1x64xf32, #tpu.memory_space<vmem>>
      %dma_start3A_370 = arith.constant 0 : i32
      %dma_start3A_371 = tpu.memref_slice %arg5[%squeeze3A_366, %dma_start3A_370] : memref<1000000x64xf32, #tpu.memory_space<hbm>> -> memref<1x64xf32, #tpu.memory_space<hbm>>
      %dma_start3A_372 = arith.constant 14 : i32
      %dma_start3A_373 = arith.constant 0 : i32
      %dma_start3A_374 = tpu.memref_slice %arg10[%dma_start3A_372, %dma_start3A_373] : memref<256x64xf32, #tpu.memory_space<vmem>> -> memref<1x64xf32, #tpu.memory_space<vmem>>
      %dma_start3A_375 = arith.constant 0 : i32
      %dma_start3A_376 = tpu.memref_slice %arg5[%squeeze3A_366, %dma_start3A_375] : memref<1000000x64xf32, #tpu.memory_space<hbm>> -> memref<1x64xf32, #tpu.memory_space<hbm>>
      tpu.enqueue_dma source(%dma_start3A_376 : memref<1x64xf32, #tpu.memory_space<hbm>>) target(%dma_start3A_374 : memref<1x64xf32, #tpu.memory_space<vmem>>) target_semaphore(%arg12 : memref<!tpu.dma_semaphore, #tpu.memory_space<semaphore_mem>>)
      %slice3A_377 = vector.extract_strided_slice %get3A_15 {offsets = [15], sizes = [1], strides = [1]} : vector<16xi32> to vector<1xi32>
      %squeeze3A_378 = vector.extract %slice3A_377[0] : i32 from vector<1xi32>
      %dma_start3A_379 = arith.constant 15 : i32
      %dma_start3A_380 = arith.constant 0 : i32
      %dma_start3A_381 = tpu.memref_slice %arg9[%dma_start3A_379, %dma_start3A_380] : memref<256x64xf32, #tpu.memory_space<vmem>> -> memref<1x64xf32, #tpu.memory_space<vmem>>
      %dma_start3A_382 = arith.constant 0 : i32
      %dma_start3A_383 = tpu.memref_slice %arg4[%squeeze3A_378, %dma_start3A_382] : memref<1000000x64xf32, #tpu.memory_space<hbm>> -> memref<1x64xf32, #tpu.memory_space<hbm>>
      %dma_start3A_384 = arith.constant 15 : i32
      %dma_start3A_385 = arith.constant 0 : i32
      %dma_start3A_386 = tpu.memref_slice %arg9[%dma_start3A_384, %dma_start3A_385] : memref<256x64xf32, #tpu.memory_space<vmem>> -> memref<1x64xf32, #tpu.memory_space<vmem>>
      %dma_start3A_387 = arith.constant 0 : i32
      %dma_start3A_388 = tpu.memref_slice %arg4[%squeeze3A_378, %dma_start3A_387] : memref<1000000x64xf32, #tpu.memory_space<hbm>> -> memref<1x64xf32, #tpu.memory_space<hbm>>
      tpu.enqueue_dma source(%dma_start3A_388 : memref<1x64xf32, #tpu.memory_space<hbm>>) target(%dma_start3A_386 : memref<1x64xf32, #tpu.memory_space<vmem>>) target_semaphore(%arg12 : memref<!tpu.dma_semaphore, #tpu.memory_space<semaphore_mem>>)
      %slice3A_389 = vector.extract_strided_slice %get3A_19 {offsets = [15], sizes = [1], strides = [1]} : vector<16xi32> to vector<1xi32>
      %squeeze3A_390 = vector.extract %slice3A_389[0] : i32 from vector<1xi32>
      %dma_start3A_391 = arith.constant 15 : i32
      %dma_start3A_392 = arith.constant 0 : i32
      %dma_start3A_393 = tpu.memref_slice %arg10[%dma_start3A_391, %dma_start3A_392] : memref<256x64xf32, #tpu.memory_space<vmem>> -> memref<1x64xf32, #tpu.memory_space<vmem>>
      %dma_start3A_394 = arith.constant 0 : i32
      %dma_start3A_395 = tpu.memref_slice %arg5[%squeeze3A_390, %dma_start3A_394] : memref<1000000x64xf32, #tpu.memory_space<hbm>> -> memref<1x64xf32, #tpu.memory_space<hbm>>
      %dma_start3A_396 = arith.constant 15 : i32
      %dma_start3A_397 = arith.constant 0 : i32
      %dma_start3A_398 = tpu.memref_slice %arg10[%dma_start3A_396, %dma_start3A_397] : memref<256x64xf32, #tpu.memory_space<vmem>> -> memref<1x64xf32, #tpu.memory_space<vmem>>
      %dma_start3A_399 = arith.constant 0 : i32
      %dma_start3A_400 = tpu.memref_slice %arg5[%squeeze3A_390, %dma_start3A_399] : memref<1000000x64xf32, #tpu.memory_space<hbm>> -> memref<1x64xf32, #tpu.memory_space<hbm>>
      tpu.enqueue_dma source(%dma_start3A_400 : memref<1x64xf32, #tpu.memory_space<hbm>>) target(%dma_start3A_398 : memref<1x64xf32, #tpu.memory_space<vmem>>) target_semaphore(%arg12 : memref<!tpu.dma_semaphore, #tpu.memory_space<semaphore_mem>>)
      %scan3A_401 = arith.constant 0 : i32
      %scan3A_402 = arith.constant 1 : i32
      %scan3A_403 = arith.constant 16 : i32
      %scan3A_404 = arith.addi %scan3A_402, %scan3A_403 : i32
      %scan3A_405 = arith.constant 1 : i32
      scf.for %scan3A_413 = %scan3A_402 to %scan3A_404 step %scan3A_405  : i32 {
        %jit3A = arith.constant 2 : i32
        %eq3A_414 = arith.constant 0 : i32
        %eq3A_415 = arith.cmpi eq, %jit3A, %eq3A_414 : i32
        %jit3A_416 = arith.constant 1 : i32
        %select_n3A = arith.select %eq3A_415, %jit3A_416, %jit3A : i32
        %rem3A = arith.remsi %scan3A_413, %select_n3A : i32
        %ne3A = arith.constant 0 : i32
        %ne3A_417 = arith.cmpi ne, %rem3A, %ne3A : i32
        %lt3A = arith.constant 0 : i32
        %lt3A_418 = arith.cmpi slt, %rem3A, %lt3A : i32
        %lt3A_419 = arith.constant 0 : i32
        %lt3A_420 = arith.cmpi slt, %select_n3A, %lt3A_419 : i32
        %ne3A_421 = arith.xori %lt3A_418, %lt3A_420 : i1
        %and3A = arith.andi %ne3A_421, %ne3A_417 : i1
        %add3A_422 = arith.addi %rem3A, %select_n3A : i32
        %select_n3A_423 = arith.select %and3A, %add3A_422, %rem3A : i32
        %eq3A_424 = arith.constant 0 : i32
        %eq3A_425 = arith.cmpi eq, %select_n3A_423, %eq3A_424 : i32
        %lt3A_426 = arith.constant 16 : i32
        %lt3A_427 = arith.cmpi slt, %scan3A_413, %lt3A_426 : i32
        %and3A_428 = arith.andi %lt3A_427, %eq3A_425 : i1
        %convert_element_type3A = arith.extui %and3A_428 : i1 to i32
        %cond3A = arith.constant 0 : i32
        %cond3A_429 = arith.cmpi ne, %convert_element_type3A, %cond3A : i32
        scf.if %cond3A_429 {
          %mul3A_479 = arith.constant 16 : i32
          %mul3A_480 = arith.muli %scan3A_413, %mul3A_479 : i32
          %add3A_481 = arith.addi %mul3A_12, %mul3A_480 : i32
          %get3A_482 = arith.index_cast %add3A_481 : i32 to index
          %get3A_483 = tpu.vector_load %arg7[%get3A_482] {strides = array<i32>} : memref<512xi32, #tpu.memory_space<vmem>>, vector<16xi32>,
          %mul3A_484 = arith.constant 16 : i32
          %mul3A_485 = arith.muli %scan3A_413, %mul3A_484 : i32
          %add3A_486 = arith.addi %mul3A_12, %mul3A_485 : i32
          %get3A_487 = arith.index_cast %add3A_486 : i32 to index
          %get3A_488 = tpu.vector_load %arg8[%get3A_487] {strides = array<i32>} : memref<512xi32, #tpu.memory_space<vmem>>, vector<16xi32>,
          %mul3A_489 = arith.constant 16 : i32
          %mul3A_490 = arith.muli %scan3A_413, %mul3A_489 : i32
          %add3A_491 = arith.constant 0 : i32
          %add3A_492 = arith.addi %mul3A_490, %add3A_491 : i32
          %slice3A_493 = vector.extract_strided_slice %get3A_483 {offsets = [0], sizes = [1], strides = [1]} : vector<16xi32> to vector<1xi32>
          %squeeze3A_494 = vector.extract %slice3A_493[0] : i32 from vector<1xi32>
          %dma_start3A_495 = arith.constant 0 : i32
          %dma_start3A_496 = tpu.memref_slice %arg9[%add3A_492, %dma_start3A_495] : memref<256x64xf32, #tpu.memory_space<vmem>> -> memref<1x64xf32, #tpu.memory_space<vmem>>
          %dma_start3A_497 = arith.constant 0 : i32
          %dma_start3A_498 = tpu.memref_slice %arg4[%squeeze3A_494, %dma_start3A_497] : memref<1000000x64xf32, #tpu.memory_space<hbm>> -> memref<1x64xf32, #tpu.memory_space<hbm>>
          %dma_start3A_499 = arith.constant 0 : i32
          %dma_start3A_500 = tpu.memref_slice %arg9[%add3A_492, %dma_start3A_499] : memref<256x64xf32, #tpu.memory_space<vmem>> -> memref<1x64xf32, #tpu.memory_space<vmem>>
          %dma_start3A_501 = arith.constant 0 : i32
          %dma_start3A_502 = tpu.memref_slice %arg4[%squeeze3A_494, %dma_start3A_501] : memref<1000000x64xf32, #tpu.memory_space<hbm>> -> memref<1x64xf32, #tpu.memory_space<hbm>>
          tpu.enqueue_dma source(%dma_start3A_502 : memref<1x64xf32, #tpu.memory_space<hbm>>) target(%dma_start3A_500 : memref<1x64xf32, #tpu.memory_space<vmem>>) target_semaphore(%arg12 : memref<!tpu.dma_semaphore, #tpu.memory_space<semaphore_mem>>)
          %slice3A_503 = vector.extract_strided_slice %get3A_488 {offsets = [0], sizes = [1], strides = [1]} : vector<16xi32> to vector<1xi32>
          %squeeze3A_504 = vector.extract %slice3A_503[0] : i32 from vector<1xi32>
          %dma_start3A_505 = arith.constant 0 : i32
          %dma_start3A_506 = tpu.memref_slice %arg10[%add3A_492, %dma_start3A_505] : memref<256x64xf32, #tpu.memory_space<vmem>> -> memref<1x64xf32, #tpu.memory_space<vmem>>
          %dma_start3A_507 = arith.constant 0 : i32
          %dma_start3A_508 = tpu.memref_slice %arg5[%squeeze3A_504, %dma_start3A_507] : memref<1000000x64xf32, #tpu.memory_space<hbm>> -> memref<1x64xf32, #tpu.memory_space<hbm>>
          %dma_start3A_509 = arith.constant 0 : i32
          %dma_start3A_510 = tpu.memref_slice %arg10[%add3A_492, %dma_start3A_509] : memref<256x64xf32, #tpu.memory_space<vmem>> -> memref<1x64xf32, #tpu.memory_space<vmem>>
          %dma_start3A_511 = arith.constant 0 : i32
          %dma_start3A_512 = tpu.memref_slice %arg5[%squeeze3A_504, %dma_start3A_511] : memref<1000000x64xf32, #tpu.memory_space<hbm>> -> memref<1x64xf32, #tpu.memory_space<hbm>>
          tpu.enqueue_dma source(%dma_start3A_512 : memref<1x64xf32, #tpu.memory_space<hbm>>) target(%dma_start3A_510 : memref<1x64xf32, #tpu.memory_space<vmem>>) target_semaphore(%arg12 : memref<!tpu.dma_semaphore, #tpu.memory_space<semaphore_mem>>)
          %mul3A_513 = arith.constant 16 : i32
          %mul3A_514 = arith.muli %scan3A_413, %mul3A_513 : i32
          %add3A_515 = arith.constant 1 : i32
          %add3A_516 = arith.addi %mul3A_514, %add3A_515 : i32
          %slice3A_517 = vector.extract_strided_slice %get3A_483 {offsets = [1], sizes = [1], strides = [1]} : vector<16xi32> to vector<1xi32>
          %squeeze3A_518 = vector.extract %slice3A_517[0] : i32 from vector<1xi32>
          %dma_start3A_519 = arith.constant 0 : i32
          %dma_start3A_520 = tpu.memref_slice %arg9[%add3A_516, %dma_start3A_519] : memref<256x64xf32, #tpu.memory_space<vmem>> -> memref<1x64xf32, #tpu.memory_space<vmem>>
          %dma_start3A_521 = arith.constant 0 : i32
          %dma_start3A_522 = tpu.memref_slice %arg4[%squeeze3A_518, %dma_start3A_521] : memref<1000000x64xf32, #tpu.memory_space<hbm>> -> memref<1x64xf32, #tpu.memory_space<hbm>>
          %dma_start3A_523 = arith.constant 0 : i32
          %dma_start3A_524 = tpu.memref_slice %arg9[%add3A_516, %dma_start3A_523] : memref<256x64xf32, #tpu.memory_space<vmem>> -> memref<1x64xf32, #tpu.memory_space<vmem>>
          %dma_start3A_525 = arith.constant 0 : i32
          %dma_start3A_526 = tpu.memref_slice %arg4[%squeeze3A_518, %dma_start3A_525] : memref<1000000x64xf32, #tpu.memory_space<hbm>> -> memref<1x64xf32, #tpu.memory_space<hbm>>
          tpu.enqueue_dma source(%dma_start3A_526 : memref<1x64xf32, #tpu.memory_space<hbm>>) target(%dma_start3A_524 : memref<1x64xf32, #tpu.memory_space<vmem>>) target_semaphore(%arg12 : memref<!tpu.dma_semaphore, #tpu.memory_space<semaphore_mem>>)
          %slice3A_527 = vector.extract_strided_slice %get3A_488 {offsets = [1], sizes = [1], strides = [1]} : vector<16xi32> to vector<1xi32>
          %squeeze3A_528 = vector.extract %slice3A_527[0] : i32 from vector<1xi32>
          %dma_start3A_529 = arith.constant 0 : i32
          %dma_start3A_530 = tpu.memref_slice %arg10[%add3A_516, %dma_start3A_529] : memref<256x64xf32, #tpu.memory_space<vmem>> -> memref<1x64xf32, #tpu.memory_space<vmem>>
          %dma_start3A_531 = arith.constant 0 : i32
          %dma_start3A_532 = tpu.memref_slice %arg5[%squeeze3A_528, %dma_start3A_531] : memref<1000000x64xf32, #tpu.memory_space<hbm>> -> memref<1x64xf32, #tpu.memory_space<hbm>>
          %dma_start3A_533 = arith.constant 0 : i32
          %dma_start3A_534 = tpu.memref_slice %arg10[%add3A_516, %dma_start3A_533] : memref<256x64xf32, #tpu.memory_space<vmem>> -> memref<1x64xf32, #tpu.memory_space<vmem>>
          %dma_start3A_535 = arith.constant 0 : i32
          %dma_start3A_536 = tpu.memref_slice %arg5[%squeeze3A_528, %dma_start3A_535] : memref<1000000x64xf32, #tpu.memory_space<hbm>> -> memref<1x64xf32, #tpu.memory_space<hbm>>
          tpu.enqueue_dma source(%dma_start3A_536 : memref<1x64xf32, #tpu.memory_space<hbm>>) target(%dma_start3A_534 : memref<1x64xf32, #tpu.memory_space<vmem>>) target_semaphore(%arg12 : memref<!tpu.dma_semaphore, #tpu.memory_space<semaphore_mem>>)
          %mul3A_537 = arith.constant 16 : i32
          %mul3A_538 = arith.muli %scan3A_413, %mul3A_537 : i32
          %add3A_539 = arith.constant 2 : i32
          %add3A_540 = arith.addi %mul3A_538, %add3A_539 : i32
          %slice3A_541 = vector.extract_strided_slice %get3A_483 {offsets = [2], sizes = [1], strides = [1]} : vector<16xi32> to vector<1xi32>
          %squeeze3A_542 = vector.extract %slice3A_541[0] : i32 from vector<1xi32>
          %dma_start3A_543 = arith.constant 0 : i32
          %dma_start3A_544 = tpu.memref_slice %arg9[%add3A_540, %dma_start3A_543] : memref<256x64xf32, #tpu.memory_space<vmem>> -> memref<1x64xf32, #tpu.memory_space<vmem>>
          %dma_start3A_545 = arith.constant 0 : i32
          %dma_start3A_546 = tpu.memref_slice %arg4[%squeeze3A_542, %dma_start3A_545] : memref<1000000x64xf32, #tpu.memory_space<hbm>> -> memref<1x64xf32, #tpu.memory_space<hbm>>
          %dma_start3A_547 = arith.constant 0 : i32
          %dma_start3A_548 = tpu.memref_slice %arg9[%add3A_540, %dma_start3A_547] : memref<256x64xf32, #tpu.memory_space<vmem>> -> memref<1x64xf32, #tpu.memory_space<vmem>>
          %dma_start3A_549 = arith.constant 0 : i32
          %dma_start3A_550 = tpu.memref_slice %arg4[%squeeze3A_542, %dma_start3A_549] : memref<1000000x64xf32, #tpu.memory_space<hbm>> -> memref<1x64xf32, #tpu.memory_space<hbm>>
          tpu.enqueue_dma source(%dma_start3A_550 : memref<1x64xf32, #tpu.memory_space<hbm>>) target(%dma_start3A_548 : memref<1x64xf32, #tpu.memory_space<vmem>>) target_semaphore(%arg12 : memref<!tpu.dma_semaphore, #tpu.memory_space<semaphore_mem>>)
          %slice3A_551 = vector.extract_strided_slice %get3A_488 {offsets = [2], sizes = [1], strides = [1]} : vector<16xi32> to vector<1xi32>
          %squeeze3A_552 = vector.extract %slice3A_551[0] : i32 from vector<1xi32>
          %dma_start3A_553 = arith.constant 0 : i32
          %dma_start3A_554 = tpu.memref_slice %arg10[%add3A_540, %dma_start3A_553] : memref<256x64xf32, #tpu.memory_space<vmem>> -> memref<1x64xf32, #tpu.memory_space<vmem>>
          %dma_start3A_555 = arith.constant 0 : i32
          %dma_start3A_556 = tpu.memref_slice %arg5[%squeeze3A_552, %dma_start3A_555] : memref<1000000x64xf32, #tpu.memory_space<hbm>> -> memref<1x64xf32, #tpu.memory_space<hbm>>
          %dma_start3A_557 = arith.constant 0 : i32
          %dma_start3A_558 = tpu.memref_slice %arg10[%add3A_540, %dma_start3A_557] : memref<256x64xf32, #tpu.memory_space<vmem>> -> memref<1x64xf32, #tpu.memory_space<vmem>>
          %dma_start3A_559 = arith.constant 0 : i32
          %dma_start3A_560 = tpu.memref_slice %arg5[%squeeze3A_552, %dma_start3A_559] : memref<1000000x64xf32, #tpu.memory_space<hbm>> -> memref<1x64xf32, #tpu.memory_space<hbm>>
          tpu.enqueue_dma source(%dma_start3A_560 : memref<1x64xf32, #tpu.memory_space<hbm>>) target(%dma_start3A_558 : memref<1x64xf32, #tpu.memory_space<vmem>>) target_semaphore(%arg12 : memref<!tpu.dma_semaphore, #tpu.memory_space<semaphore_mem>>)
          %mul3A_561 = arith.constant 16 : i32
          %mul3A_562 = arith.muli %scan3A_413, %mul3A_561 : i32
          %add3A_563 = arith.constant 3 : i32
          %add3A_564 = arith.addi %mul3A_562, %add3A_563 : i32
          %slice3A_565 = vector.extract_strided_slice %get3A_483 {offsets = [3], sizes = [1], strides = [1]} : vector<16xi32> to vector<1xi32>
          %squeeze3A_566 = vector.extract %slice3A_565[0] : i32 from vector<1xi32>
          %dma_start3A_567 = arith.constant 0 : i32
          %dma_start3A_568 = tpu.memref_slice %arg9[%add3A_564, %dma_start3A_567] : memref<256x64xf32, #tpu.memory_space<vmem>> -> memref<1x64xf32, #tpu.memory_space<vmem>>
          %dma_start3A_569 = arith.constant 0 : i32
          %dma_start3A_570 = tpu.memref_slice %arg4[%squeeze3A_566, %dma_start3A_569] : memref<1000000x64xf32, #tpu.memory_space<hbm>> -> memref<1x64xf32, #tpu.memory_space<hbm>>
          %dma_start3A_571 = arith.constant 0 : i32
          %dma_start3A_572 = tpu.memref_slice %arg9[%add3A_564, %dma_start3A_571] : memref<256x64xf32, #tpu.memory_space<vmem>> -> memref<1x64xf32, #tpu.memory_space<vmem>>
          %dma_start3A_573 = arith.constant 0 : i32
          %dma_start3A_574 = tpu.memref_slice %arg4[%squeeze3A_566, %dma_start3A_573] : memref<1000000x64xf32, #tpu.memory_space<hbm>> -> memref<1x64xf32, #tpu.memory_space<hbm>>
          tpu.enqueue_dma source(%dma_start3A_574 : memref<1x64xf32, #tpu.memory_space<hbm>>) target(%dma_start3A_572 : memref<1x64xf32, #tpu.memory_space<vmem>>) target_semaphore(%arg12 : memref<!tpu.dma_semaphore, #tpu.memory_space<semaphore_mem>>)
          %slice3A_575 = vector.extract_strided_slice %get3A_488 {offsets = [3], sizes = [1], strides = [1]} : vector<16xi32> to vector<1xi32>
          %squeeze3A_576 = vector.extract %slice3A_575[0] : i32 from vector<1xi32>
          %dma_start3A_577 = arith.constant 0 : i32
          %dma_start3A_578 = tpu.memref_slice %arg10[%add3A_564, %dma_start3A_577] : memref<256x64xf32, #tpu.memory_space<vmem>> -> memref<1x64xf32, #tpu.memory_space<vmem>>
          %dma_start3A_579 = arith.constant 0 : i32
          %dma_start3A_580 = tpu.memref_slice %arg5[%squeeze3A_576, %dma_start3A_579] : memref<1000000x64xf32, #tpu.memory_space<hbm>> -> memref<1x64xf32, #tpu.memory_space<hbm>>
          %dma_start3A_581 = arith.constant 0 : i32
          %dma_start3A_582 = tpu.memref_slice %arg10[%add3A_564, %dma_start3A_581] : memref<256x64xf32, #tpu.memory_space<vmem>> -> memref<1x64xf32, #tpu.memory_space<vmem>>
          %dma_start3A_583 = arith.constant 0 : i32
          %dma_start3A_584 = tpu.memref_slice %arg5[%squeeze3A_576, %dma_start3A_583] : memref<1000000x64xf32, #tpu.memory_space<hbm>> -> memref<1x64xf32, #tpu.memory_space<hbm>>
          tpu.enqueue_dma source(%dma_start3A_584 : memref<1x64xf32, #tpu.memory_space<hbm>>) target(%dma_start3A_582 : memref<1x64xf32, #tpu.memory_space<vmem>>) target_semaphore(%arg12 : memref<!tpu.dma_semaphore, #tpu.memory_space<semaphore_mem>>)
          %mul3A_585 = arith.constant 16 : i32
          %mul3A_586 = arith.muli %scan3A_413, %mul3A_585 : i32
          %add3A_587 = arith.constant 4 : i32
          %add3A_588 = arith.addi %mul3A_586, %add3A_587 : i32
          %slice3A_589 = vector.extract_strided_slice %get3A_483 {offsets = [4], sizes = [1], strides = [1]} : vector<16xi32> to vector<1xi32>
          %squeeze3A_590 = vector.extract %slice3A_589[0] : i32 from vector<1xi32>
          %dma_start3A_591 = arith.constant 0 : i32
          %dma_start3A_592 = tpu.memref_slice %arg9[%add3A_588, %dma_start3A_591] : memref<256x64xf32, #tpu.memory_space<vmem>> -> memref<1x64xf32, #tpu.memory_space<vmem>>
          %dma_start3A_593 = arith.constant 0 : i32
          %dma_start3A_594 = tpu.memref_slice %arg4[%squeeze3A_590, %dma_start3A_593] : memref<1000000x64xf32, #tpu.memory_space<hbm>> -> memref<1x64xf32, #tpu.memory_space<hbm>>
          %dma_start3A_595 = arith.constant 0 : i32
          %dma_start3A_596 = tpu.memref_slice %arg9[%add3A_588, %dma_start3A_595] : memref<256x64xf32, #tpu.memory_space<vmem>> -> memref<1x64xf32, #tpu.memory_space<vmem>>
          %dma_start3A_597 = arith.constant 0 : i32
          %dma_start3A_598 = tpu.memref_slice %arg4[%squeeze3A_590, %dma_start3A_597] : memref<1000000x64xf32, #tpu.memory_space<hbm>> -> memref<1x64xf32, #tpu.memory_space<hbm>>
          tpu.enqueue_dma source(%dma_start3A_598 : memref<1x64xf32, #tpu.memory_space<hbm>>) target(%dma_start3A_596 : memref<1x64xf32, #tpu.memory_space<vmem>>) target_semaphore(%arg12 : memref<!tpu.dma_semaphore, #tpu.memory_space<semaphore_mem>>)
          %slice3A_599 = vector.extract_strided_slice %get3A_488 {offsets = [4], sizes = [1], strides = [1]} : vector<16xi32> to vector<1xi32>
          %squeeze3A_600 = vector.extract %slice3A_599[0] : i32 from vector<1xi32>
          %dma_start3A_601 = arith.constant 0 : i32
          %dma_start3A_602 = tpu.memref_slice %arg10[%add3A_588, %dma_start3A_601] : memref<256x64xf32, #tpu.memory_space<vmem>> -> memref<1x64xf32, #tpu.memory_space<vmem>>
          %dma_start3A_603 = arith.constant 0 : i32
          %dma_start3A_604 = tpu.memref_slice %arg5[%squeeze3A_600, %dma_start3A_603] : memref<1000000x64xf32, #tpu.memory_space<hbm>> -> memref<1x64xf32, #tpu.memory_space<hbm>>
          %dma_start3A_605 = arith.constant 0 : i32
          %dma_start3A_606 = tpu.memref_slice %arg10[%add3A_588, %dma_start3A_605] : memref<256x64xf32, #tpu.memory_space<vmem>> -> memref<1x64xf32, #tpu.memory_space<vmem>>
          %dma_start3A_607 = arith.constant 0 : i32
          %dma_start3A_608 = tpu.memref_slice %arg5[%squeeze3A_600, %dma_start3A_607] : memref<1000000x64xf32, #tpu.memory_space<hbm>> -> memref<1x64xf32, #tpu.memory_space<hbm>>
          tpu.enqueue_dma source(%dma_start3A_608 : memref<1x64xf32, #tpu.memory_space<hbm>>) target(%dma_start3A_606 : memref<1x64xf32, #tpu.memory_space<vmem>>) target_semaphore(%arg12 : memref<!tpu.dma_semaphore, #tpu.memory_space<semaphore_mem>>)
          %mul3A_609 = arith.constant 16 : i32
          %mul3A_610 = arith.muli %scan3A_413, %mul3A_609 : i32
          %add3A_611 = arith.constant 5 : i32
          %add3A_612 = arith.addi %mul3A_610, %add3A_611 : i32
          %slice3A_613 = vector.extract_strided_slice %get3A_483 {offsets = [5], sizes = [1], strides = [1]} : vector<16xi32> to vector<1xi32>
          %squeeze3A_614 = vector.extract %slice3A_613[0] : i32 from vector<1xi32>
          %dma_start3A_615 = arith.constant 0 : i32
          %dma_start3A_616 = tpu.memref_slice %arg9[%add3A_612, %dma_start3A_615] : memref<256x64xf32, #tpu.memory_space<vmem>> -> memref<1x64xf32, #tpu.memory_space<vmem>>
          %dma_start3A_617 = arith.constant 0 : i32
          %dma_start3A_618 = tpu.memref_slice %arg4[%squeeze3A_614, %dma_start3A_617] : memref<1000000x64xf32, #tpu.memory_space<hbm>> -> memref<1x64xf32, #tpu.memory_space<hbm>>
          %dma_start3A_619 = arith.constant 0 : i32
          %dma_start3A_620 = tpu.memref_slice %arg9[%add3A_612, %dma_start3A_619] : memref<256x64xf32, #tpu.memory_space<vmem>> -> memref<1x64xf32, #tpu.memory_space<vmem>>
          %dma_start3A_621 = arith.constant 0 : i32
          %dma_start3A_622 = tpu.memref_slice %arg4[%squeeze3A_614, %dma_start3A_621] : memref<1000000x64xf32, #tpu.memory_space<hbm>> -> memref<1x64xf32, #tpu.memory_space<hbm>>
          tpu.enqueue_dma source(%dma_start3A_622 : memref<1x64xf32, #tpu.memory_space<hbm>>) target(%dma_start3A_620 : memref<1x64xf32, #tpu.memory_space<vmem>>) target_semaphore(%arg12 : memref<!tpu.dma_semaphore, #tpu.memory_space<semaphore_mem>>)
          %slice3A_623 = vector.extract_strided_slice %get3A_488 {offsets = [5], sizes = [1], strides = [1]} : vector<16xi32> to vector<1xi32>
          %squeeze3A_624 = vector.extract %slice3A_623[0] : i32 from vector<1xi32>
          %dma_start3A_625 = arith.constant 0 : i32
          %dma_start3A_626 = tpu.memref_slice %arg10[%add3A_612, %dma_start3A_625] : memref<256x64xf32, #tpu.memory_space<vmem>> -> memref<1x64xf32, #tpu.memory_space<vmem>>
          %dma_start3A_627 = arith.constant 0 : i32
          %dma_start3A_628 = tpu.memref_slice %arg5[%squeeze3A_624, %dma_start3A_627] : memref<1000000x64xf32, #tpu.memory_space<hbm>> -> memref<1x64xf32, #tpu.memory_space<hbm>>
          %dma_start3A_629 = arith.constant 0 : i32
          %dma_start3A_630 = tpu.memref_slice %arg10[%add3A_612, %dma_start3A_629] : memref<256x64xf32, #tpu.memory_space<vmem>> -> memref<1x64xf32, #tpu.memory_space<vmem>>
          %dma_start3A_631 = arith.constant 0 : i32
          %dma_start3A_632 = tpu.memref_slice %arg5[%squeeze3A_624, %dma_start3A_631] : memref<1000000x64xf32, #tpu.memory_space<hbm>> -> memref<1x64xf32, #tpu.memory_space<hbm>>
          tpu.enqueue_dma source(%dma_start3A_632 : memref<1x64xf32, #tpu.memory_space<hbm>>) target(%dma_start3A_630 : memref<1x64xf32, #tpu.memory_space<vmem>>) target_semaphore(%arg12 : memref<!tpu.dma_semaphore, #tpu.memory_space<semaphore_mem>>)
          %mul3A_633 = arith.constant 16 : i32
          %mul3A_634 = arith.muli %scan3A_413, %mul3A_633 : i32
          %add3A_635 = arith.constant 6 : i32
          %add3A_636 = arith.addi %mul3A_634, %add3A_635 : i32
          %slice3A_637 = vector.extract_strided_slice %get3A_483 {offsets = [6], sizes = [1], strides = [1]} : vector<16xi32> to vector<1xi32>
          %squeeze3A_638 = vector.extract %slice3A_637[0] : i32 from vector<1xi32>
          %dma_start3A_639 = arith.constant 0 : i32
          %dma_start3A_640 = tpu.memref_slice %arg9[%add3A_636, %dma_start3A_639] : memref<256x64xf32, #tpu.memory_space<vmem>> -> memref<1x64xf32, #tpu.memory_space<vmem>>
          %dma_start3A_641 = arith.constant 0 : i32
          %dma_start3A_642 = tpu.memref_slice %arg4[%squeeze3A_638, %dma_start3A_641] : memref<1000000x64xf32, #tpu.memory_space<hbm>> -> memref<1x64xf32, #tpu.memory_space<hbm>>
          %dma_start3A_643 = arith.constant 0 : i32
          %dma_start3A_644 = tpu.memref_slice %arg9[%add3A_636, %dma_start3A_643] : memref<256x64xf32, #tpu.memory_space<vmem>> -> memref<1x64xf32, #tpu.memory_space<vmem>>
          %dma_start3A_645 = arith.constant 0 : i32
          %dma_start3A_646 = tpu.memref_slice %arg4[%squeeze3A_638, %dma_start3A_645] : memref<1000000x64xf32, #tpu.memory_space<hbm>> -> memref<1x64xf32, #tpu.memory_space<hbm>>
          tpu.enqueue_dma source(%dma_start3A_646 : memref<1x64xf32, #tpu.memory_space<hbm>>) target(%dma_start3A_644 : memref<1x64xf32, #tpu.memory_space<vmem>>) target_semaphore(%arg12 : memref<!tpu.dma_semaphore, #tpu.memory_space<semaphore_mem>>)
          %slice3A_647 = vector.extract_strided_slice %get3A_488 {offsets = [6], sizes = [1], strides = [1]} : vector<16xi32> to vector<1xi32>
          %squeeze3A_648 = vector.extract %slice3A_647[0] : i32 from vector<1xi32>
          %dma_start3A_649 = arith.constant 0 : i32
          %dma_start3A_650 = tpu.memref_slice %arg10[%add3A_636, %dma_start3A_649] : memref<256x64xf32, #tpu.memory_space<vmem>> -> memref<1x64xf32, #tpu.memory_space<vmem>>
          %dma_start3A_651 = arith.constant 0 : i32
          %dma_start3A_652 = tpu.memref_slice %arg5[%squeeze3A_648, %dma_start3A_651] : memref<1000000x64xf32, #tpu.memory_space<hbm>> -> memref<1x64xf32, #tpu.memory_space<hbm>>
          %dma_start3A_653 = arith.constant 0 : i32
          %dma_start3A_654 = tpu.memref_slice %arg10[%add3A_636, %dma_start3A_653] : memref<256x64xf32, #tpu.memory_space<vmem>> -> memref<1x64xf32, #tpu.memory_space<vmem>>
          %dma_start3A_655 = arith.constant 0 : i32
          %dma_start3A_656 = tpu.memref_slice %arg5[%squeeze3A_648, %dma_start3A_655] : memref<1000000x64xf32, #tpu.memory_space<hbm>> -> memref<1x64xf32, #tpu.memory_space<hbm>>
          tpu.enqueue_dma source(%dma_start3A_656 : memref<1x64xf32, #tpu.memory_space<hbm>>) target(%dma_start3A_654 : memref<1x64xf32, #tpu.memory_space<vmem>>) target_semaphore(%arg12 : memref<!tpu.dma_semaphore, #tpu.memory_space<semaphore_mem>>)
          %mul3A_657 = arith.constant 16 : i32
          %mul3A_658 = arith.muli %scan3A_413, %mul3A_657 : i32
          %add3A_659 = arith.constant 7 : i32
          %add3A_660 = arith.addi %mul3A_658, %add3A_659 : i32
          %slice3A_661 = vector.extract_strided_slice %get3A_483 {offsets = [7], sizes = [1], strides = [1]} : vector<16xi32> to vector<1xi32>
          %squeeze3A_662 = vector.extract %slice3A_661[0] : i32 from vector<1xi32>
          %dma_start3A_663 = arith.constant 0 : i32
          %dma_start3A_664 = tpu.memref_slice %arg9[%add3A_660, %dma_start3A_663] : memref<256x64xf32, #tpu.memory_space<vmem>> -> memref<1x64xf32, #tpu.memory_space<vmem>>
          %dma_start3A_665 = arith.constant 0 : i32
          %dma_start3A_666 = tpu.memref_slice %arg4[%squeeze3A_662, %dma_start3A_665] : memref<1000000x64xf32, #tpu.memory_space<hbm>> -> memref<1x64xf32, #tpu.memory_space<hbm>>
          %dma_start3A_667 = arith.constant 0 : i32
          %dma_start3A_668 = tpu.memref_slice %arg9[%add3A_660, %dma_start3A_667] : memref<256x64xf32, #tpu.memory_space<vmem>> -> memref<1x64xf32, #tpu.memory_space<vmem>>
          %dma_start3A_669 = arith.constant 0 : i32
          %dma_start3A_670 = tpu.memref_slice %arg4[%squeeze3A_662, %dma_start3A_669] : memref<1000000x64xf32, #tpu.memory_space<hbm>> -> memref<1x64xf32, #tpu.memory_space<hbm>>
          tpu.enqueue_dma source(%dma_start3A_670 : memref<1x64xf32, #tpu.memory_space<hbm>>) target(%dma_start3A_668 : memref<1x64xf32, #tpu.memory_space<vmem>>) target_semaphore(%arg12 : memref<!tpu.dma_semaphore, #tpu.memory_space<semaphore_mem>>)
          %slice3A_671 = vector.extract_strided_slice %get3A_488 {offsets = [7], sizes = [1], strides = [1]} : vector<16xi32> to vector<1xi32>
          %squeeze3A_672 = vector.extract %slice3A_671[0] : i32 from vector<1xi32>
          %dma_start3A_673 = arith.constant 0 : i32
          %dma_start3A_674 = tpu.memref_slice %arg10[%add3A_660, %dma_start3A_673] : memref<256x64xf32, #tpu.memory_space<vmem>> -> memref<1x64xf32, #tpu.memory_space<vmem>>
          %dma_start3A_675 = arith.constant 0 : i32
          %dma_start3A_676 = tpu.memref_slice %arg5[%squeeze3A_672, %dma_start3A_675] : memref<1000000x64xf32, #tpu.memory_space<hbm>> -> memref<1x64xf32, #tpu.memory_space<hbm>>
          %dma_start3A_677 = arith.constant 0 : i32
          %dma_start3A_678 = tpu.memref_slice %arg10[%add3A_660, %dma_start3A_677] : memref<256x64xf32, #tpu.memory_space<vmem>> -> memref<1x64xf32, #tpu.memory_space<vmem>>
          %dma_start3A_679 = arith.constant 0 : i32
          %dma_start3A_680 = tpu.memref_slice %arg5[%squeeze3A_672, %dma_start3A_679] : memref<1000000x64xf32, #tpu.memory_space<hbm>> -> memref<1x64xf32, #tpu.memory_space<hbm>>
          tpu.enqueue_dma source(%dma_start3A_680 : memref<1x64xf32, #tpu.memory_space<hbm>>) target(%dma_start3A_678 : memref<1x64xf32, #tpu.memory_space<vmem>>) target_semaphore(%arg12 : memref<!tpu.dma_semaphore, #tpu.memory_space<semaphore_mem>>)
          %mul3A_681 = arith.constant 16 : i32
          %mul3A_682 = arith.muli %scan3A_413, %mul3A_681 : i32
          %add3A_683 = arith.constant 8 : i32
          %add3A_684 = arith.addi %mul3A_682, %add3A_683 : i32
          %slice3A_685 = vector.extract_strided_slice %get3A_483 {offsets = [8], sizes = [1], strides = [1]} : vector<16xi32> to vector<1xi32>
          %squeeze3A_686 = vector.extract %slice3A_685[0] : i32 from vector<1xi32>
          %dma_start3A_687 = arith.constant 0 : i32
          %dma_start3A_688 = tpu.memref_slice %arg9[%add3A_684, %dma_start3A_687] : memref<256x64xf32, #tpu.memory_space<vmem>> -> memref<1x64xf32, #tpu.memory_space<vmem>>
          %dma_start3A_689 = arith.constant 0 : i32
          %dma_start3A_690 = tpu.memref_slice %arg4[%squeeze3A_686, %dma_start3A_689] : memref<1000000x64xf32, #tpu.memory_space<hbm>> -> memref<1x64xf32, #tpu.memory_space<hbm>>
          %dma_start3A_691 = arith.constant 0 : i32
          %dma_start3A_692 = tpu.memref_slice %arg9[%add3A_684, %dma_start3A_691] : memref<256x64xf32, #tpu.memory_space<vmem>> -> memref<1x64xf32, #tpu.memory_space<vmem>>
          %dma_start3A_693 = arith.constant 0 : i32
          %dma_start3A_694 = tpu.memref_slice %arg4[%squeeze3A_686, %dma_start3A_693] : memref<1000000x64xf32, #tpu.memory_space<hbm>> -> memref<1x64xf32, #tpu.memory_space<hbm>>
          tpu.enqueue_dma source(%dma_start3A_694 : memref<1x64xf32, #tpu.memory_space<hbm>>) target(%dma_start3A_692 : memref<1x64xf32, #tpu.memory_space<vmem>>) target_semaphore(%arg12 : memref<!tpu.dma_semaphore, #tpu.memory_space<semaphore_mem>>)
          %slice3A_695 = vector.extract_strided_slice %get3A_488 {offsets = [8], sizes = [1], strides = [1]} : vector<16xi32> to vector<1xi32>
          %squeeze3A_696 = vector.extract %slice3A_695[0] : i32 from vector<1xi32>
          %dma_start3A_697 = arith.constant 0 : i32
          %dma_start3A_698 = tpu.memref_slice %arg10[%add3A_684, %dma_start3A_697] : memref<256x64xf32, #tpu.memory_space<vmem>> -> memref<1x64xf32, #tpu.memory_space<vmem>>
          %dma_start3A_699 = arith.constant 0 : i32
          %dma_start3A_700 = tpu.memref_slice %arg5[%squeeze3A_696, %dma_start3A_699] : memref<1000000x64xf32, #tpu.memory_space<hbm>> -> memref<1x64xf32, #tpu.memory_space<hbm>>
          %dma_start3A_701 = arith.constant 0 : i32
          %dma_start3A_702 = tpu.memref_slice %arg10[%add3A_684, %dma_start3A_701] : memref<256x64xf32, #tpu.memory_space<vmem>> -> memref<1x64xf32, #tpu.memory_space<vmem>>
          %dma_start3A_703 = arith.constant 0 : i32
          %dma_start3A_704 = tpu.memref_slice %arg5[%squeeze3A_696, %dma_start3A_703] : memref<1000000x64xf32, #tpu.memory_space<hbm>> -> memref<1x64xf32, #tpu.memory_space<hbm>>
          tpu.enqueue_dma source(%dma_start3A_704 : memref<1x64xf32, #tpu.memory_space<hbm>>) target(%dma_start3A_702 : memref<1x64xf32, #tpu.memory_space<vmem>>) target_semaphore(%arg12 : memref<!tpu.dma_semaphore, #tpu.memory_space<semaphore_mem>>)
          %mul3A_705 = arith.constant 16 : i32
          %mul3A_706 = arith.muli %scan3A_413, %mul3A_705 : i32
          %add3A_707 = arith.constant 9 : i32
          %add3A_708 = arith.addi %mul3A_706, %add3A_707 : i32
          %slice3A_709 = vector.extract_strided_slice %get3A_483 {offsets = [9], sizes = [1], strides = [1]} : vector<16xi32> to vector<1xi32>
          %squeeze3A_710 = vector.extract %slice3A_709[0] : i32 from vector<1xi32>
          %dma_start3A_711 = arith.constant 0 : i32
          %dma_start3A_712 = tpu.memref_slice %arg9[%add3A_708, %dma_start3A_711] : memref<256x64xf32, #tpu.memory_space<vmem>> -> memref<1x64xf32, #tpu.memory_space<vmem>>
          %dma_start3A_713 = arith.constant 0 : i32
          %dma_start3A_714 = tpu.memref_slice %arg4[%squeeze3A_710, %dma_start3A_713] : memref<1000000x64xf32, #tpu.memory_space<hbm>> -> memref<1x64xf32, #tpu.memory_space<hbm>>
          %dma_start3A_715 = arith.constant 0 : i32
          %dma_start3A_716 = tpu.memref_slice %arg9[%add3A_708, %dma_start3A_715] : memref<256x64xf32, #tpu.memory_space<vmem>> -> memref<1x64xf32, #tpu.memory_space<vmem>>
          %dma_start3A_717 = arith.constant 0 : i32
          %dma_start3A_718 = tpu.memref_slice %arg4[%squeeze3A_710, %dma_start3A_717] : memref<1000000x64xf32, #tpu.memory_space<hbm>> -> memref<1x64xf32, #tpu.memory_space<hbm>>
          tpu.enqueue_dma source(%dma_start3A_718 : memref<1x64xf32, #tpu.memory_space<hbm>>) target(%dma_start3A_716 : memref<1x64xf32, #tpu.memory_space<vmem>>) target_semaphore(%arg12 : memref<!tpu.dma_semaphore, #tpu.memory_space<semaphore_mem>>)
          %slice3A_719 = vector.extract_strided_slice %get3A_488 {offsets = [9], sizes = [1], strides = [1]} : vector<16xi32> to vector<1xi32>
          %squeeze3A_720 = vector.extract %slice3A_719[0] : i32 from vector<1xi32>
          %dma_start3A_721 = arith.constant 0 : i32
          %dma_start3A_722 = tpu.memref_slice %arg10[%add3A_708, %dma_start3A_721] : memref<256x64xf32, #tpu.memory_space<vmem>> -> memref<1x64xf32, #tpu.memory_space<vmem>>
          %dma_start3A_723 = arith.constant 0 : i32
          %dma_start3A_724 = tpu.memref_slice %arg5[%squeeze3A_720, %dma_start3A_723] : memref<1000000x64xf32, #tpu.memory_space<hbm>> -> memref<1x64xf32, #tpu.memory_space<hbm>>
          %dma_start3A_725 = arith.constant 0 : i32
          %dma_start3A_726 = tpu.memref_slice %arg10[%add3A_708, %dma_start3A_725] : memref<256x64xf32, #tpu.memory_space<vmem>> -> memref<1x64xf32, #tpu.memory_space<vmem>>
          %dma_start3A_727 = arith.constant 0 : i32
          %dma_start3A_728 = tpu.memref_slice %arg5[%squeeze3A_720, %dma_start3A_727] : memref<1000000x64xf32, #tpu.memory_space<hbm>> -> memref<1x64xf32, #tpu.memory_space<hbm>>
          tpu.enqueue_dma source(%dma_start3A_728 : memref<1x64xf32, #tpu.memory_space<hbm>>) target(%dma_start3A_726 : memref<1x64xf32, #tpu.memory_space<vmem>>) target_semaphore(%arg12 : memref<!tpu.dma_semaphore, #tpu.memory_space<semaphore_mem>>)
          %mul3A_729 = arith.constant 16 : i32
          %mul3A_730 = arith.muli %scan3A_413, %mul3A_729 : i32
          %add3A_731 = arith.constant 10 : i32
          %add3A_732 = arith.addi %mul3A_730, %add3A_731 : i32
          %slice3A_733 = vector.extract_strided_slice %get3A_483 {offsets = [10], sizes = [1], strides = [1]} : vector<16xi32> to vector<1xi32>
          %squeeze3A_734 = vector.extract %slice3A_733[0] : i32 from vector<1xi32>
          %dma_start3A_735 = arith.constant 0 : i32
          %dma_start3A_736 = tpu.memref_slice %arg9[%add3A_732, %dma_start3A_735] : memref<256x64xf32, #tpu.memory_space<vmem>> -> memref<1x64xf32, #tpu.memory_space<vmem>>
          %dma_start3A_737 = arith.constant 0 : i32
          %dma_start3A_738 = tpu.memref_slice %arg4[%squeeze3A_734, %dma_start3A_737] : memref<1000000x64xf32, #tpu.memory_space<hbm>> -> memref<1x64xf32, #tpu.memory_space<hbm>>
          %dma_start3A_739 = arith.constant 0 : i32
          %dma_start3A_740 = tpu.memref_slice %arg9[%add3A_732, %dma_start3A_739] : memref<256x64xf32, #tpu.memory_space<vmem>> -> memref<1x64xf32, #tpu.memory_space<vmem>>
          %dma_start3A_741 = arith.constant 0 : i32
          %dma_start3A_742 = tpu.memref_slice %arg4[%squeeze3A_734, %dma_start3A_741] : memref<1000000x64xf32, #tpu.memory_space<hbm>> -> memref<1x64xf32, #tpu.memory_space<hbm>>
          tpu.enqueue_dma source(%dma_start3A_742 : memref<1x64xf32, #tpu.memory_space<hbm>>) target(%dma_start3A_740 : memref<1x64xf32, #tpu.memory_space<vmem>>) target_semaphore(%arg12 : memref<!tpu.dma_semaphore, #tpu.memory_space<semaphore_mem>>)
          %slice3A_743 = vector.extract_strided_slice %get3A_488 {offsets = [10], sizes = [1], strides = [1]} : vector<16xi32> to vector<1xi32>
          %squeeze3A_744 = vector.extract %slice3A_743[0] : i32 from vector<1xi32>
          %dma_start3A_745 = arith.constant 0 : i32
          %dma_start3A_746 = tpu.memref_slice %arg10[%add3A_732, %dma_start3A_745] : memref<256x64xf32, #tpu.memory_space<vmem>> -> memref<1x64xf32, #tpu.memory_space<vmem>>
          %dma_start3A_747 = arith.constant 0 : i32
          %dma_start3A_748 = tpu.memref_slice %arg5[%squeeze3A_744, %dma_start3A_747] : memref<1000000x64xf32, #tpu.memory_space<hbm>> -> memref<1x64xf32, #tpu.memory_space<hbm>>
          %dma_start3A_749 = arith.constant 0 : i32
          %dma_start3A_750 = tpu.memref_slice %arg10[%add3A_732, %dma_start3A_749] : memref<256x64xf32, #tpu.memory_space<vmem>> -> memref<1x64xf32, #tpu.memory_space<vmem>>
          %dma_start3A_751 = arith.constant 0 : i32
          %dma_start3A_752 = tpu.memref_slice %arg5[%squeeze3A_744, %dma_start3A_751] : memref<1000000x64xf32, #tpu.memory_space<hbm>> -> memref<1x64xf32, #tpu.memory_space<hbm>>
          tpu.enqueue_dma source(%dma_start3A_752 : memref<1x64xf32, #tpu.memory_space<hbm>>) target(%dma_start3A_750 : memref<1x64xf32, #tpu.memory_space<vmem>>) target_semaphore(%arg12 : memref<!tpu.dma_semaphore, #tpu.memory_space<semaphore_mem>>)
          %mul3A_753 = arith.constant 16 : i32
          %mul3A_754 = arith.muli %scan3A_413, %mul3A_753 : i32
          %add3A_755 = arith.constant 11 : i32
          %add3A_756 = arith.addi %mul3A_754, %add3A_755 : i32
          %slice3A_757 = vector.extract_strided_slice %get3A_483 {offsets = [11], sizes = [1], strides = [1]} : vector<16xi32> to vector<1xi32>
          %squeeze3A_758 = vector.extract %slice3A_757[0] : i32 from vector<1xi32>
          %dma_start3A_759 = arith.constant 0 : i32
          %dma_start3A_760 = tpu.memref_slice %arg9[%add3A_756, %dma_start3A_759] : memref<256x64xf32, #tpu.memory_space<vmem>> -> memref<1x64xf32, #tpu.memory_space<vmem>>
          %dma_start3A_761 = arith.constant 0 : i32
          %dma_start3A_762 = tpu.memref_slice %arg4[%squeeze3A_758, %dma_start3A_761] : memref<1000000x64xf32, #tpu.memory_space<hbm>> -> memref<1x64xf32, #tpu.memory_space<hbm>>
          %dma_start3A_763 = arith.constant 0 : i32
          %dma_start3A_764 = tpu.memref_slice %arg9[%add3A_756, %dma_start3A_763] : memref<256x64xf32, #tpu.memory_space<vmem>> -> memref<1x64xf32, #tpu.memory_space<vmem>>
          %dma_start3A_765 = arith.constant 0 : i32
          %dma_start3A_766 = tpu.memref_slice %arg4[%squeeze3A_758, %dma_start3A_765] : memref<1000000x64xf32, #tpu.memory_space<hbm>> -> memref<1x64xf32, #tpu.memory_space<hbm>>
          tpu.enqueue_dma source(%dma_start3A_766 : memref<1x64xf32, #tpu.memory_space<hbm>>) target(%dma_start3A_764 : memref<1x64xf32, #tpu.memory_space<vmem>>) target_semaphore(%arg12 : memref<!tpu.dma_semaphore, #tpu.memory_space<semaphore_mem>>)
          %slice3A_767 = vector.extract_strided_slice %get3A_488 {offsets = [11], sizes = [1], strides = [1]} : vector<16xi32> to vector<1xi32>
          %squeeze3A_768 = vector.extract %slice3A_767[0] : i32 from vector<1xi32>
          %dma_start3A_769 = arith.constant 0 : i32
          %dma_start3A_770 = tpu.memref_slice %arg10[%add3A_756, %dma_start3A_769] : memref<256x64xf32, #tpu.memory_space<vmem>> -> memref<1x64xf32, #tpu.memory_space<vmem>>
          %dma_start3A_771 = arith.constant 0 : i32
          %dma_start3A_772 = tpu.memref_slice %arg5[%squeeze3A_768, %dma_start3A_771] : memref<1000000x64xf32, #tpu.memory_space<hbm>> -> memref<1x64xf32, #tpu.memory_space<hbm>>
          %dma_start3A_773 = arith.constant 0 : i32
          %dma_start3A_774 = tpu.memref_slice %arg10[%add3A_756, %dma_start3A_773] : memref<256x64xf32, #tpu.memory_space<vmem>> -> memref<1x64xf32, #tpu.memory_space<vmem>>
          %dma_start3A_775 = arith.constant 0 : i32
          %dma_start3A_776 = tpu.memref_slice %arg5[%squeeze3A_768, %dma_start3A_775] : memref<1000000x64xf32, #tpu.memory_space<hbm>> -> memref<1x64xf32, #tpu.memory_space<hbm>>
          tpu.enqueue_dma source(%dma_start3A_776 : memref<1x64xf32, #tpu.memory_space<hbm>>) target(%dma_start3A_774 : memref<1x64xf32, #tpu.memory_space<vmem>>) target_semaphore(%arg12 : memref<!tpu.dma_semaphore, #tpu.memory_space<semaphore_mem>>)
          %mul3A_777 = arith.constant 16 : i32
          %mul3A_778 = arith.muli %scan3A_413, %mul3A_777 : i32
          %add3A_779 = arith.constant 12 : i32
          %add3A_780 = arith.addi %mul3A_778, %add3A_779 : i32
          %slice3A_781 = vector.extract_strided_slice %get3A_483 {offsets = [12], sizes = [1], strides = [1]} : vector<16xi32> to vector<1xi32>
          %squeeze3A_782 = vector.extract %slice3A_781[0] : i32 from vector<1xi32>
          %dma_start3A_783 = arith.constant 0 : i32
          %dma_start3A_784 = tpu.memref_slice %arg9[%add3A_780, %dma_start3A_783] : memref<256x64xf32, #tpu.memory_space<vmem>> -> memref<1x64xf32, #tpu.memory_space<vmem>>
          %dma_start3A_785 = arith.constant 0 : i32
          %dma_start3A_786 = tpu.memref_slice %arg4[%squeeze3A_782, %dma_start3A_785] : memref<1000000x64xf32, #tpu.memory_space<hbm>> -> memref<1x64xf32, #tpu.memory_space<hbm>>
          %dma_start3A_787 = arith.constant 0 : i32
          %dma_start3A_788 = tpu.memref_slice %arg9[%add3A_780, %dma_start3A_787] : memref<256x64xf32, #tpu.memory_space<vmem>> -> memref<1x64xf32, #tpu.memory_space<vmem>>
          %dma_start3A_789 = arith.constant 0 : i32
          %dma_start3A_790 = tpu.memref_slice %arg4[%squeeze3A_782, %dma_start3A_789] : memref<1000000x64xf32, #tpu.memory_space<hbm>> -> memref<1x64xf32, #tpu.memory_space<hbm>>
          tpu.enqueue_dma source(%dma_start3A_790 : memref<1x64xf32, #tpu.memory_space<hbm>>) target(%dma_start3A_788 : memref<1x64xf32, #tpu.memory_space<vmem>>) target_semaphore(%arg12 : memref<!tpu.dma_semaphore, #tpu.memory_space<semaphore_mem>>)
          %slice3A_791 = vector.extract_strided_slice %get3A_488 {offsets = [12], sizes = [1], strides = [1]} : vector<16xi32> to vector<1xi32>
          %squeeze3A_792 = vector.extract %slice3A_791[0] : i32 from vector<1xi32>
          %dma_start3A_793 = arith.constant 0 : i32
          %dma_start3A_794 = tpu.memref_slice %arg10[%add3A_780, %dma_start3A_793] : memref<256x64xf32, #tpu.memory_space<vmem>> -> memref<1x64xf32, #tpu.memory_space<vmem>>
          %dma_start3A_795 = arith.constant 0 : i32
          %dma_start3A_796 = tpu.memref_slice %arg5[%squeeze3A_792, %dma_start3A_795] : memref<1000000x64xf32, #tpu.memory_space<hbm>> -> memref<1x64xf32, #tpu.memory_space<hbm>>
          %dma_start3A_797 = arith.constant 0 : i32
          %dma_start3A_798 = tpu.memref_slice %arg10[%add3A_780, %dma_start3A_797] : memref<256x64xf32, #tpu.memory_space<vmem>> -> memref<1x64xf32, #tpu.memory_space<vmem>>
          %dma_start3A_799 = arith.constant 0 : i32
          %dma_start3A_800 = tpu.memref_slice %arg5[%squeeze3A_792, %dma_start3A_799] : memref<1000000x64xf32, #tpu.memory_space<hbm>> -> memref<1x64xf32, #tpu.memory_space<hbm>>
          tpu.enqueue_dma source(%dma_start3A_800 : memref<1x64xf32, #tpu.memory_space<hbm>>) target(%dma_start3A_798 : memref<1x64xf32, #tpu.memory_space<vmem>>) target_semaphore(%arg12 : memref<!tpu.dma_semaphore, #tpu.memory_space<semaphore_mem>>)
          %mul3A_801 = arith.constant 16 : i32
          %mul3A_802 = arith.muli %scan3A_413, %mul3A_801 : i32
          %add3A_803 = arith.constant 13 : i32
          %add3A_804 = arith.addi %mul3A_802, %add3A_803 : i32
          %slice3A_805 = vector.extract_strided_slice %get3A_483 {offsets = [13], sizes = [1], strides = [1]} : vector<16xi32> to vector<1xi32>
          %squeeze3A_806 = vector.extract %slice3A_805[0] : i32 from vector<1xi32>
          %dma_start3A_807 = arith.constant 0 : i32
          %dma_start3A_808 = tpu.memref_slice %arg9[%add3A_804, %dma_start3A_807] : memref<256x64xf32, #tpu.memory_space<vmem>> -> memref<1x64xf32, #tpu.memory_space<vmem>>
          %dma_start3A_809 = arith.constant 0 : i32
          %dma_start3A_810 = tpu.memref_slice %arg4[%squeeze3A_806, %dma_start3A_809] : memref<1000000x64xf32, #tpu.memory_space<hbm>> -> memref<1x64xf32, #tpu.memory_space<hbm>>
          %dma_start3A_811 = arith.constant 0 : i32
          %dma_start3A_812 = tpu.memref_slice %arg9[%add3A_804, %dma_start3A_811] : memref<256x64xf32, #tpu.memory_space<vmem>> -> memref<1x64xf32, #tpu.memory_space<vmem>>
          %dma_start3A_813 = arith.constant 0 : i32
          %dma_start3A_814 = tpu.memref_slice %arg4[%squeeze3A_806, %dma_start3A_813] : memref<1000000x64xf32, #tpu.memory_space<hbm>> -> memref<1x64xf32, #tpu.memory_space<hbm>>
          tpu.enqueue_dma source(%dma_start3A_814 : memref<1x64xf32, #tpu.memory_space<hbm>>) target(%dma_start3A_812 : memref<1x64xf32, #tpu.memory_space<vmem>>) target_semaphore(%arg12 : memref<!tpu.dma_semaphore, #tpu.memory_space<semaphore_mem>>)
          %slice3A_815 = vector.extract_strided_slice %get3A_488 {offsets = [13], sizes = [1], strides = [1]} : vector<16xi32> to vector<1xi32>
          %squeeze3A_816 = vector.extract %slice3A_815[0] : i32 from vector<1xi32>
          %dma_start3A_817 = arith.constant 0 : i32
          %dma_start3A_818 = tpu.memref_slice %arg10[%add3A_804, %dma_start3A_817] : memref<256x64xf32, #tpu.memory_space<vmem>> -> memref<1x64xf32, #tpu.memory_space<vmem>>
          %dma_start3A_819 = arith.constant 0 : i32
          %dma_start3A_820 = tpu.memref_slice %arg5[%squeeze3A_816, %dma_start3A_819] : memref<1000000x64xf32, #tpu.memory_space<hbm>> -> memref<1x64xf32, #tpu.memory_space<hbm>>
          %dma_start3A_821 = arith.constant 0 : i32
          %dma_start3A_822 = tpu.memref_slice %arg10[%add3A_804, %dma_start3A_821] : memref<256x64xf32, #tpu.memory_space<vmem>> -> memref<1x64xf32, #tpu.memory_space<vmem>>
          %dma_start3A_823 = arith.constant 0 : i32
          %dma_start3A_824 = tpu.memref_slice %arg5[%squeeze3A_816, %dma_start3A_823] : memref<1000000x64xf32, #tpu.memory_space<hbm>> -> memref<1x64xf32, #tpu.memory_space<hbm>>
          tpu.enqueue_dma source(%dma_start3A_824 : memref<1x64xf32, #tpu.memory_space<hbm>>) target(%dma_start3A_822 : memref<1x64xf32, #tpu.memory_space<vmem>>) target_semaphore(%arg12 : memref<!tpu.dma_semaphore, #tpu.memory_space<semaphore_mem>>)
          %mul3A_825 = arith.constant 16 : i32
          %mul3A_826 = arith.muli %scan3A_413, %mul3A_825 : i32
          %add3A_827 = arith.constant 14 : i32
          %add3A_828 = arith.addi %mul3A_826, %add3A_827 : i32
          %slice3A_829 = vector.extract_strided_slice %get3A_483 {offsets = [14], sizes = [1], strides = [1]} : vector<16xi32> to vector<1xi32>
          %squeeze3A_830 = vector.extract %slice3A_829[0] : i32 from vector<1xi32>
          %dma_start3A_831 = arith.constant 0 : i32
          %dma_start3A_832 = tpu.memref_slice %arg9[%add3A_828, %dma_start3A_831] : memref<256x64xf32, #tpu.memory_space<vmem>> -> memref<1x64xf32, #tpu.memory_space<vmem>>
          %dma_start3A_833 = arith.constant 0 : i32
          %dma_start3A_834 = tpu.memref_slice %arg4[%squeeze3A_830, %dma_start3A_833] : memref<1000000x64xf32, #tpu.memory_space<hbm>> -> memref<1x64xf32, #tpu.memory_space<hbm>>
          %dma_start3A_835 = arith.constant 0 : i32
          %dma_start3A_836 = tpu.memref_slice %arg9[%add3A_828, %dma_start3A_835] : memref<256x64xf32, #tpu.memory_space<vmem>> -> memref<1x64xf32, #tpu.memory_space<vmem>>
          %dma_start3A_837 = arith.constant 0 : i32
          %dma_start3A_838 = tpu.memref_slice %arg4[%squeeze3A_830, %dma_start3A_837] : memref<1000000x64xf32, #tpu.memory_space<hbm>> -> memref<1x64xf32, #tpu.memory_space<hbm>>
          tpu.enqueue_dma source(%dma_start3A_838 : memref<1x64xf32, #tpu.memory_space<hbm>>) target(%dma_start3A_836 : memref<1x64xf32, #tpu.memory_space<vmem>>) target_semaphore(%arg12 : memref<!tpu.dma_semaphore, #tpu.memory_space<semaphore_mem>>)
          %slice3A_839 = vector.extract_strided_slice %get3A_488 {offsets = [14], sizes = [1], strides = [1]} : vector<16xi32> to vector<1xi32>
          %squeeze3A_840 = vector.extract %slice3A_839[0] : i32 from vector<1xi32>
          %dma_start3A_841 = arith.constant 0 : i32
          %dma_start3A_842 = tpu.memref_slice %arg10[%add3A_828, %dma_start3A_841] : memref<256x64xf32, #tpu.memory_space<vmem>> -> memref<1x64xf32, #tpu.memory_space<vmem>>
          %dma_start3A_843 = arith.constant 0 : i32
          %dma_start3A_844 = tpu.memref_slice %arg5[%squeeze3A_840, %dma_start3A_843] : memref<1000000x64xf32, #tpu.memory_space<hbm>> -> memref<1x64xf32, #tpu.memory_space<hbm>>
          %dma_start3A_845 = arith.constant 0 : i32
          %dma_start3A_846 = tpu.memref_slice %arg10[%add3A_828, %dma_start3A_845] : memref<256x64xf32, #tpu.memory_space<vmem>> -> memref<1x64xf32, #tpu.memory_space<vmem>>
          %dma_start3A_847 = arith.constant 0 : i32
          %dma_start3A_848 = tpu.memref_slice %arg5[%squeeze3A_840, %dma_start3A_847] : memref<1000000x64xf32, #tpu.memory_space<hbm>> -> memref<1x64xf32, #tpu.memory_space<hbm>>
          tpu.enqueue_dma source(%dma_start3A_848 : memref<1x64xf32, #tpu.memory_space<hbm>>) target(%dma_start3A_846 : memref<1x64xf32, #tpu.memory_space<vmem>>) target_semaphore(%arg12 : memref<!tpu.dma_semaphore, #tpu.memory_space<semaphore_mem>>)
          %mul3A_849 = arith.constant 16 : i32
          %mul3A_850 = arith.muli %scan3A_413, %mul3A_849 : i32
          %add3A_851 = arith.constant 15 : i32
          %add3A_852 = arith.addi %mul3A_850, %add3A_851 : i32
          %slice3A_853 = vector.extract_strided_slice %get3A_483 {offsets = [15], sizes = [1], strides = [1]} : vector<16xi32> to vector<1xi32>
          %squeeze3A_854 = vector.extract %slice3A_853[0] : i32 from vector<1xi32>
          %dma_start3A_855 = arith.constant 0 : i32
          %dma_start3A_856 = tpu.memref_slice %arg9[%add3A_852, %dma_start3A_855] : memref<256x64xf32, #tpu.memory_space<vmem>> -> memref<1x64xf32, #tpu.memory_space<vmem>>
          %dma_start3A_857 = arith.constant 0 : i32
          %dma_start3A_858 = tpu.memref_slice %arg4[%squeeze3A_854, %dma_start3A_857] : memref<1000000x64xf32, #tpu.memory_space<hbm>> -> memref<1x64xf32, #tpu.memory_space<hbm>>
          %dma_start3A_859 = arith.constant 0 : i32
          %dma_start3A_860 = tpu.memref_slice %arg9[%add3A_852, %dma_start3A_859] : memref<256x64xf32, #tpu.memory_space<vmem>> -> memref<1x64xf32, #tpu.memory_space<vmem>>
          %dma_start3A_861 = arith.constant 0 : i32
          %dma_start3A_862 = tpu.memref_slice %arg4[%squeeze3A_854, %dma_start3A_861] : memref<1000000x64xf32, #tpu.memory_space<hbm>> -> memref<1x64xf32, #tpu.memory_space<hbm>>
          tpu.enqueue_dma source(%dma_start3A_862 : memref<1x64xf32, #tpu.memory_space<hbm>>) target(%dma_start3A_860 : memref<1x64xf32, #tpu.memory_space<vmem>>) target_semaphore(%arg12 : memref<!tpu.dma_semaphore, #tpu.memory_space<semaphore_mem>>)
          %slice3A_863 = vector.extract_strided_slice %get3A_488 {offsets = [15], sizes = [1], strides = [1]} : vector<16xi32> to vector<1xi32>
          %squeeze3A_864 = vector.extract %slice3A_863[0] : i32 from vector<1xi32>
          %dma_start3A_865 = arith.constant 0 : i32
          %dma_start3A_866 = tpu.memref_slice %arg10[%add3A_852, %dma_start3A_865] : memref<256x64xf32, #tpu.memory_space<vmem>> -> memref<1x64xf32, #tpu.memory_space<vmem>>
          %dma_start3A_867 = arith.constant 0 : i32
          %dma_start3A_868 = tpu.memref_slice %arg5[%squeeze3A_864, %dma_start3A_867] : memref<1000000x64xf32, #tpu.memory_space<hbm>> -> memref<1x64xf32, #tpu.memory_space<hbm>>
          %dma_start3A_869 = arith.constant 0 : i32
          %dma_start3A_870 = tpu.memref_slice %arg10[%add3A_852, %dma_start3A_869] : memref<256x64xf32, #tpu.memory_space<vmem>> -> memref<1x64xf32, #tpu.memory_space<vmem>>
          %dma_start3A_871 = arith.constant 0 : i32
          %dma_start3A_872 = tpu.memref_slice %arg5[%squeeze3A_864, %dma_start3A_871] : memref<1000000x64xf32, #tpu.memory_space<hbm>> -> memref<1x64xf32, #tpu.memory_space<hbm>>
          tpu.enqueue_dma source(%dma_start3A_872 : memref<1x64xf32, #tpu.memory_space<hbm>>) target(%dma_start3A_870 : memref<1x64xf32, #tpu.memory_space<vmem>>) target_semaphore(%arg12 : memref<!tpu.dma_semaphore, #tpu.memory_space<semaphore_mem>>)
        } else {
        }
        %lt3A_430 = arith.constant 16 : i32
        %lt3A_431 = arith.cmpi slt, %scan3A_413, %lt3A_430 : i32
        %not3A = arith.constant true
        %not3A_432 = arith.xori %eq3A_425, %not3A : i1
        %and3A_433 = arith.andi %lt3A_431, %not3A_432 : i1
        %convert_element_type3A_434 = arith.extui %and3A_433 : i1 to i32
        %cond3A_435 = arith.constant 0 : i32
        %cond3A_436 = arith.cmpi ne, %convert_element_type3A_434, %cond3A_435 : i32
        scf.if %cond3A_436 {
          %mul3A_479 = arith.constant 16 : i32
          %mul3A_480 = arith.muli %scan3A_413, %mul3A_479 : i32
          %add3A_481 = arith.addi %mul3A_12, %mul3A_480 : i32
          %get3A_482 = arith.index_cast %add3A_481 : i32 to index
          %get3A_483 = tpu.vector_load %arg7[%get3A_482] {strides = array<i32>} : memref<512xi32, #tpu.memory_space<vmem>>, vector<16xi32>,
          %mul3A_484 = arith.constant 16 : i32
          %mul3A_485 = arith.muli %scan3A_413, %mul3A_484 : i32
          %add3A_486 = arith.addi %mul3A_12, %mul3A_485 : i32
          %get3A_487 = arith.index_cast %add3A_486 : i32 to index
          %get3A_488 = tpu.vector_load %arg8[%get3A_487] {strides = array<i32>} : memref<512xi32, #tpu.memory_space<vmem>>, vector<16xi32>,
          %mul3A_489 = arith.constant 16 : i32
          %mul3A_490 = arith.muli %scan3A_413, %mul3A_489 : i32
          %add3A_491 = arith.constant 0 : i32
          %add3A_492 = arith.addi %mul3A_490, %add3A_491 : i32
          %slice3A_493 = vector.extract_strided_slice %get3A_483 {offsets = [0], sizes = [1], strides = [1]} : vector<16xi32> to vector<1xi32>
          %squeeze3A_494 = vector.extract %slice3A_493[0] : i32 from vector<1xi32>
          %dma_start3A_495 = arith.constant 0 : i32
          %dma_start3A_496 = tpu.memref_slice %arg9[%add3A_492, %dma_start3A_495] : memref<256x64xf32, #tpu.memory_space<vmem>> -> memref<1x64xf32, #tpu.memory_space<vmem>>
          %dma_start3A_497 = arith.constant 0 : i32
          %dma_start3A_498 = tpu.memref_slice %arg4[%squeeze3A_494, %dma_start3A_497] : memref<1000000x64xf32, #tpu.memory_space<hbm>> -> memref<1x64xf32, #tpu.memory_space<hbm>>
          %dma_start3A_499 = arith.constant 0 : i32
          %dma_start3A_500 = tpu.memref_slice %arg9[%add3A_492, %dma_start3A_499] : memref<256x64xf32, #tpu.memory_space<vmem>> -> memref<1x64xf32, #tpu.memory_space<vmem>>
          %dma_start3A_501 = arith.constant 0 : i32
          %dma_start3A_502 = tpu.memref_slice %arg4[%squeeze3A_494, %dma_start3A_501] : memref<1000000x64xf32, #tpu.memory_space<hbm>> -> memref<1x64xf32, #tpu.memory_space<hbm>>
          tpu.enqueue_dma source(%dma_start3A_502 : memref<1x64xf32, #tpu.memory_space<hbm>>) target(%dma_start3A_500 : memref<1x64xf32, #tpu.memory_space<vmem>>) target_semaphore(%arg13 : memref<!tpu.dma_semaphore, #tpu.memory_space<semaphore_mem>>)
          %slice3A_503 = vector.extract_strided_slice %get3A_488 {offsets = [0], sizes = [1], strides = [1]} : vector<16xi32> to vector<1xi32>
          %squeeze3A_504 = vector.extract %slice3A_503[0] : i32 from vector<1xi32>
          %dma_start3A_505 = arith.constant 0 : i32
          %dma_start3A_506 = tpu.memref_slice %arg10[%add3A_492, %dma_start3A_505] : memref<256x64xf32, #tpu.memory_space<vmem>> -> memref<1x64xf32, #tpu.memory_space<vmem>>
          %dma_start3A_507 = arith.constant 0 : i32
          %dma_start3A_508 = tpu.memref_slice %arg5[%squeeze3A_504, %dma_start3A_507] : memref<1000000x64xf32, #tpu.memory_space<hbm>> -> memref<1x64xf32, #tpu.memory_space<hbm>>
          %dma_start3A_509 = arith.constant 0 : i32
          %dma_start3A_510 = tpu.memref_slice %arg10[%add3A_492, %dma_start3A_509] : memref<256x64xf32, #tpu.memory_space<vmem>> -> memref<1x64xf32, #tpu.memory_space<vmem>>
          %dma_start3A_511 = arith.constant 0 : i32
          %dma_start3A_512 = tpu.memref_slice %arg5[%squeeze3A_504, %dma_start3A_511] : memref<1000000x64xf32, #tpu.memory_space<hbm>> -> memref<1x64xf32, #tpu.memory_space<hbm>>
          tpu.enqueue_dma source(%dma_start3A_512 : memref<1x64xf32, #tpu.memory_space<hbm>>) target(%dma_start3A_510 : memref<1x64xf32, #tpu.memory_space<vmem>>) target_semaphore(%arg13 : memref<!tpu.dma_semaphore, #tpu.memory_space<semaphore_mem>>)
          %mul3A_513 = arith.constant 16 : i32
          %mul3A_514 = arith.muli %scan3A_413, %mul3A_513 : i32
          %add3A_515 = arith.constant 1 : i32
          %add3A_516 = arith.addi %mul3A_514, %add3A_515 : i32
          %slice3A_517 = vector.extract_strided_slice %get3A_483 {offsets = [1], sizes = [1], strides = [1]} : vector<16xi32> to vector<1xi32>
          %squeeze3A_518 = vector.extract %slice3A_517[0] : i32 from vector<1xi32>
          %dma_start3A_519 = arith.constant 0 : i32
          %dma_start3A_520 = tpu.memref_slice %arg9[%add3A_516, %dma_start3A_519] : memref<256x64xf32, #tpu.memory_space<vmem>> -> memref<1x64xf32, #tpu.memory_space<vmem>>
          %dma_start3A_521 = arith.constant 0 : i32
          %dma_start3A_522 = tpu.memref_slice %arg4[%squeeze3A_518, %dma_start3A_521] : memref<1000000x64xf32, #tpu.memory_space<hbm>> -> memref<1x64xf32, #tpu.memory_space<hbm>>
          %dma_start3A_523 = arith.constant 0 : i32
          %dma_start3A_524 = tpu.memref_slice %arg9[%add3A_516, %dma_start3A_523] : memref<256x64xf32, #tpu.memory_space<vmem>> -> memref<1x64xf32, #tpu.memory_space<vmem>>
          %dma_start3A_525 = arith.constant 0 : i32
          %dma_start3A_526 = tpu.memref_slice %arg4[%squeeze3A_518, %dma_start3A_525] : memref<1000000x64xf32, #tpu.memory_space<hbm>> -> memref<1x64xf32, #tpu.memory_space<hbm>>
          tpu.enqueue_dma source(%dma_start3A_526 : memref<1x64xf32, #tpu.memory_space<hbm>>) target(%dma_start3A_524 : memref<1x64xf32, #tpu.memory_space<vmem>>) target_semaphore(%arg13 : memref<!tpu.dma_semaphore, #tpu.memory_space<semaphore_mem>>)
          %slice3A_527 = vector.extract_strided_slice %get3A_488 {offsets = [1], sizes = [1], strides = [1]} : vector<16xi32> to vector<1xi32>
          %squeeze3A_528 = vector.extract %slice3A_527[0] : i32 from vector<1xi32>
          %dma_start3A_529 = arith.constant 0 : i32
          %dma_start3A_530 = tpu.memref_slice %arg10[%add3A_516, %dma_start3A_529] : memref<256x64xf32, #tpu.memory_space<vmem>> -> memref<1x64xf32, #tpu.memory_space<vmem>>
          %dma_start3A_531 = arith.constant 0 : i32
          %dma_start3A_532 = tpu.memref_slice %arg5[%squeeze3A_528, %dma_start3A_531] : memref<1000000x64xf32, #tpu.memory_space<hbm>> -> memref<1x64xf32, #tpu.memory_space<hbm>>
          %dma_start3A_533 = arith.constant 0 : i32
          %dma_start3A_534 = tpu.memref_slice %arg10[%add3A_516, %dma_start3A_533] : memref<256x64xf32, #tpu.memory_space<vmem>> -> memref<1x64xf32, #tpu.memory_space<vmem>>
          %dma_start3A_535 = arith.constant 0 : i32
          %dma_start3A_536 = tpu.memref_slice %arg5[%squeeze3A_528, %dma_start3A_535] : memref<1000000x64xf32, #tpu.memory_space<hbm>> -> memref<1x64xf32, #tpu.memory_space<hbm>>
          tpu.enqueue_dma source(%dma_start3A_536 : memref<1x64xf32, #tpu.memory_space<hbm>>) target(%dma_start3A_534 : memref<1x64xf32, #tpu.memory_space<vmem>>) target_semaphore(%arg13 : memref<!tpu.dma_semaphore, #tpu.memory_space<semaphore_mem>>)
          %mul3A_537 = arith.constant 16 : i32
          %mul3A_538 = arith.muli %scan3A_413, %mul3A_537 : i32
          %add3A_539 = arith.constant 2 : i32
          %add3A_540 = arith.addi %mul3A_538, %add3A_539 : i32
          %slice3A_541 = vector.extract_strided_slice %get3A_483 {offsets = [2], sizes = [1], strides = [1]} : vector<16xi32> to vector<1xi32>
          %squeeze3A_542 = vector.extract %slice3A_541[0] : i32 from vector<1xi32>
          %dma_start3A_543 = arith.constant 0 : i32
          %dma_start3A_544 = tpu.memref_slice %arg9[%add3A_540, %dma_start3A_543] : memref<256x64xf32, #tpu.memory_space<vmem>> -> memref<1x64xf32, #tpu.memory_space<vmem>>
          %dma_start3A_545 = arith.constant 0 : i32
          %dma_start3A_546 = tpu.memref_slice %arg4[%squeeze3A_542, %dma_start3A_545] : memref<1000000x64xf32, #tpu.memory_space<hbm>> -> memref<1x64xf32, #tpu.memory_space<hbm>>
          %dma_start3A_547 = arith.constant 0 : i32
          %dma_start3A_548 = tpu.memref_slice %arg9[%add3A_540, %dma_start3A_547] : memref<256x64xf32, #tpu.memory_space<vmem>> -> memref<1x64xf32, #tpu.memory_space<vmem>>
          %dma_start3A_549 = arith.constant 0 : i32
          %dma_start3A_550 = tpu.memref_slice %arg4[%squeeze3A_542, %dma_start3A_549] : memref<1000000x64xf32, #tpu.memory_space<hbm>> -> memref<1x64xf32, #tpu.memory_space<hbm>>
          tpu.enqueue_dma source(%dma_start3A_550 : memref<1x64xf32, #tpu.memory_space<hbm>>) target(%dma_start3A_548 : memref<1x64xf32, #tpu.memory_space<vmem>>) target_semaphore(%arg13 : memref<!tpu.dma_semaphore, #tpu.memory_space<semaphore_mem>>)
          %slice3A_551 = vector.extract_strided_slice %get3A_488 {offsets = [2], sizes = [1], strides = [1]} : vector<16xi32> to vector<1xi32>
          %squeeze3A_552 = vector.extract %slice3A_551[0] : i32 from vector<1xi32>
          %dma_start3A_553 = arith.constant 0 : i32
          %dma_start3A_554 = tpu.memref_slice %arg10[%add3A_540, %dma_start3A_553] : memref<256x64xf32, #tpu.memory_space<vmem>> -> memref<1x64xf32, #tpu.memory_space<vmem>>
          %dma_start3A_555 = arith.constant 0 : i32
          %dma_start3A_556 = tpu.memref_slice %arg5[%squeeze3A_552, %dma_start3A_555] : memref<1000000x64xf32, #tpu.memory_space<hbm>> -> memref<1x64xf32, #tpu.memory_space<hbm>>
          %dma_start3A_557 = arith.constant 0 : i32
          %dma_start3A_558 = tpu.memref_slice %arg10[%add3A_540, %dma_start3A_557] : memref<256x64xf32, #tpu.memory_space<vmem>> -> memref<1x64xf32, #tpu.memory_space<vmem>>
          %dma_start3A_559 = arith.constant 0 : i32
          %dma_start3A_560 = tpu.memref_slice %arg5[%squeeze3A_552, %dma_start3A_559] : memref<1000000x64xf32, #tpu.memory_space<hbm>> -> memref<1x64xf32, #tpu.memory_space<hbm>>
          tpu.enqueue_dma source(%dma_start3A_560 : memref<1x64xf32, #tpu.memory_space<hbm>>) target(%dma_start3A_558 : memref<1x64xf32, #tpu.memory_space<vmem>>) target_semaphore(%arg13 : memref<!tpu.dma_semaphore, #tpu.memory_space<semaphore_mem>>)
          %mul3A_561 = arith.constant 16 : i32
          %mul3A_562 = arith.muli %scan3A_413, %mul3A_561 : i32
          %add3A_563 = arith.constant 3 : i32
          %add3A_564 = arith.addi %mul3A_562, %add3A_563 : i32
          %slice3A_565 = vector.extract_strided_slice %get3A_483 {offsets = [3], sizes = [1], strides = [1]} : vector<16xi32> to vector<1xi32>
          %squeeze3A_566 = vector.extract %slice3A_565[0] : i32 from vector<1xi32>
          %dma_start3A_567 = arith.constant 0 : i32
          %dma_start3A_568 = tpu.memref_slice %arg9[%add3A_564, %dma_start3A_567] : memref<256x64xf32, #tpu.memory_space<vmem>> -> memref<1x64xf32, #tpu.memory_space<vmem>>
          %dma_start3A_569 = arith.constant 0 : i32
          %dma_start3A_570 = tpu.memref_slice %arg4[%squeeze3A_566, %dma_start3A_569] : memref<1000000x64xf32, #tpu.memory_space<hbm>> -> memref<1x64xf32, #tpu.memory_space<hbm>>
          %dma_start3A_571 = arith.constant 0 : i32
          %dma_start3A_572 = tpu.memref_slice %arg9[%add3A_564, %dma_start3A_571] : memref<256x64xf32, #tpu.memory_space<vmem>> -> memref<1x64xf32, #tpu.memory_space<vmem>>
          %dma_start3A_573 = arith.constant 0 : i32
          %dma_start3A_574 = tpu.memref_slice %arg4[%squeeze3A_566, %dma_start3A_573] : memref<1000000x64xf32, #tpu.memory_space<hbm>> -> memref<1x64xf32, #tpu.memory_space<hbm>>
          tpu.enqueue_dma source(%dma_start3A_574 : memref<1x64xf32, #tpu.memory_space<hbm>>) target(%dma_start3A_572 : memref<1x64xf32, #tpu.memory_space<vmem>>) target_semaphore(%arg13 : memref<!tpu.dma_semaphore, #tpu.memory_space<semaphore_mem>>)
          %slice3A_575 = vector.extract_strided_slice %get3A_488 {offsets = [3], sizes = [1], strides = [1]} : vector<16xi32> to vector<1xi32>
          %squeeze3A_576 = vector.extract %slice3A_575[0] : i32 from vector<1xi32>
          %dma_start3A_577 = arith.constant 0 : i32
          %dma_start3A_578 = tpu.memref_slice %arg10[%add3A_564, %dma_start3A_577] : memref<256x64xf32, #tpu.memory_space<vmem>> -> memref<1x64xf32, #tpu.memory_space<vmem>>
          %dma_start3A_579 = arith.constant 0 : i32
          %dma_start3A_580 = tpu.memref_slice %arg5[%squeeze3A_576, %dma_start3A_579] : memref<1000000x64xf32, #tpu.memory_space<hbm>> -> memref<1x64xf32, #tpu.memory_space<hbm>>
          %dma_start3A_581 = arith.constant 0 : i32
          %dma_start3A_582 = tpu.memref_slice %arg10[%add3A_564, %dma_start3A_581] : memref<256x64xf32, #tpu.memory_space<vmem>> -> memref<1x64xf32, #tpu.memory_space<vmem>>
          %dma_start3A_583 = arith.constant 0 : i32
          %dma_start3A_584 = tpu.memref_slice %arg5[%squeeze3A_576, %dma_start3A_583] : memref<1000000x64xf32, #tpu.memory_space<hbm>> -> memref<1x64xf32, #tpu.memory_space<hbm>>
          tpu.enqueue_dma source(%dma_start3A_584 : memref<1x64xf32, #tpu.memory_space<hbm>>) target(%dma_start3A_582 : memref<1x64xf32, #tpu.memory_space<vmem>>) target_semaphore(%arg13 : memref<!tpu.dma_semaphore, #tpu.memory_space<semaphore_mem>>)
          %mul3A_585 = arith.constant 16 : i32
          %mul3A_586 = arith.muli %scan3A_413, %mul3A_585 : i32
          %add3A_587 = arith.constant 4 : i32
          %add3A_588 = arith.addi %mul3A_586, %add3A_587 : i32
          %slice3A_589 = vector.extract_strided_slice %get3A_483 {offsets = [4], sizes = [1], strides = [1]} : vector<16xi32> to vector<1xi32>
          %squeeze3A_590 = vector.extract %slice3A_589[0] : i32 from vector<1xi32>
          %dma_start3A_591 = arith.constant 0 : i32
          %dma_start3A_592 = tpu.memref_slice %arg9[%add3A_588, %dma_start3A_591] : memref<256x64xf32, #tpu.memory_space<vmem>> -> memref<1x64xf32, #tpu.memory_space<vmem>>
          %dma_start3A_593 = arith.constant 0 : i32
          %dma_start3A_594 = tpu.memref_slice %arg4[%squeeze3A_590, %dma_start3A_593] : memref<1000000x64xf32, #tpu.memory_space<hbm>> -> memref<1x64xf32, #tpu.memory_space<hbm>>
          %dma_start3A_595 = arith.constant 0 : i32
          %dma_start3A_596 = tpu.memref_slice %arg9[%add3A_588, %dma_start3A_595] : memref<256x64xf32, #tpu.memory_space<vmem>> -> memref<1x64xf32, #tpu.memory_space<vmem>>
          %dma_start3A_597 = arith.constant 0 : i32
          %dma_start3A_598 = tpu.memref_slice %arg4[%squeeze3A_590, %dma_start3A_597] : memref<1000000x64xf32, #tpu.memory_space<hbm>> -> memref<1x64xf32, #tpu.memory_space<hbm>>
          tpu.enqueue_dma source(%dma_start3A_598 : memref<1x64xf32, #tpu.memory_space<hbm>>) target(%dma_start3A_596 : memref<1x64xf32, #tpu.memory_space<vmem>>) target_semaphore(%arg13 : memref<!tpu.dma_semaphore, #tpu.memory_space<semaphore_mem>>)
          %slice3A_599 = vector.extract_strided_slice %get3A_488 {offsets = [4], sizes = [1], strides = [1]} : vector<16xi32> to vector<1xi32>
          %squeeze3A_600 = vector.extract %slice3A_599[0] : i32 from vector<1xi32>
          %dma_start3A_601 = arith.constant 0 : i32
          %dma_start3A_602 = tpu.memref_slice %arg10[%add3A_588, %dma_start3A_601] : memref<256x64xf32, #tpu.memory_space<vmem>> -> memref<1x64xf32, #tpu.memory_space<vmem>>
          %dma_start3A_603 = arith.constant 0 : i32
          %dma_start3A_604 = tpu.memref_slice %arg5[%squeeze3A_600, %dma_start3A_603] : memref<1000000x64xf32, #tpu.memory_space<hbm>> -> memref<1x64xf32, #tpu.memory_space<hbm>>
          %dma_start3A_605 = arith.constant 0 : i32
          %dma_start3A_606 = tpu.memref_slice %arg10[%add3A_588, %dma_start3A_605] : memref<256x64xf32, #tpu.memory_space<vmem>> -> memref<1x64xf32, #tpu.memory_space<vmem>>
          %dma_start3A_607 = arith.constant 0 : i32
          %dma_start3A_608 = tpu.memref_slice %arg5[%squeeze3A_600, %dma_start3A_607] : memref<1000000x64xf32, #tpu.memory_space<hbm>> -> memref<1x64xf32, #tpu.memory_space<hbm>>
          tpu.enqueue_dma source(%dma_start3A_608 : memref<1x64xf32, #tpu.memory_space<hbm>>) target(%dma_start3A_606 : memref<1x64xf32, #tpu.memory_space<vmem>>) target_semaphore(%arg13 : memref<!tpu.dma_semaphore, #tpu.memory_space<semaphore_mem>>)
          %mul3A_609 = arith.constant 16 : i32
          %mul3A_610 = arith.muli %scan3A_413, %mul3A_609 : i32
          %add3A_611 = arith.constant 5 : i32
          %add3A_612 = arith.addi %mul3A_610, %add3A_611 : i32
          %slice3A_613 = vector.extract_strided_slice %get3A_483 {offsets = [5], sizes = [1], strides = [1]} : vector<16xi32> to vector<1xi32>
          %squeeze3A_614 = vector.extract %slice3A_613[0] : i32 from vector<1xi32>
          %dma_start3A_615 = arith.constant 0 : i32
          %dma_start3A_616 = tpu.memref_slice %arg9[%add3A_612, %dma_start3A_615] : memref<256x64xf32, #tpu.memory_space<vmem>> -> memref<1x64xf32, #tpu.memory_space<vmem>>
          %dma_start3A_617 = arith.constant 0 : i32
          %dma_start3A_618 = tpu.memref_slice %arg4[%squeeze3A_614, %dma_start3A_617] : memref<1000000x64xf32, #tpu.memory_space<hbm>> -> memref<1x64xf32, #tpu.memory_space<hbm>>
          %dma_start3A_619 = arith.constant 0 : i32
          %dma_start3A_620 = tpu.memref_slice %arg9[%add3A_612, %dma_start3A_619] : memref<256x64xf32, #tpu.memory_space<vmem>> -> memref<1x64xf32, #tpu.memory_space<vmem>>
          %dma_start3A_621 = arith.constant 0 : i32
          %dma_start3A_622 = tpu.memref_slice %arg4[%squeeze3A_614, %dma_start3A_621] : memref<1000000x64xf32, #tpu.memory_space<hbm>> -> memref<1x64xf32, #tpu.memory_space<hbm>>
          tpu.enqueue_dma source(%dma_start3A_622 : memref<1x64xf32, #tpu.memory_space<hbm>>) target(%dma_start3A_620 : memref<1x64xf32, #tpu.memory_space<vmem>>) target_semaphore(%arg13 : memref<!tpu.dma_semaphore, #tpu.memory_space<semaphore_mem>>)
          %slice3A_623 = vector.extract_strided_slice %get3A_488 {offsets = [5], sizes = [1], strides = [1]} : vector<16xi32> to vector<1xi32>
          %squeeze3A_624 = vector.extract %slice3A_623[0] : i32 from vector<1xi32>
          %dma_start3A_625 = arith.constant 0 : i32
          %dma_start3A_626 = tpu.memref_slice %arg10[%add3A_612, %dma_start3A_625] : memref<256x64xf32, #tpu.memory_space<vmem>> -> memref<1x64xf32, #tpu.memory_space<vmem>>
          %dma_start3A_627 = arith.constant 0 : i32
          %dma_start3A_628 = tpu.memref_slice %arg5[%squeeze3A_624, %dma_start3A_627] : memref<1000000x64xf32, #tpu.memory_space<hbm>> -> memref<1x64xf32, #tpu.memory_space<hbm>>
          %dma_start3A_629 = arith.constant 0 : i32
          %dma_start3A_630 = tpu.memref_slice %arg10[%add3A_612, %dma_start3A_629] : memref<256x64xf32, #tpu.memory_space<vmem>> -> memref<1x64xf32, #tpu.memory_space<vmem>>
          %dma_start3A_631 = arith.constant 0 : i32
          %dma_start3A_632 = tpu.memref_slice %arg5[%squeeze3A_624, %dma_start3A_631] : memref<1000000x64xf32, #tpu.memory_space<hbm>> -> memref<1x64xf32, #tpu.memory_space<hbm>>
          tpu.enqueue_dma source(%dma_start3A_632 : memref<1x64xf32, #tpu.memory_space<hbm>>) target(%dma_start3A_630 : memref<1x64xf32, #tpu.memory_space<vmem>>) target_semaphore(%arg13 : memref<!tpu.dma_semaphore, #tpu.memory_space<semaphore_mem>>)
          %mul3A_633 = arith.constant 16 : i32
          %mul3A_634 = arith.muli %scan3A_413, %mul3A_633 : i32
          %add3A_635 = arith.constant 6 : i32
          %add3A_636 = arith.addi %mul3A_634, %add3A_635 : i32
          %slice3A_637 = vector.extract_strided_slice %get3A_483 {offsets = [6], sizes = [1], strides = [1]} : vector<16xi32> to vector<1xi32>
          %squeeze3A_638 = vector.extract %slice3A_637[0] : i32 from vector<1xi32>
          %dma_start3A_639 = arith.constant 0 : i32
          %dma_start3A_640 = tpu.memref_slice %arg9[%add3A_636, %dma_start3A_639] : memref<256x64xf32, #tpu.memory_space<vmem>> -> memref<1x64xf32, #tpu.memory_space<vmem>>
          %dma_start3A_641 = arith.constant 0 : i32
          %dma_start3A_642 = tpu.memref_slice %arg4[%squeeze3A_638, %dma_start3A_641] : memref<1000000x64xf32, #tpu.memory_space<hbm>> -> memref<1x64xf32, #tpu.memory_space<hbm>>
          %dma_start3A_643 = arith.constant 0 : i32
          %dma_start3A_644 = tpu.memref_slice %arg9[%add3A_636, %dma_start3A_643] : memref<256x64xf32, #tpu.memory_space<vmem>> -> memref<1x64xf32, #tpu.memory_space<vmem>>
          %dma_start3A_645 = arith.constant 0 : i32
          %dma_start3A_646 = tpu.memref_slice %arg4[%squeeze3A_638, %dma_start3A_645] : memref<1000000x64xf32, #tpu.memory_space<hbm>> -> memref<1x64xf32, #tpu.memory_space<hbm>>
          tpu.enqueue_dma source(%dma_start3A_646 : memref<1x64xf32, #tpu.memory_space<hbm>>) target(%dma_start3A_644 : memref<1x64xf32, #tpu.memory_space<vmem>>) target_semaphore(%arg13 : memref<!tpu.dma_semaphore, #tpu.memory_space<semaphore_mem>>)
          %slice3A_647 = vector.extract_strided_slice %get3A_488 {offsets = [6], sizes = [1], strides = [1]} : vector<16xi32> to vector<1xi32>
          %squeeze3A_648 = vector.extract %slice3A_647[0] : i32 from vector<1xi32>
          %dma_start3A_649 = arith.constant 0 : i32
          %dma_start3A_650 = tpu.memref_slice %arg10[%add3A_636, %dma_start3A_649] : memref<256x64xf32, #tpu.memory_space<vmem>> -> memref<1x64xf32, #tpu.memory_space<vmem>>
          %dma_start3A_651 = arith.constant 0 : i32
          %dma_start3A_652 = tpu.memref_slice %arg5[%squeeze3A_648, %dma_start3A_651] : memref<1000000x64xf32, #tpu.memory_space<hbm>> -> memref<1x64xf32, #tpu.memory_space<hbm>>
          %dma_start3A_653 = arith.constant 0 : i32
          %dma_start3A_654 = tpu.memref_slice %arg10[%add3A_636, %dma_start3A_653] : memref<256x64xf32, #tpu.memory_space<vmem>> -> memref<1x64xf32, #tpu.memory_space<vmem>>
          %dma_start3A_655 = arith.constant 0 : i32
          %dma_start3A_656 = tpu.memref_slice %arg5[%squeeze3A_648, %dma_start3A_655] : memref<1000000x64xf32, #tpu.memory_space<hbm>> -> memref<1x64xf32, #tpu.memory_space<hbm>>
          tpu.enqueue_dma source(%dma_start3A_656 : memref<1x64xf32, #tpu.memory_space<hbm>>) target(%dma_start3A_654 : memref<1x64xf32, #tpu.memory_space<vmem>>) target_semaphore(%arg13 : memref<!tpu.dma_semaphore, #tpu.memory_space<semaphore_mem>>)
          %mul3A_657 = arith.constant 16 : i32
          %mul3A_658 = arith.muli %scan3A_413, %mul3A_657 : i32
          %add3A_659 = arith.constant 7 : i32
          %add3A_660 = arith.addi %mul3A_658, %add3A_659 : i32
          %slice3A_661 = vector.extract_strided_slice %get3A_483 {offsets = [7], sizes = [1], strides = [1]} : vector<16xi32> to vector<1xi32>
          %squeeze3A_662 = vector.extract %slice3A_661[0] : i32 from vector<1xi32>
          %dma_start3A_663 = arith.constant 0 : i32
          %dma_start3A_664 = tpu.memref_slice %arg9[%add3A_660, %dma_start3A_663] : memref<256x64xf32, #tpu.memory_space<vmem>> -> memref<1x64xf32, #tpu.memory_space<vmem>>
          %dma_start3A_665 = arith.constant 0 : i32
          %dma_start3A_666 = tpu.memref_slice %arg4[%squeeze3A_662, %dma_start3A_665] : memref<1000000x64xf32, #tpu.memory_space<hbm>> -> memref<1x64xf32, #tpu.memory_space<hbm>>
          %dma_start3A_667 = arith.constant 0 : i32
          %dma_start3A_668 = tpu.memref_slice %arg9[%add3A_660, %dma_start3A_667] : memref<256x64xf32, #tpu.memory_space<vmem>> -> memref<1x64xf32, #tpu.memory_space<vmem>>
          %dma_start3A_669 = arith.constant 0 : i32
          %dma_start3A_670 = tpu.memref_slice %arg4[%squeeze3A_662, %dma_start3A_669] : memref<1000000x64xf32, #tpu.memory_space<hbm>> -> memref<1x64xf32, #tpu.memory_space<hbm>>
          tpu.enqueue_dma source(%dma_start3A_670 : memref<1x64xf32, #tpu.memory_space<hbm>>) target(%dma_start3A_668 : memref<1x64xf32, #tpu.memory_space<vmem>>) target_semaphore(%arg13 : memref<!tpu.dma_semaphore, #tpu.memory_space<semaphore_mem>>)
          %slice3A_671 = vector.extract_strided_slice %get3A_488 {offsets = [7], sizes = [1], strides = [1]} : vector<16xi32> to vector<1xi32>
          %squeeze3A_672 = vector.extract %slice3A_671[0] : i32 from vector<1xi32>
          %dma_start3A_673 = arith.constant 0 : i32
          %dma_start3A_674 = tpu.memref_slice %arg10[%add3A_660, %dma_start3A_673] : memref<256x64xf32, #tpu.memory_space<vmem>> -> memref<1x64xf32, #tpu.memory_space<vmem>>
          %dma_start3A_675 = arith.constant 0 : i32
          %dma_start3A_676 = tpu.memref_slice %arg5[%squeeze3A_672, %dma_start3A_675] : memref<1000000x64xf32, #tpu.memory_space<hbm>> -> memref<1x64xf32, #tpu.memory_space<hbm>>
          %dma_start3A_677 = arith.constant 0 : i32
          %dma_start3A_678 = tpu.memref_slice %arg10[%add3A_660, %dma_start3A_677] : memref<256x64xf32, #tpu.memory_space<vmem>> -> memref<1x64xf32, #tpu.memory_space<vmem>>
          %dma_start3A_679 = arith.constant 0 : i32
          %dma_start3A_680 = tpu.memref_slice %arg5[%squeeze3A_672, %dma_start3A_679] : memref<1000000x64xf32, #tpu.memory_space<hbm>> -> memref<1x64xf32, #tpu.memory_space<hbm>>
          tpu.enqueue_dma source(%dma_start3A_680 : memref<1x64xf32, #tpu.memory_space<hbm>>) target(%dma_start3A_678 : memref<1x64xf32, #tpu.memory_space<vmem>>) target_semaphore(%arg13 : memref<!tpu.dma_semaphore, #tpu.memory_space<semaphore_mem>>)
          %mul3A_681 = arith.constant 16 : i32
          %mul3A_682 = arith.muli %scan3A_413, %mul3A_681 : i32
          %add3A_683 = arith.constant 8 : i32
          %add3A_684 = arith.addi %mul3A_682, %add3A_683 : i32
          %slice3A_685 = vector.extract_strided_slice %get3A_483 {offsets = [8], sizes = [1], strides = [1]} : vector<16xi32> to vector<1xi32>
          %squeeze3A_686 = vector.extract %slice3A_685[0] : i32 from vector<1xi32>
          %dma_start3A_687 = arith.constant 0 : i32
          %dma_start3A_688 = tpu.memref_slice %arg9[%add3A_684, %dma_start3A_687] : memref<256x64xf32, #tpu.memory_space<vmem>> -> memref<1x64xf32, #tpu.memory_space<vmem>>
          %dma_start3A_689 = arith.constant 0 : i32
          %dma_start3A_690 = tpu.memref_slice %arg4[%squeeze3A_686, %dma_start3A_689] : memref<1000000x64xf32, #tpu.memory_space<hbm>> -> memref<1x64xf32, #tpu.memory_space<hbm>>
          %dma_start3A_691 = arith.constant 0 : i32
          %dma_start3A_692 = tpu.memref_slice %arg9[%add3A_684, %dma_start3A_691] : memref<256x64xf32, #tpu.memory_space<vmem>> -> memref<1x64xf32, #tpu.memory_space<vmem>>
          %dma_start3A_693 = arith.constant 0 : i32
          %dma_start3A_694 = tpu.memref_slice %arg4[%squeeze3A_686, %dma_start3A_693] : memref<1000000x64xf32, #tpu.memory_space<hbm>> -> memref<1x64xf32, #tpu.memory_space<hbm>>
          tpu.enqueue_dma source(%dma_start3A_694 : memref<1x64xf32, #tpu.memory_space<hbm>>) target(%dma_start3A_692 : memref<1x64xf32, #tpu.memory_space<vmem>>) target_semaphore(%arg13 : memref<!tpu.dma_semaphore, #tpu.memory_space<semaphore_mem>>)
          %slice3A_695 = vector.extract_strided_slice %get3A_488 {offsets = [8], sizes = [1], strides = [1]} : vector<16xi32> to vector<1xi32>
          %squeeze3A_696 = vector.extract %slice3A_695[0] : i32 from vector<1xi32>
          %dma_start3A_697 = arith.constant 0 : i32
          %dma_start3A_698 = tpu.memref_slice %arg10[%add3A_684, %dma_start3A_697] : memref<256x64xf32, #tpu.memory_space<vmem>> -> memref<1x64xf32, #tpu.memory_space<vmem>>
          %dma_start3A_699 = arith.constant 0 : i32
          %dma_start3A_700 = tpu.memref_slice %arg5[%squeeze3A_696, %dma_start3A_699] : memref<1000000x64xf32, #tpu.memory_space<hbm>> -> memref<1x64xf32, #tpu.memory_space<hbm>>
          %dma_start3A_701 = arith.constant 0 : i32
          %dma_start3A_702 = tpu.memref_slice %arg10[%add3A_684, %dma_start3A_701] : memref<256x64xf32, #tpu.memory_space<vmem>> -> memref<1x64xf32, #tpu.memory_space<vmem>>
          %dma_start3A_703 = arith.constant 0 : i32
          %dma_start3A_704 = tpu.memref_slice %arg5[%squeeze3A_696, %dma_start3A_703] : memref<1000000x64xf32, #tpu.memory_space<hbm>> -> memref<1x64xf32, #tpu.memory_space<hbm>>
          tpu.enqueue_dma source(%dma_start3A_704 : memref<1x64xf32, #tpu.memory_space<hbm>>) target(%dma_start3A_702 : memref<1x64xf32, #tpu.memory_space<vmem>>) target_semaphore(%arg13 : memref<!tpu.dma_semaphore, #tpu.memory_space<semaphore_mem>>)
          %mul3A_705 = arith.constant 16 : i32
          %mul3A_706 = arith.muli %scan3A_413, %mul3A_705 : i32
          %add3A_707 = arith.constant 9 : i32
          %add3A_708 = arith.addi %mul3A_706, %add3A_707 : i32
          %slice3A_709 = vector.extract_strided_slice %get3A_483 {offsets = [9], sizes = [1], strides = [1]} : vector<16xi32> to vector<1xi32>
          %squeeze3A_710 = vector.extract %slice3A_709[0] : i32 from vector<1xi32>
          %dma_start3A_711 = arith.constant 0 : i32
          %dma_start3A_712 = tpu.memref_slice %arg9[%add3A_708, %dma_start3A_711] : memref<256x64xf32, #tpu.memory_space<vmem>> -> memref<1x64xf32, #tpu.memory_space<vmem>>
          %dma_start3A_713 = arith.constant 0 : i32
          %dma_start3A_714 = tpu.memref_slice %arg4[%squeeze3A_710, %dma_start3A_713] : memref<1000000x64xf32, #tpu.memory_space<hbm>> -> memref<1x64xf32, #tpu.memory_space<hbm>>
          %dma_start3A_715 = arith.constant 0 : i32
          %dma_start3A_716 = tpu.memref_slice %arg9[%add3A_708, %dma_start3A_715] : memref<256x64xf32, #tpu.memory_space<vmem>> -> memref<1x64xf32, #tpu.memory_space<vmem>>
          %dma_start3A_717 = arith.constant 0 : i32
          %dma_start3A_718 = tpu.memref_slice %arg4[%squeeze3A_710, %dma_start3A_717] : memref<1000000x64xf32, #tpu.memory_space<hbm>> -> memref<1x64xf32, #tpu.memory_space<hbm>>
          tpu.enqueue_dma source(%dma_start3A_718 : memref<1x64xf32, #tpu.memory_space<hbm>>) target(%dma_start3A_716 : memref<1x64xf32, #tpu.memory_space<vmem>>) target_semaphore(%arg13 : memref<!tpu.dma_semaphore, #tpu.memory_space<semaphore_mem>>)
          %slice3A_719 = vector.extract_strided_slice %get3A_488 {offsets = [9], sizes = [1], strides = [1]} : vector<16xi32> to vector<1xi32>
          %squeeze3A_720 = vector.extract %slice3A_719[0] : i32 from vector<1xi32>
          %dma_start3A_721 = arith.constant 0 : i32
          %dma_start3A_722 = tpu.memref_slice %arg10[%add3A_708, %dma_start3A_721] : memref<256x64xf32, #tpu.memory_space<vmem>> -> memref<1x64xf32, #tpu.memory_space<vmem>>
          %dma_start3A_723 = arith.constant 0 : i32
          %dma_start3A_724 = tpu.memref_slice %arg5[%squeeze3A_720, %dma_start3A_723] : memref<1000000x64xf32, #tpu.memory_space<hbm>> -> memref<1x64xf32, #tpu.memory_space<hbm>>
          %dma_start3A_725 = arith.constant 0 : i32
          %dma_start3A_726 = tpu.memref_slice %arg10[%add3A_708, %dma_start3A_725] : memref<256x64xf32, #tpu.memory_space<vmem>> -> memref<1x64xf32, #tpu.memory_space<vmem>>
          %dma_start3A_727 = arith.constant 0 : i32
          %dma_start3A_728 = tpu.memref_slice %arg5[%squeeze3A_720, %dma_start3A_727] : memref<1000000x64xf32, #tpu.memory_space<hbm>> -> memref<1x64xf32, #tpu.memory_space<hbm>>
          tpu.enqueue_dma source(%dma_start3A_728 : memref<1x64xf32, #tpu.memory_space<hbm>>) target(%dma_start3A_726 : memref<1x64xf32, #tpu.memory_space<vmem>>) target_semaphore(%arg13 : memref<!tpu.dma_semaphore, #tpu.memory_space<semaphore_mem>>)
          %mul3A_729 = arith.constant 16 : i32
          %mul3A_730 = arith.muli %scan3A_413, %mul3A_729 : i32
          %add3A_731 = arith.constant 10 : i32
          %add3A_732 = arith.addi %mul3A_730, %add3A_731 : i32
          %slice3A_733 = vector.extract_strided_slice %get3A_483 {offsets = [10], sizes = [1], strides = [1]} : vector<16xi32> to vector<1xi32>
          %squeeze3A_734 = vector.extract %slice3A_733[0] : i32 from vector<1xi32>
          %dma_start3A_735 = arith.constant 0 : i32
          %dma_start3A_736 = tpu.memref_slice %arg9[%add3A_732, %dma_start3A_735] : memref<256x64xf32, #tpu.memory_space<vmem>> -> memref<1x64xf32, #tpu.memory_space<vmem>>
          %dma_start3A_737 = arith.constant 0 : i32
          %dma_start3A_738 = tpu.memref_slice %arg4[%squeeze3A_734, %dma_start3A_737] : memref<1000000x64xf32, #tpu.memory_space<hbm>> -> memref<1x64xf32, #tpu.memory_space<hbm>>
          %dma_start3A_739 = arith.constant 0 : i32
          %dma_start3A_740 = tpu.memref_slice %arg9[%add3A_732, %dma_start3A_739] : memref<256x64xf32, #tpu.memory_space<vmem>> -> memref<1x64xf32, #tpu.memory_space<vmem>>
          %dma_start3A_741 = arith.constant 0 : i32
          %dma_start3A_742 = tpu.memref_slice %arg4[%squeeze3A_734, %dma_start3A_741] : memref<1000000x64xf32, #tpu.memory_space<hbm>> -> memref<1x64xf32, #tpu.memory_space<hbm>>
          tpu.enqueue_dma source(%dma_start3A_742 : memref<1x64xf32, #tpu.memory_space<hbm>>) target(%dma_start3A_740 : memref<1x64xf32, #tpu.memory_space<vmem>>) target_semaphore(%arg13 : memref<!tpu.dma_semaphore, #tpu.memory_space<semaphore_mem>>)
          %slice3A_743 = vector.extract_strided_slice %get3A_488 {offsets = [10], sizes = [1], strides = [1]} : vector<16xi32> to vector<1xi32>
          %squeeze3A_744 = vector.extract %slice3A_743[0] : i32 from vector<1xi32>
          %dma_start3A_745 = arith.constant 0 : i32
          %dma_start3A_746 = tpu.memref_slice %arg10[%add3A_732, %dma_start3A_745] : memref<256x64xf32, #tpu.memory_space<vmem>> -> memref<1x64xf32, #tpu.memory_space<vmem>>
          %dma_start3A_747 = arith.constant 0 : i32
          %dma_start3A_748 = tpu.memref_slice %arg5[%squeeze3A_744, %dma_start3A_747] : memref<1000000x64xf32, #tpu.memory_space<hbm>> -> memref<1x64xf32, #tpu.memory_space<hbm>>
          %dma_start3A_749 = arith.constant 0 : i32
          %dma_start3A_750 = tpu.memref_slice %arg10[%add3A_732, %dma_start3A_749] : memref<256x64xf32, #tpu.memory_space<vmem>> -> memref<1x64xf32, #tpu.memory_space<vmem>>
          %dma_start3A_751 = arith.constant 0 : i32
          %dma_start3A_752 = tpu.memref_slice %arg5[%squeeze3A_744, %dma_start3A_751] : memref<1000000x64xf32, #tpu.memory_space<hbm>> -> memref<1x64xf32, #tpu.memory_space<hbm>>
          tpu.enqueue_dma source(%dma_start3A_752 : memref<1x64xf32, #tpu.memory_space<hbm>>) target(%dma_start3A_750 : memref<1x64xf32, #tpu.memory_space<vmem>>) target_semaphore(%arg13 : memref<!tpu.dma_semaphore, #tpu.memory_space<semaphore_mem>>)
          %mul3A_753 = arith.constant 16 : i32
          %mul3A_754 = arith.muli %scan3A_413, %mul3A_753 : i32
          %add3A_755 = arith.constant 11 : i32
          %add3A_756 = arith.addi %mul3A_754, %add3A_755 : i32
          %slice3A_757 = vector.extract_strided_slice %get3A_483 {offsets = [11], sizes = [1], strides = [1]} : vector<16xi32> to vector<1xi32>
          %squeeze3A_758 = vector.extract %slice3A_757[0] : i32 from vector<1xi32>
          %dma_start3A_759 = arith.constant 0 : i32
          %dma_start3A_760 = tpu.memref_slice %arg9[%add3A_756, %dma_start3A_759] : memref<256x64xf32, #tpu.memory_space<vmem>> -> memref<1x64xf32, #tpu.memory_space<vmem>>
          %dma_start3A_761 = arith.constant 0 : i32
          %dma_start3A_762 = tpu.memref_slice %arg4[%squeeze3A_758, %dma_start3A_761] : memref<1000000x64xf32, #tpu.memory_space<hbm>> -> memref<1x64xf32, #tpu.memory_space<hbm>>
          %dma_start3A_763 = arith.constant 0 : i32
          %dma_start3A_764 = tpu.memref_slice %arg9[%add3A_756, %dma_start3A_763] : memref<256x64xf32, #tpu.memory_space<vmem>> -> memref<1x64xf32, #tpu.memory_space<vmem>>
          %dma_start3A_765 = arith.constant 0 : i32
          %dma_start3A_766 = tpu.memref_slice %arg4[%squeeze3A_758, %dma_start3A_765] : memref<1000000x64xf32, #tpu.memory_space<hbm>> -> memref<1x64xf32, #tpu.memory_space<hbm>>
          tpu.enqueue_dma source(%dma_start3A_766 : memref<1x64xf32, #tpu.memory_space<hbm>>) target(%dma_start3A_764 : memref<1x64xf32, #tpu.memory_space<vmem>>) target_semaphore(%arg13 : memref<!tpu.dma_semaphore, #tpu.memory_space<semaphore_mem>>)
          %slice3A_767 = vector.extract_strided_slice %get3A_488 {offsets = [11], sizes = [1], strides = [1]} : vector<16xi32> to vector<1xi32>
          %squeeze3A_768 = vector.extract %slice3A_767[0] : i32 from vector<1xi32>
          %dma_start3A_769 = arith.constant 0 : i32
          %dma_start3A_770 = tpu.memref_slice %arg10[%add3A_756, %dma_start3A_769] : memref<256x64xf32, #tpu.memory_space<vmem>> -> memref<1x64xf32, #tpu.memory_space<vmem>>
          %dma_start3A_771 = arith.constant 0 : i32
          %dma_start3A_772 = tpu.memref_slice %arg5[%squeeze3A_768, %dma_start3A_771] : memref<1000000x64xf32, #tpu.memory_space<hbm>> -> memref<1x64xf32, #tpu.memory_space<hbm>>
          %dma_start3A_773 = arith.constant 0 : i32
          %dma_start3A_774 = tpu.memref_slice %arg10[%add3A_756, %dma_start3A_773] : memref<256x64xf32, #tpu.memory_space<vmem>> -> memref<1x64xf32, #tpu.memory_space<vmem>>
          %dma_start3A_775 = arith.constant 0 : i32
          %dma_start3A_776 = tpu.memref_slice %arg5[%squeeze3A_768, %dma_start3A_775] : memref<1000000x64xf32, #tpu.memory_space<hbm>> -> memref<1x64xf32, #tpu.memory_space<hbm>>
          tpu.enqueue_dma source(%dma_start3A_776 : memref<1x64xf32, #tpu.memory_space<hbm>>) target(%dma_start3A_774 : memref<1x64xf32, #tpu.memory_space<vmem>>) target_semaphore(%arg13 : memref<!tpu.dma_semaphore, #tpu.memory_space<semaphore_mem>>)
          %mul3A_777 = arith.constant 16 : i32
          %mul3A_778 = arith.muli %scan3A_413, %mul3A_777 : i32
          %add3A_779 = arith.constant 12 : i32
          %add3A_780 = arith.addi %mul3A_778, %add3A_779 : i32
          %slice3A_781 = vector.extract_strided_slice %get3A_483 {offsets = [12], sizes = [1], strides = [1]} : vector<16xi32> to vector<1xi32>
          %squeeze3A_782 = vector.extract %slice3A_781[0] : i32 from vector<1xi32>
          %dma_start3A_783 = arith.constant 0 : i32
          %dma_start3A_784 = tpu.memref_slice %arg9[%add3A_780, %dma_start3A_783] : memref<256x64xf32, #tpu.memory_space<vmem>> -> memref<1x64xf32, #tpu.memory_space<vmem>>
          %dma_start3A_785 = arith.constant 0 : i32
          %dma_start3A_786 = tpu.memref_slice %arg4[%squeeze3A_782, %dma_start3A_785] : memref<1000000x64xf32, #tpu.memory_space<hbm>> -> memref<1x64xf32, #tpu.memory_space<hbm>>
          %dma_start3A_787 = arith.constant 0 : i32
          %dma_start3A_788 = tpu.memref_slice %arg9[%add3A_780, %dma_start3A_787] : memref<256x64xf32, #tpu.memory_space<vmem>> -> memref<1x64xf32, #tpu.memory_space<vmem>>
          %dma_start3A_789 = arith.constant 0 : i32
          %dma_start3A_790 = tpu.memref_slice %arg4[%squeeze3A_782, %dma_start3A_789] : memref<1000000x64xf32, #tpu.memory_space<hbm>> -> memref<1x64xf32, #tpu.memory_space<hbm>>
          tpu.enqueue_dma source(%dma_start3A_790 : memref<1x64xf32, #tpu.memory_space<hbm>>) target(%dma_start3A_788 : memref<1x64xf32, #tpu.memory_space<vmem>>) target_semaphore(%arg13 : memref<!tpu.dma_semaphore, #tpu.memory_space<semaphore_mem>>)
          %slice3A_791 = vector.extract_strided_slice %get3A_488 {offsets = [12], sizes = [1], strides = [1]} : vector<16xi32> to vector<1xi32>
          %squeeze3A_792 = vector.extract %slice3A_791[0] : i32 from vector<1xi32>
          %dma_start3A_793 = arith.constant 0 : i32
          %dma_start3A_794 = tpu.memref_slice %arg10[%add3A_780, %dma_start3A_793] : memref<256x64xf32, #tpu.memory_space<vmem>> -> memref<1x64xf32, #tpu.memory_space<vmem>>
          %dma_start3A_795 = arith.constant 0 : i32
          %dma_start3A_796 = tpu.memref_slice %arg5[%squeeze3A_792, %dma_start3A_795] : memref<1000000x64xf32, #tpu.memory_space<hbm>> -> memref<1x64xf32, #tpu.memory_space<hbm>>
          %dma_start3A_797 = arith.constant 0 : i32
          %dma_start3A_798 = tpu.memref_slice %arg10[%add3A_780, %dma_start3A_797] : memref<256x64xf32, #tpu.memory_space<vmem>> -> memref<1x64xf32, #tpu.memory_space<vmem>>
          %dma_start3A_799 = arith.constant 0 : i32
          %dma_start3A_800 = tpu.memref_slice %arg5[%squeeze3A_792, %dma_start3A_799] : memref<1000000x64xf32, #tpu.memory_space<hbm>> -> memref<1x64xf32, #tpu.memory_space<hbm>>
          tpu.enqueue_dma source(%dma_start3A_800 : memref<1x64xf32, #tpu.memory_space<hbm>>) target(%dma_start3A_798 : memref<1x64xf32, #tpu.memory_space<vmem>>) target_semaphore(%arg13 : memref<!tpu.dma_semaphore, #tpu.memory_space<semaphore_mem>>)
          %mul3A_801 = arith.constant 16 : i32
          %mul3A_802 = arith.muli %scan3A_413, %mul3A_801 : i32
          %add3A_803 = arith.constant 13 : i32
          %add3A_804 = arith.addi %mul3A_802, %add3A_803 : i32
          %slice3A_805 = vector.extract_strided_slice %get3A_483 {offsets = [13], sizes = [1], strides = [1]} : vector<16xi32> to vector<1xi32>
          %squeeze3A_806 = vector.extract %slice3A_805[0] : i32 from vector<1xi32>
          %dma_start3A_807 = arith.constant 0 : i32
          %dma_start3A_808 = tpu.memref_slice %arg9[%add3A_804, %dma_start3A_807] : memref<256x64xf32, #tpu.memory_space<vmem>> -> memref<1x64xf32, #tpu.memory_space<vmem>>
          %dma_start3A_809 = arith.constant 0 : i32
          %dma_start3A_810 = tpu.memref_slice %arg4[%squeeze3A_806, %dma_start3A_809] : memref<1000000x64xf32, #tpu.memory_space<hbm>> -> memref<1x64xf32, #tpu.memory_space<hbm>>
          %dma_start3A_811 = arith.constant 0 : i32
          %dma_start3A_812 = tpu.memref_slice %arg9[%add3A_804, %dma_start3A_811] : memref<256x64xf32, #tpu.memory_space<vmem>> -> memref<1x64xf32, #tpu.memory_space<vmem>>
          %dma_start3A_813 = arith.constant 0 : i32
          %dma_start3A_814 = tpu.memref_slice %arg4[%squeeze3A_806, %dma_start3A_813] : memref<1000000x64xf32, #tpu.memory_space<hbm>> -> memref<1x64xf32, #tpu.memory_space<hbm>>
          tpu.enqueue_dma source(%dma_start3A_814 : memref<1x64xf32, #tpu.memory_space<hbm>>) target(%dma_start3A_812 : memref<1x64xf32, #tpu.memory_space<vmem>>) target_semaphore(%arg13 : memref<!tpu.dma_semaphore, #tpu.memory_space<semaphore_mem>>)
          %slice3A_815 = vector.extract_strided_slice %get3A_488 {offsets = [13], sizes = [1], strides = [1]} : vector<16xi32> to vector<1xi32>
          %squeeze3A_816 = vector.extract %slice3A_815[0] : i32 from vector<1xi32>
          %dma_start3A_817 = arith.constant 0 : i32
          %dma_start3A_818 = tpu.memref_slice %arg10[%add3A_804, %dma_start3A_817] : memref<256x64xf32, #tpu.memory_space<vmem>> -> memref<1x64xf32, #tpu.memory_space<vmem>>
          %dma_start3A_819 = arith.constant 0 : i32
          %dma_start3A_820 = tpu.memref_slice %arg5[%squeeze3A_816, %dma_start3A_819] : memref<1000000x64xf32, #tpu.memory_space<hbm>> -> memref<1x64xf32, #tpu.memory_space<hbm>>
          %dma_start3A_821 = arith.constant 0 : i32
          %dma_start3A_822 = tpu.memref_slice %arg10[%add3A_804, %dma_start3A_821] : memref<256x64xf32, #tpu.memory_space<vmem>> -> memref<1x64xf32, #tpu.memory_space<vmem>>
          %dma_start3A_823 = arith.constant 0 : i32
          %dma_start3A_824 = tpu.memref_slice %arg5[%squeeze3A_816, %dma_start3A_823] : memref<1000000x64xf32, #tpu.memory_space<hbm>> -> memref<1x64xf32, #tpu.memory_space<hbm>>
          tpu.enqueue_dma source(%dma_start3A_824 : memref<1x64xf32, #tpu.memory_space<hbm>>) target(%dma_start3A_822 : memref<1x64xf32, #tpu.memory_space<vmem>>) target_semaphore(%arg13 : memref<!tpu.dma_semaphore, #tpu.memory_space<semaphore_mem>>)
          %mul3A_825 = arith.constant 16 : i32
          %mul3A_826 = arith.muli %scan3A_413, %mul3A_825 : i32
          %add3A_827 = arith.constant 14 : i32
          %add3A_828 = arith.addi %mul3A_826, %add3A_827 : i32
          %slice3A_829 = vector.extract_strided_slice %get3A_483 {offsets = [14], sizes = [1], strides = [1]} : vector<16xi32> to vector<1xi32>
          %squeeze3A_830 = vector.extract %slice3A_829[0] : i32 from vector<1xi32>
          %dma_start3A_831 = arith.constant 0 : i32
          %dma_start3A_832 = tpu.memref_slice %arg9[%add3A_828, %dma_start3A_831] : memref<256x64xf32, #tpu.memory_space<vmem>> -> memref<1x64xf32, #tpu.memory_space<vmem>>
          %dma_start3A_833 = arith.constant 0 : i32
          %dma_start3A_834 = tpu.memref_slice %arg4[%squeeze3A_830, %dma_start3A_833] : memref<1000000x64xf32, #tpu.memory_space<hbm>> -> memref<1x64xf32, #tpu.memory_space<hbm>>
          %dma_start3A_835 = arith.constant 0 : i32
          %dma_start3A_836 = tpu.memref_slice %arg9[%add3A_828, %dma_start3A_835] : memref<256x64xf32, #tpu.memory_space<vmem>> -> memref<1x64xf32, #tpu.memory_space<vmem>>
          %dma_start3A_837 = arith.constant 0 : i32
          %dma_start3A_838 = tpu.memref_slice %arg4[%squeeze3A_830, %dma_start3A_837] : memref<1000000x64xf32, #tpu.memory_space<hbm>> -> memref<1x64xf32, #tpu.memory_space<hbm>>
          tpu.enqueue_dma source(%dma_start3A_838 : memref<1x64xf32, #tpu.memory_space<hbm>>) target(%dma_start3A_836 : memref<1x64xf32, #tpu.memory_space<vmem>>) target_semaphore(%arg13 : memref<!tpu.dma_semaphore, #tpu.memory_space<semaphore_mem>>)
          %slice3A_839 = vector.extract_strided_slice %get3A_488 {offsets = [14], sizes = [1], strides = [1]} : vector<16xi32> to vector<1xi32>
          %squeeze3A_840 = vector.extract %slice3A_839[0] : i32 from vector<1xi32>
          %dma_start3A_841 = arith.constant 0 : i32
          %dma_start3A_842 = tpu.memref_slice %arg10[%add3A_828, %dma_start3A_841] : memref<256x64xf32, #tpu.memory_space<vmem>> -> memref<1x64xf32, #tpu.memory_space<vmem>>
          %dma_start3A_843 = arith.constant 0 : i32
          %dma_start3A_844 = tpu.memref_slice %arg5[%squeeze3A_840, %dma_start3A_843] : memref<1000000x64xf32, #tpu.memory_space<hbm>> -> memref<1x64xf32, #tpu.memory_space<hbm>>
          %dma_start3A_845 = arith.constant 0 : i32
          %dma_start3A_846 = tpu.memref_slice %arg10[%add3A_828, %dma_start3A_845] : memref<256x64xf32, #tpu.memory_space<vmem>> -> memref<1x64xf32, #tpu.memory_space<vmem>>
          %dma_start3A_847 = arith.constant 0 : i32
          %dma_start3A_848 = tpu.memref_slice %arg5[%squeeze3A_840, %dma_start3A_847] : memref<1000000x64xf32, #tpu.memory_space<hbm>> -> memref<1x64xf32, #tpu.memory_space<hbm>>
          tpu.enqueue_dma source(%dma_start3A_848 : memref<1x64xf32, #tpu.memory_space<hbm>>) target(%dma_start3A_846 : memref<1x64xf32, #tpu.memory_space<vmem>>) target_semaphore(%arg13 : memref<!tpu.dma_semaphore, #tpu.memory_space<semaphore_mem>>)
          %mul3A_849 = arith.constant 16 : i32
          %mul3A_850 = arith.muli %scan3A_413, %mul3A_849 : i32
          %add3A_851 = arith.constant 15 : i32
          %add3A_852 = arith.addi %mul3A_850, %add3A_851 : i32
          %slice3A_853 = vector.extract_strided_slice %get3A_483 {offsets = [15], sizes = [1], strides = [1]} : vector<16xi32> to vector<1xi32>
          %squeeze3A_854 = vector.extract %slice3A_853[0] : i32 from vector<1xi32>
          %dma_start3A_855 = arith.constant 0 : i32
          %dma_start3A_856 = tpu.memref_slice %arg9[%add3A_852, %dma_start3A_855] : memref<256x64xf32, #tpu.memory_space<vmem>> -> memref<1x64xf32, #tpu.memory_space<vmem>>
          %dma_start3A_857 = arith.constant 0 : i32
          %dma_start3A_858 = tpu.memref_slice %arg4[%squeeze3A_854, %dma_start3A_857] : memref<1000000x64xf32, #tpu.memory_space<hbm>> -> memref<1x64xf32, #tpu.memory_space<hbm>>
          %dma_start3A_859 = arith.constant 0 : i32
          %dma_start3A_860 = tpu.memref_slice %arg9[%add3A_852, %dma_start3A_859] : memref<256x64xf32, #tpu.memory_space<vmem>> -> memref<1x64xf32, #tpu.memory_space<vmem>>
          %dma_start3A_861 = arith.constant 0 : i32
          %dma_start3A_862 = tpu.memref_slice %arg4[%squeeze3A_854, %dma_start3A_861] : memref<1000000x64xf32, #tpu.memory_space<hbm>> -> memref<1x64xf32, #tpu.memory_space<hbm>>
          tpu.enqueue_dma source(%dma_start3A_862 : memref<1x64xf32, #tpu.memory_space<hbm>>) target(%dma_start3A_860 : memref<1x64xf32, #tpu.memory_space<vmem>>) target_semaphore(%arg13 : memref<!tpu.dma_semaphore, #tpu.memory_space<semaphore_mem>>)
          %slice3A_863 = vector.extract_strided_slice %get3A_488 {offsets = [15], sizes = [1], strides = [1]} : vector<16xi32> to vector<1xi32>
          %squeeze3A_864 = vector.extract %slice3A_863[0] : i32 from vector<1xi32>
          %dma_start3A_865 = arith.constant 0 : i32
          %dma_start3A_866 = tpu.memref_slice %arg10[%add3A_852, %dma_start3A_865] : memref<256x64xf32, #tpu.memory_space<vmem>> -> memref<1x64xf32, #tpu.memory_space<vmem>>
          %dma_start3A_867 = arith.constant 0 : i32
          %dma_start3A_868 = tpu.memref_slice %arg5[%squeeze3A_864, %dma_start3A_867] : memref<1000000x64xf32, #tpu.memory_space<hbm>> -> memref<1x64xf32, #tpu.memory_space<hbm>>
          %dma_start3A_869 = arith.constant 0 : i32
          %dma_start3A_870 = tpu.memref_slice %arg10[%add3A_852, %dma_start3A_869] : memref<256x64xf32, #tpu.memory_space<vmem>> -> memref<1x64xf32, #tpu.memory_space<vmem>>
          %dma_start3A_871 = arith.constant 0 : i32
          %dma_start3A_872 = tpu.memref_slice %arg5[%squeeze3A_864, %dma_start3A_871] : memref<1000000x64xf32, #tpu.memory_space<hbm>> -> memref<1x64xf32, #tpu.memory_space<hbm>>
          tpu.enqueue_dma source(%dma_start3A_872 : memref<1x64xf32, #tpu.memory_space<hbm>>) target(%dma_start3A_870 : memref<1x64xf32, #tpu.memory_space<vmem>>) target_semaphore(%arg13 : memref<!tpu.dma_semaphore, #tpu.memory_space<semaphore_mem>>)
        } else {
        }
        %jit3A_437 = arith.constant 2 : i32
        %eq3A_438 = arith.constant 0 : i32
        %eq3A_439 = arith.cmpi eq, %jit3A_437, %eq3A_438 : i32
        %jit3A_440 = arith.constant 1 : i32
        %select_n3A_441 = arith.select %eq3A_439, %jit3A_440, %jit3A_437 : i32
        %rem3A_442 = arith.remsi %scan3A_413, %select_n3A_441 : i32
        %ne3A_443 = arith.constant 0 : i32
        %ne3A_444 = arith.cmpi ne, %rem3A_442, %ne3A_443 : i32
        %lt3A_445 = arith.constant 0 : i32
        %lt3A_446 = arith.cmpi slt, %rem3A_442, %lt3A_445 : i32
        %lt3A_447 = arith.constant 0 : i32
        %lt3A_448 = arith.cmpi slt, %select_n3A_441, %lt3A_447 : i32
        %ne3A_449 = arith.xori %lt3A_446, %lt3A_448 : i1
        %and3A_450 = arith.andi %ne3A_449, %ne3A_444 : i1
        %add3A_451 = arith.addi %rem3A_442, %select_n3A_441 : i32
        %select_n3A_452 = arith.select %and3A_450, %add3A_451, %rem3A_442 : i32
        %eq3A_453 = arith.constant 1 : i32
        %eq3A_454 = arith.cmpi eq, %select_n3A_452, %eq3A_453 : i32
        %convert_element_type3A_455 = arith.extui %eq3A_454 : i1 to i32
        %cond3A_456 = arith.constant 0 : i32
        %cond3A_457 = arith.cmpi ne, %convert_element_type3A_455, %cond3A_456 : i32
        scf.if %cond3A_457 {
          %dma_wait3A = arith.constant 0 : i32
          %dma_wait3A_479 = arith.constant 0 : i32
          %dma_wait3A_480 = tpu.memref_slice %arg9[%dma_wait3A, %dma_wait3A_479] : memref<256x64xf32, #tpu.memory_space<vmem>> -> memref<1x64xf32, #tpu.memory_space<vmem>>
          %dma_wait3A_481 = arith.constant 0 : i32
          %dma_wait3A_482 = arith.constant 0 : i32
          %dma_wait3A_483 = tpu.memref_slice %arg4[%dma_wait3A_481, %dma_wait3A_482] : memref<1000000x64xf32, #tpu.memory_space<hbm>> -> memref<1x64xf32, #tpu.memory_space<hbm>>
          %dma_wait3A_484 = arith.constant 0 : i32
          %dma_wait3A_485 = arith.constant 0 : i32
          %dma_wait3A_486 = tpu.memref_slice %arg9[%dma_wait3A_484, %dma_wait3A_485] : memref<256x64xf32, #tpu.memory_space<vmem>> -> memref<1x64xf32, #tpu.memory_space<vmem>>
          %dma_wait3A_487 = arith.constant 0 : i32
          %dma_wait3A_488 = arith.constant 0 : i32
          %dma_wait3A_489 = tpu.memref_slice %arg4[%dma_wait3A_487, %dma_wait3A_488] : memref<1000000x64xf32, #tpu.memory_space<hbm>> -> memref<1x64xf32, #tpu.memory_space<hbm>>
          tpu.wait_dma2 semaphore(%arg12 : memref<!tpu.dma_semaphore, #tpu.memory_space<semaphore_mem>>) src(%dma_wait3A_489 : memref<1x64xf32, #tpu.memory_space<hbm>>) dst(%dma_wait3A_486 : memref<1x64xf32, #tpu.memory_space<vmem>>)
          %dma_wait3A_490 = arith.constant 0 : i32
          %dma_wait3A_491 = arith.constant 0 : i32
          %dma_wait3A_492 = tpu.memref_slice %arg10[%dma_wait3A_490, %dma_wait3A_491] : memref<256x64xf32, #tpu.memory_space<vmem>> -> memref<1x64xf32, #tpu.memory_space<vmem>>
          %dma_wait3A_493 = arith.constant 0 : i32
          %dma_wait3A_494 = arith.constant 0 : i32
          %dma_wait3A_495 = tpu.memref_slice %arg5[%dma_wait3A_493, %dma_wait3A_494] : memref<1000000x64xf32, #tpu.memory_space<hbm>> -> memref<1x64xf32, #tpu.memory_space<hbm>>
          %dma_wait3A_496 = arith.constant 0 : i32
          %dma_wait3A_497 = arith.constant 0 : i32
          %dma_wait3A_498 = tpu.memref_slice %arg10[%dma_wait3A_496, %dma_wait3A_497] : memref<256x64xf32, #tpu.memory_space<vmem>> -> memref<1x64xf32, #tpu.memory_space<vmem>>
          %dma_wait3A_499 = arith.constant 0 : i32
          %dma_wait3A_500 = arith.constant 0 : i32
          %dma_wait3A_501 = tpu.memref_slice %arg5[%dma_wait3A_499, %dma_wait3A_500] : memref<1000000x64xf32, #tpu.memory_space<hbm>> -> memref<1x64xf32, #tpu.memory_space<hbm>>
          tpu.wait_dma2 semaphore(%arg12 : memref<!tpu.dma_semaphore, #tpu.memory_space<semaphore_mem>>) src(%dma_wait3A_501 : memref<1x64xf32, #tpu.memory_space<hbm>>) dst(%dma_wait3A_498 : memref<1x64xf32, #tpu.memory_space<vmem>>)
          %dma_wait3A_502 = arith.constant 1 : i32
          %dma_wait3A_503 = arith.constant 0 : i32
          %dma_wait3A_504 = tpu.memref_slice %arg9[%dma_wait3A_502, %dma_wait3A_503] : memref<256x64xf32, #tpu.memory_space<vmem>> -> memref<1x64xf32, #tpu.memory_space<vmem>>
          %dma_wait3A_505 = arith.constant 0 : i32
          %dma_wait3A_506 = arith.constant 0 : i32
          %dma_wait3A_507 = tpu.memref_slice %arg4[%dma_wait3A_505, %dma_wait3A_506] : memref<1000000x64xf32, #tpu.memory_space<hbm>> -> memref<1x64xf32, #tpu.memory_space<hbm>>
          %dma_wait3A_508 = arith.constant 1 : i32
          %dma_wait3A_509 = arith.constant 0 : i32
          %dma_wait3A_510 = tpu.memref_slice %arg9[%dma_wait3A_508, %dma_wait3A_509] : memref<256x64xf32, #tpu.memory_space<vmem>> -> memref<1x64xf32, #tpu.memory_space<vmem>>
          %dma_wait3A_511 = arith.constant 0 : i32
          %dma_wait3A_512 = arith.constant 0 : i32
          %dma_wait3A_513 = tpu.memref_slice %arg4[%dma_wait3A_511, %dma_wait3A_512] : memref<1000000x64xf32, #tpu.memory_space<hbm>> -> memref<1x64xf32, #tpu.memory_space<hbm>>
          tpu.wait_dma2 semaphore(%arg12 : memref<!tpu.dma_semaphore, #tpu.memory_space<semaphore_mem>>) src(%dma_wait3A_513 : memref<1x64xf32, #tpu.memory_space<hbm>>) dst(%dma_wait3A_510 : memref<1x64xf32, #tpu.memory_space<vmem>>)
          %dma_wait3A_514 = arith.constant 1 : i32
          %dma_wait3A_515 = arith.constant 0 : i32
          %dma_wait3A_516 = tpu.memref_slice %arg10[%dma_wait3A_514, %dma_wait3A_515] : memref<256x64xf32, #tpu.memory_space<vmem>> -> memref<1x64xf32, #tpu.memory_space<vmem>>
          %dma_wait3A_517 = arith.constant 0 : i32
          %dma_wait3A_518 = arith.constant 0 : i32
          %dma_wait3A_519 = tpu.memref_slice %arg5[%dma_wait3A_517, %dma_wait3A_518] : memref<1000000x64xf32, #tpu.memory_space<hbm>> -> memref<1x64xf32, #tpu.memory_space<hbm>>
          %dma_wait3A_520 = arith.constant 1 : i32
          %dma_wait3A_521 = arith.constant 0 : i32
          %dma_wait3A_522 = tpu.memref_slice %arg10[%dma_wait3A_520, %dma_wait3A_521] : memref<256x64xf32, #tpu.memory_space<vmem>> -> memref<1x64xf32, #tpu.memory_space<vmem>>
          %dma_wait3A_523 = arith.constant 0 : i32
          %dma_wait3A_524 = arith.constant 0 : i32
          %dma_wait3A_525 = tpu.memref_slice %arg5[%dma_wait3A_523, %dma_wait3A_524] : memref<1000000x64xf32, #tpu.memory_space<hbm>> -> memref<1x64xf32, #tpu.memory_space<hbm>>
          tpu.wait_dma2 semaphore(%arg12 : memref<!tpu.dma_semaphore, #tpu.memory_space<semaphore_mem>>) src(%dma_wait3A_525 : memref<1x64xf32, #tpu.memory_space<hbm>>) dst(%dma_wait3A_522 : memref<1x64xf32, #tpu.memory_space<vmem>>)
          %dma_wait3A_526 = arith.constant 2 : i32
          %dma_wait3A_527 = arith.constant 0 : i32
          %dma_wait3A_528 = tpu.memref_slice %arg9[%dma_wait3A_526, %dma_wait3A_527] : memref<256x64xf32, #tpu.memory_space<vmem>> -> memref<1x64xf32, #tpu.memory_space<vmem>>
          %dma_wait3A_529 = arith.constant 0 : i32
          %dma_wait3A_530 = arith.constant 0 : i32
          %dma_wait3A_531 = tpu.memref_slice %arg4[%dma_wait3A_529, %dma_wait3A_530] : memref<1000000x64xf32, #tpu.memory_space<hbm>> -> memref<1x64xf32, #tpu.memory_space<hbm>>
          %dma_wait3A_532 = arith.constant 2 : i32
          %dma_wait3A_533 = arith.constant 0 : i32
          %dma_wait3A_534 = tpu.memref_slice %arg9[%dma_wait3A_532, %dma_wait3A_533] : memref<256x64xf32, #tpu.memory_space<vmem>> -> memref<1x64xf32, #tpu.memory_space<vmem>>
          %dma_wait3A_535 = arith.constant 0 : i32
          %dma_wait3A_536 = arith.constant 0 : i32
          %dma_wait3A_537 = tpu.memref_slice %arg4[%dma_wait3A_535, %dma_wait3A_536] : memref<1000000x64xf32, #tpu.memory_space<hbm>> -> memref<1x64xf32, #tpu.memory_space<hbm>>
          tpu.wait_dma2 semaphore(%arg12 : memref<!tpu.dma_semaphore, #tpu.memory_space<semaphore_mem>>) src(%dma_wait3A_537 : memref<1x64xf32, #tpu.memory_space<hbm>>) dst(%dma_wait3A_534 : memref<1x64xf32, #tpu.memory_space<vmem>>)
          %dma_wait3A_538 = arith.constant 2 : i32
          %dma_wait3A_539 = arith.constant 0 : i32
          %dma_wait3A_540 = tpu.memref_slice %arg10[%dma_wait3A_538, %dma_wait3A_539] : memref<256x64xf32, #tpu.memory_space<vmem>> -> memref<1x64xf32, #tpu.memory_space<vmem>>
          %dma_wait3A_541 = arith.constant 0 : i32
          %dma_wait3A_542 = arith.constant 0 : i32
          %dma_wait3A_543 = tpu.memref_slice %arg5[%dma_wait3A_541, %dma_wait3A_542] : memref<1000000x64xf32, #tpu.memory_space<hbm>> -> memref<1x64xf32, #tpu.memory_space<hbm>>
          %dma_wait3A_544 = arith.constant 2 : i32
          %dma_wait3A_545 = arith.constant 0 : i32
          %dma_wait3A_546 = tpu.memref_slice %arg10[%dma_wait3A_544, %dma_wait3A_545] : memref<256x64xf32, #tpu.memory_space<vmem>> -> memref<1x64xf32, #tpu.memory_space<vmem>>
          %dma_wait3A_547 = arith.constant 0 : i32
          %dma_wait3A_548 = arith.constant 0 : i32
          %dma_wait3A_549 = tpu.memref_slice %arg5[%dma_wait3A_547, %dma_wait3A_548] : memref<1000000x64xf32, #tpu.memory_space<hbm>> -> memref<1x64xf32, #tpu.memory_space<hbm>>
          tpu.wait_dma2 semaphore(%arg12 : memref<!tpu.dma_semaphore, #tpu.memory_space<semaphore_mem>>) src(%dma_wait3A_549 : memref<1x64xf32, #tpu.memory_space<hbm>>) dst(%dma_wait3A_546 : memref<1x64xf32, #tpu.memory_space<vmem>>)
          %dma_wait3A_550 = arith.constant 3 : i32
          %dma_wait3A_551 = arith.constant 0 : i32
          %dma_wait3A_552 = tpu.memref_slice %arg9[%dma_wait3A_550, %dma_wait3A_551] : memref<256x64xf32, #tpu.memory_space<vmem>> -> memref<1x64xf32, #tpu.memory_space<vmem>>
          %dma_wait3A_553 = arith.constant 0 : i32
          %dma_wait3A_554 = arith.constant 0 : i32
          %dma_wait3A_555 = tpu.memref_slice %arg4[%dma_wait3A_553, %dma_wait3A_554] : memref<1000000x64xf32, #tpu.memory_space<hbm>> -> memref<1x64xf32, #tpu.memory_space<hbm>>
          %dma_wait3A_556 = arith.constant 3 : i32
          %dma_wait3A_557 = arith.constant 0 : i32
          %dma_wait3A_558 = tpu.memref_slice %arg9[%dma_wait3A_556, %dma_wait3A_557] : memref<256x64xf32, #tpu.memory_space<vmem>> -> memref<1x64xf32, #tpu.memory_space<vmem>>
          %dma_wait3A_559 = arith.constant 0 : i32
          %dma_wait3A_560 = arith.constant 0 : i32
          %dma_wait3A_561 = tpu.memref_slice %arg4[%dma_wait3A_559, %dma_wait3A_560] : memref<1000000x64xf32, #tpu.memory_space<hbm>> -> memref<1x64xf32, #tpu.memory_space<hbm>>
          tpu.wait_dma2 semaphore(%arg12 : memref<!tpu.dma_semaphore, #tpu.memory_space<semaphore_mem>>) src(%dma_wait3A_561 : memref<1x64xf32, #tpu.memory_space<hbm>>) dst(%dma_wait3A_558 : memref<1x64xf32, #tpu.memory_space<vmem>>)
          %dma_wait3A_562 = arith.constant 3 : i32
          %dma_wait3A_563 = arith.constant 0 : i32
          %dma_wait3A_564 = tpu.memref_slice %arg10[%dma_wait3A_562, %dma_wait3A_563] : memref<256x64xf32, #tpu.memory_space<vmem>> -> memref<1x64xf32, #tpu.memory_space<vmem>>
          %dma_wait3A_565 = arith.constant 0 : i32
          %dma_wait3A_566 = arith.constant 0 : i32
          %dma_wait3A_567 = tpu.memref_slice %arg5[%dma_wait3A_565, %dma_wait3A_566] : memref<1000000x64xf32, #tpu.memory_space<hbm>> -> memref<1x64xf32, #tpu.memory_space<hbm>>
          %dma_wait3A_568 = arith.constant 3 : i32
          %dma_wait3A_569 = arith.constant 0 : i32
          %dma_wait3A_570 = tpu.memref_slice %arg10[%dma_wait3A_568, %dma_wait3A_569] : memref<256x64xf32, #tpu.memory_space<vmem>> -> memref<1x64xf32, #tpu.memory_space<vmem>>
          %dma_wait3A_571 = arith.constant 0 : i32
          %dma_wait3A_572 = arith.constant 0 : i32
          %dma_wait3A_573 = tpu.memref_slice %arg5[%dma_wait3A_571, %dma_wait3A_572] : memref<1000000x64xf32, #tpu.memory_space<hbm>> -> memref<1x64xf32, #tpu.memory_space<hbm>>
          tpu.wait_dma2 semaphore(%arg12 : memref<!tpu.dma_semaphore, #tpu.memory_space<semaphore_mem>>) src(%dma_wait3A_573 : memref<1x64xf32, #tpu.memory_space<hbm>>) dst(%dma_wait3A_570 : memref<1x64xf32, #tpu.memory_space<vmem>>)
          %dma_wait3A_574 = arith.constant 4 : i32
          %dma_wait3A_575 = arith.constant 0 : i32
          %dma_wait3A_576 = tpu.memref_slice %arg9[%dma_wait3A_574, %dma_wait3A_575] : memref<256x64xf32, #tpu.memory_space<vmem>> -> memref<1x64xf32, #tpu.memory_space<vmem>>
          %dma_wait3A_577 = arith.constant 0 : i32
          %dma_wait3A_578 = arith.constant 0 : i32
          %dma_wait3A_579 = tpu.memref_slice %arg4[%dma_wait3A_577, %dma_wait3A_578] : memref<1000000x64xf32, #tpu.memory_space<hbm>> -> memref<1x64xf32, #tpu.memory_space<hbm>>
          %dma_wait3A_580 = arith.constant 4 : i32
          %dma_wait3A_581 = arith.constant 0 : i32
          %dma_wait3A_582 = tpu.memref_slice %arg9[%dma_wait3A_580, %dma_wait3A_581] : memref<256x64xf32, #tpu.memory_space<vmem>> -> memref<1x64xf32, #tpu.memory_space<vmem>>
          %dma_wait3A_583 = arith.constant 0 : i32
          %dma_wait3A_584 = arith.constant 0 : i32
          %dma_wait3A_585 = tpu.memref_slice %arg4[%dma_wait3A_583, %dma_wait3A_584] : memref<1000000x64xf32, #tpu.memory_space<hbm>> -> memref<1x64xf32, #tpu.memory_space<hbm>>
          tpu.wait_dma2 semaphore(%arg12 : memref<!tpu.dma_semaphore, #tpu.memory_space<semaphore_mem>>) src(%dma_wait3A_585 : memref<1x64xf32, #tpu.memory_space<hbm>>) dst(%dma_wait3A_582 : memref<1x64xf32, #tpu.memory_space<vmem>>)
          %dma_wait3A_586 = arith.constant 4 : i32
          %dma_wait3A_587 = arith.constant 0 : i32
          %dma_wait3A_588 = tpu.memref_slice %arg10[%dma_wait3A_586, %dma_wait3A_587] : memref<256x64xf32, #tpu.memory_space<vmem>> -> memref<1x64xf32, #tpu.memory_space<vmem>>
          %dma_wait3A_589 = arith.constant 0 : i32
          %dma_wait3A_590 = arith.constant 0 : i32
          %dma_wait3A_591 = tpu.memref_slice %arg5[%dma_wait3A_589, %dma_wait3A_590] : memref<1000000x64xf32, #tpu.memory_space<hbm>> -> memref<1x64xf32, #tpu.memory_space<hbm>>
          %dma_wait3A_592 = arith.constant 4 : i32
          %dma_wait3A_593 = arith.constant 0 : i32
          %dma_wait3A_594 = tpu.memref_slice %arg10[%dma_wait3A_592, %dma_wait3A_593] : memref<256x64xf32, #tpu.memory_space<vmem>> -> memref<1x64xf32, #tpu.memory_space<vmem>>
          %dma_wait3A_595 = arith.constant 0 : i32
          %dma_wait3A_596 = arith.constant 0 : i32
          %dma_wait3A_597 = tpu.memref_slice %arg5[%dma_wait3A_595, %dma_wait3A_596] : memref<1000000x64xf32, #tpu.memory_space<hbm>> -> memref<1x64xf32, #tpu.memory_space<hbm>>
          tpu.wait_dma2 semaphore(%arg12 : memref<!tpu.dma_semaphore, #tpu.memory_space<semaphore_mem>>) src(%dma_wait3A_597 : memref<1x64xf32, #tpu.memory_space<hbm>>) dst(%dma_wait3A_594 : memref<1x64xf32, #tpu.memory_space<vmem>>)
          %dma_wait3A_598 = arith.constant 5 : i32
          %dma_wait3A_599 = arith.constant 0 : i32
          %dma_wait3A_600 = tpu.memref_slice %arg9[%dma_wait3A_598, %dma_wait3A_599] : memref<256x64xf32, #tpu.memory_space<vmem>> -> memref<1x64xf32, #tpu.memory_space<vmem>>
          %dma_wait3A_601 = arith.constant 0 : i32
          %dma_wait3A_602 = arith.constant 0 : i32
          %dma_wait3A_603 = tpu.memref_slice %arg4[%dma_wait3A_601, %dma_wait3A_602] : memref<1000000x64xf32, #tpu.memory_space<hbm>> -> memref<1x64xf32, #tpu.memory_space<hbm>>
          %dma_wait3A_604 = arith.constant 5 : i32
          %dma_wait3A_605 = arith.constant 0 : i32
          %dma_wait3A_606 = tpu.memref_slice %arg9[%dma_wait3A_604, %dma_wait3A_605] : memref<256x64xf32, #tpu.memory_space<vmem>> -> memref<1x64xf32, #tpu.memory_space<vmem>>
          %dma_wait3A_607 = arith.constant 0 : i32
          %dma_wait3A_608 = arith.constant 0 : i32
          %dma_wait3A_609 = tpu.memref_slice %arg4[%dma_wait3A_607, %dma_wait3A_608] : memref<1000000x64xf32, #tpu.memory_space<hbm>> -> memref<1x64xf32, #tpu.memory_space<hbm>>
          tpu.wait_dma2 semaphore(%arg12 : memref<!tpu.dma_semaphore, #tpu.memory_space<semaphore_mem>>) src(%dma_wait3A_609 : memref<1x64xf32, #tpu.memory_space<hbm>>) dst(%dma_wait3A_606 : memref<1x64xf32, #tpu.memory_space<vmem>>)
          %dma_wait3A_610 = arith.constant 5 : i32
          %dma_wait3A_611 = arith.constant 0 : i32
          %dma_wait3A_612 = tpu.memref_slice %arg10[%dma_wait3A_610, %dma_wait3A_611] : memref<256x64xf32, #tpu.memory_space<vmem>> -> memref<1x64xf32, #tpu.memory_space<vmem>>
          %dma_wait3A_613 = arith.constant 0 : i32
          %dma_wait3A_614 = arith.constant 0 : i32
          %dma_wait3A_615 = tpu.memref_slice %arg5[%dma_wait3A_613, %dma_wait3A_614] : memref<1000000x64xf32, #tpu.memory_space<hbm>> -> memref<1x64xf32, #tpu.memory_space<hbm>>
          %dma_wait3A_616 = arith.constant 5 : i32
          %dma_wait3A_617 = arith.constant 0 : i32
          %dma_wait3A_618 = tpu.memref_slice %arg10[%dma_wait3A_616, %dma_wait3A_617] : memref<256x64xf32, #tpu.memory_space<vmem>> -> memref<1x64xf32, #tpu.memory_space<vmem>>
          %dma_wait3A_619 = arith.constant 0 : i32
          %dma_wait3A_620 = arith.constant 0 : i32
          %dma_wait3A_621 = tpu.memref_slice %arg5[%dma_wait3A_619, %dma_wait3A_620] : memref<1000000x64xf32, #tpu.memory_space<hbm>> -> memref<1x64xf32, #tpu.memory_space<hbm>>
          tpu.wait_dma2 semaphore(%arg12 : memref<!tpu.dma_semaphore, #tpu.memory_space<semaphore_mem>>) src(%dma_wait3A_621 : memref<1x64xf32, #tpu.memory_space<hbm>>) dst(%dma_wait3A_618 : memref<1x64xf32, #tpu.memory_space<vmem>>)
          %dma_wait3A_622 = arith.constant 6 : i32
          %dma_wait3A_623 = arith.constant 0 : i32
          %dma_wait3A_624 = tpu.memref_slice %arg9[%dma_wait3A_622, %dma_wait3A_623] : memref<256x64xf32, #tpu.memory_space<vmem>> -> memref<1x64xf32, #tpu.memory_space<vmem>>
          %dma_wait3A_625 = arith.constant 0 : i32
          %dma_wait3A_626 = arith.constant 0 : i32
          %dma_wait3A_627 = tpu.memref_slice %arg4[%dma_wait3A_625, %dma_wait3A_626] : memref<1000000x64xf32, #tpu.memory_space<hbm>> -> memref<1x64xf32, #tpu.memory_space<hbm>>
          %dma_wait3A_628 = arith.constant 6 : i32
          %dma_wait3A_629 = arith.constant 0 : i32
          %dma_wait3A_630 = tpu.memref_slice %arg9[%dma_wait3A_628, %dma_wait3A_629] : memref<256x64xf32, #tpu.memory_space<vmem>> -> memref<1x64xf32, #tpu.memory_space<vmem>>
          %dma_wait3A_631 = arith.constant 0 : i32
          %dma_wait3A_632 = arith.constant 0 : i32
          %dma_wait3A_633 = tpu.memref_slice %arg4[%dma_wait3A_631, %dma_wait3A_632] : memref<1000000x64xf32, #tpu.memory_space<hbm>> -> memref<1x64xf32, #tpu.memory_space<hbm>>
          tpu.wait_dma2 semaphore(%arg12 : memref<!tpu.dma_semaphore, #tpu.memory_space<semaphore_mem>>) src(%dma_wait3A_633 : memref<1x64xf32, #tpu.memory_space<hbm>>) dst(%dma_wait3A_630 : memref<1x64xf32, #tpu.memory_space<vmem>>)
          %dma_wait3A_634 = arith.constant 6 : i32
          %dma_wait3A_635 = arith.constant 0 : i32
          %dma_wait3A_636 = tpu.memref_slice %arg10[%dma_wait3A_634, %dma_wait3A_635] : memref<256x64xf32, #tpu.memory_space<vmem>> -> memref<1x64xf32, #tpu.memory_space<vmem>>
          %dma_wait3A_637 = arith.constant 0 : i32
          %dma_wait3A_638 = arith.constant 0 : i32
          %dma_wait3A_639 = tpu.memref_slice %arg5[%dma_wait3A_637, %dma_wait3A_638] : memref<1000000x64xf32, #tpu.memory_space<hbm>> -> memref<1x64xf32, #tpu.memory_space<hbm>>
          %dma_wait3A_640 = arith.constant 6 : i32
          %dma_wait3A_641 = arith.constant 0 : i32
          %dma_wait3A_642 = tpu.memref_slice %arg10[%dma_wait3A_640, %dma_wait3A_641] : memref<256x64xf32, #tpu.memory_space<vmem>> -> memref<1x64xf32, #tpu.memory_space<vmem>>
          %dma_wait3A_643 = arith.constant 0 : i32
          %dma_wait3A_644 = arith.constant 0 : i32
          %dma_wait3A_645 = tpu.memref_slice %arg5[%dma_wait3A_643, %dma_wait3A_644] : memref<1000000x64xf32, #tpu.memory_space<hbm>> -> memref<1x64xf32, #tpu.memory_space<hbm>>
          tpu.wait_dma2 semaphore(%arg12 : memref<!tpu.dma_semaphore, #tpu.memory_space<semaphore_mem>>) src(%dma_wait3A_645 : memref<1x64xf32, #tpu.memory_space<hbm>>) dst(%dma_wait3A_642 : memref<1x64xf32, #tpu.memory_space<vmem>>)
          %dma_wait3A_646 = arith.constant 7 : i32
          %dma_wait3A_647 = arith.constant 0 : i32
          %dma_wait3A_648 = tpu.memref_slice %arg9[%dma_wait3A_646, %dma_wait3A_647] : memref<256x64xf32, #tpu.memory_space<vmem>> -> memref<1x64xf32, #tpu.memory_space<vmem>>
          %dma_wait3A_649 = arith.constant 0 : i32
          %dma_wait3A_650 = arith.constant 0 : i32
          %dma_wait3A_651 = tpu.memref_slice %arg4[%dma_wait3A_649, %dma_wait3A_650] : memref<1000000x64xf32, #tpu.memory_space<hbm>> -> memref<1x64xf32, #tpu.memory_space<hbm>>
          %dma_wait3A_652 = arith.constant 7 : i32
          %dma_wait3A_653 = arith.constant 0 : i32
          %dma_wait3A_654 = tpu.memref_slice %arg9[%dma_wait3A_652, %dma_wait3A_653] : memref<256x64xf32, #tpu.memory_space<vmem>> -> memref<1x64xf32, #tpu.memory_space<vmem>>
          %dma_wait3A_655 = arith.constant 0 : i32
          %dma_wait3A_656 = arith.constant 0 : i32
          %dma_wait3A_657 = tpu.memref_slice %arg4[%dma_wait3A_655, %dma_wait3A_656] : memref<1000000x64xf32, #tpu.memory_space<hbm>> -> memref<1x64xf32, #tpu.memory_space<hbm>>
          tpu.wait_dma2 semaphore(%arg12 : memref<!tpu.dma_semaphore, #tpu.memory_space<semaphore_mem>>) src(%dma_wait3A_657 : memref<1x64xf32, #tpu.memory_space<hbm>>) dst(%dma_wait3A_654 : memref<1x64xf32, #tpu.memory_space<vmem>>)
          %dma_wait3A_658 = arith.constant 7 : i32
          %dma_wait3A_659 = arith.constant 0 : i32
          %dma_wait3A_660 = tpu.memref_slice %arg10[%dma_wait3A_658, %dma_wait3A_659] : memref<256x64xf32, #tpu.memory_space<vmem>> -> memref<1x64xf32, #tpu.memory_space<vmem>>
          %dma_wait3A_661 = arith.constant 0 : i32
          %dma_wait3A_662 = arith.constant 0 : i32
          %dma_wait3A_663 = tpu.memref_slice %arg5[%dma_wait3A_661, %dma_wait3A_662] : memref<1000000x64xf32, #tpu.memory_space<hbm>> -> memref<1x64xf32, #tpu.memory_space<hbm>>
          %dma_wait3A_664 = arith.constant 7 : i32
          %dma_wait3A_665 = arith.constant 0 : i32
          %dma_wait3A_666 = tpu.memref_slice %arg10[%dma_wait3A_664, %dma_wait3A_665] : memref<256x64xf32, #tpu.memory_space<vmem>> -> memref<1x64xf32, #tpu.memory_space<vmem>>
          %dma_wait3A_667 = arith.constant 0 : i32
          %dma_wait3A_668 = arith.constant 0 : i32
          %dma_wait3A_669 = tpu.memref_slice %arg5[%dma_wait3A_667, %dma_wait3A_668] : memref<1000000x64xf32, #tpu.memory_space<hbm>> -> memref<1x64xf32, #tpu.memory_space<hbm>>
          tpu.wait_dma2 semaphore(%arg12 : memref<!tpu.dma_semaphore, #tpu.memory_space<semaphore_mem>>) src(%dma_wait3A_669 : memref<1x64xf32, #tpu.memory_space<hbm>>) dst(%dma_wait3A_666 : memref<1x64xf32, #tpu.memory_space<vmem>>)
          %dma_wait3A_670 = arith.constant 8 : i32
          %dma_wait3A_671 = arith.constant 0 : i32
          %dma_wait3A_672 = tpu.memref_slice %arg9[%dma_wait3A_670, %dma_wait3A_671] : memref<256x64xf32, #tpu.memory_space<vmem>> -> memref<1x64xf32, #tpu.memory_space<vmem>>
          %dma_wait3A_673 = arith.constant 0 : i32
          %dma_wait3A_674 = arith.constant 0 : i32
          %dma_wait3A_675 = tpu.memref_slice %arg4[%dma_wait3A_673, %dma_wait3A_674] : memref<1000000x64xf32, #tpu.memory_space<hbm>> -> memref<1x64xf32, #tpu.memory_space<hbm>>
          %dma_wait3A_676 = arith.constant 8 : i32
          %dma_wait3A_677 = arith.constant 0 : i32
          %dma_wait3A_678 = tpu.memref_slice %arg9[%dma_wait3A_676, %dma_wait3A_677] : memref<256x64xf32, #tpu.memory_space<vmem>> -> memref<1x64xf32, #tpu.memory_space<vmem>>
          %dma_wait3A_679 = arith.constant 0 : i32
          %dma_wait3A_680 = arith.constant 0 : i32
          %dma_wait3A_681 = tpu.memref_slice %arg4[%dma_wait3A_679, %dma_wait3A_680] : memref<1000000x64xf32, #tpu.memory_space<hbm>> -> memref<1x64xf32, #tpu.memory_space<hbm>>
          tpu.wait_dma2 semaphore(%arg12 : memref<!tpu.dma_semaphore, #tpu.memory_space<semaphore_mem>>) src(%dma_wait3A_681 : memref<1x64xf32, #tpu.memory_space<hbm>>) dst(%dma_wait3A_678 : memref<1x64xf32, #tpu.memory_space<vmem>>)
          %dma_wait3A_682 = arith.constant 8 : i32
          %dma_wait3A_683 = arith.constant 0 : i32
          %dma_wait3A_684 = tpu.memref_slice %arg10[%dma_wait3A_682, %dma_wait3A_683] : memref<256x64xf32, #tpu.memory_space<vmem>> -> memref<1x64xf32, #tpu.memory_space<vmem>>
          %dma_wait3A_685 = arith.constant 0 : i32
          %dma_wait3A_686 = arith.constant 0 : i32
          %dma_wait3A_687 = tpu.memref_slice %arg5[%dma_wait3A_685, %dma_wait3A_686] : memref<1000000x64xf32, #tpu.memory_space<hbm>> -> memref<1x64xf32, #tpu.memory_space<hbm>>
          %dma_wait3A_688 = arith.constant 8 : i32
          %dma_wait3A_689 = arith.constant 0 : i32
          %dma_wait3A_690 = tpu.memref_slice %arg10[%dma_wait3A_688, %dma_wait3A_689] : memref<256x64xf32, #tpu.memory_space<vmem>> -> memref<1x64xf32, #tpu.memory_space<vmem>>
          %dma_wait3A_691 = arith.constant 0 : i32
          %dma_wait3A_692 = arith.constant 0 : i32
          %dma_wait3A_693 = tpu.memref_slice %arg5[%dma_wait3A_691, %dma_wait3A_692] : memref<1000000x64xf32, #tpu.memory_space<hbm>> -> memref<1x64xf32, #tpu.memory_space<hbm>>
          tpu.wait_dma2 semaphore(%arg12 : memref<!tpu.dma_semaphore, #tpu.memory_space<semaphore_mem>>) src(%dma_wait3A_693 : memref<1x64xf32, #tpu.memory_space<hbm>>) dst(%dma_wait3A_690 : memref<1x64xf32, #tpu.memory_space<vmem>>)
          %dma_wait3A_694 = arith.constant 9 : i32
          %dma_wait3A_695 = arith.constant 0 : i32
          %dma_wait3A_696 = tpu.memref_slice %arg9[%dma_wait3A_694, %dma_wait3A_695] : memref<256x64xf32, #tpu.memory_space<vmem>> -> memref<1x64xf32, #tpu.memory_space<vmem>>
          %dma_wait3A_697 = arith.constant 0 : i32
          %dma_wait3A_698 = arith.constant 0 : i32
          %dma_wait3A_699 = tpu.memref_slice %arg4[%dma_wait3A_697, %dma_wait3A_698] : memref<1000000x64xf32, #tpu.memory_space<hbm>> -> memref<1x64xf32, #tpu.memory_space<hbm>>
          %dma_wait3A_700 = arith.constant 9 : i32
          %dma_wait3A_701 = arith.constant 0 : i32
          %dma_wait3A_702 = tpu.memref_slice %arg9[%dma_wait3A_700, %dma_wait3A_701] : memref<256x64xf32, #tpu.memory_space<vmem>> -> memref<1x64xf32, #tpu.memory_space<vmem>>
          %dma_wait3A_703 = arith.constant 0 : i32
          %dma_wait3A_704 = arith.constant 0 : i32
          %dma_wait3A_705 = tpu.memref_slice %arg4[%dma_wait3A_703, %dma_wait3A_704] : memref<1000000x64xf32, #tpu.memory_space<hbm>> -> memref<1x64xf32, #tpu.memory_space<hbm>>
          tpu.wait_dma2 semaphore(%arg12 : memref<!tpu.dma_semaphore, #tpu.memory_space<semaphore_mem>>) src(%dma_wait3A_705 : memref<1x64xf32, #tpu.memory_space<hbm>>) dst(%dma_wait3A_702 : memref<1x64xf32, #tpu.memory_space<vmem>>)
          %dma_wait3A_706 = arith.constant 9 : i32
          %dma_wait3A_707 = arith.constant 0 : i32
          %dma_wait3A_708 = tpu.memref_slice %arg10[%dma_wait3A_706, %dma_wait3A_707] : memref<256x64xf32, #tpu.memory_space<vmem>> -> memref<1x64xf32, #tpu.memory_space<vmem>>
          %dma_wait3A_709 = arith.constant 0 : i32
          %dma_wait3A_710 = arith.constant 0 : i32
          %dma_wait3A_711 = tpu.memref_slice %arg5[%dma_wait3A_709, %dma_wait3A_710] : memref<1000000x64xf32, #tpu.memory_space<hbm>> -> memref<1x64xf32, #tpu.memory_space<hbm>>
          %dma_wait3A_712 = arith.constant 9 : i32
          %dma_wait3A_713 = arith.constant 0 : i32
          %dma_wait3A_714 = tpu.memref_slice %arg10[%dma_wait3A_712, %dma_wait3A_713] : memref<256x64xf32, #tpu.memory_space<vmem>> -> memref<1x64xf32, #tpu.memory_space<vmem>>
          %dma_wait3A_715 = arith.constant 0 : i32
          %dma_wait3A_716 = arith.constant 0 : i32
          %dma_wait3A_717 = tpu.memref_slice %arg5[%dma_wait3A_715, %dma_wait3A_716] : memref<1000000x64xf32, #tpu.memory_space<hbm>> -> memref<1x64xf32, #tpu.memory_space<hbm>>
          tpu.wait_dma2 semaphore(%arg12 : memref<!tpu.dma_semaphore, #tpu.memory_space<semaphore_mem>>) src(%dma_wait3A_717 : memref<1x64xf32, #tpu.memory_space<hbm>>) dst(%dma_wait3A_714 : memref<1x64xf32, #tpu.memory_space<vmem>>)
          %dma_wait3A_718 = arith.constant 10 : i32
          %dma_wait3A_719 = arith.constant 0 : i32
          %dma_wait3A_720 = tpu.memref_slice %arg9[%dma_wait3A_718, %dma_wait3A_719] : memref<256x64xf32, #tpu.memory_space<vmem>> -> memref<1x64xf32, #tpu.memory_space<vmem>>
          %dma_wait3A_721 = arith.constant 0 : i32
          %dma_wait3A_722 = arith.constant 0 : i32
          %dma_wait3A_723 = tpu.memref_slice %arg4[%dma_wait3A_721, %dma_wait3A_722] : memref<1000000x64xf32, #tpu.memory_space<hbm>> -> memref<1x64xf32, #tpu.memory_space<hbm>>
          %dma_wait3A_724 = arith.constant 10 : i32
          %dma_wait3A_725 = arith.constant 0 : i32
          %dma_wait3A_726 = tpu.memref_slice %arg9[%dma_wait3A_724, %dma_wait3A_725] : memref<256x64xf32, #tpu.memory_space<vmem>> -> memref<1x64xf32, #tpu.memory_space<vmem>>
          %dma_wait3A_727 = arith.constant 0 : i32
          %dma_wait3A_728 = arith.constant 0 : i32
          %dma_wait3A_729 = tpu.memref_slice %arg4[%dma_wait3A_727, %dma_wait3A_728] : memref<1000000x64xf32, #tpu.memory_space<hbm>> -> memref<1x64xf32, #tpu.memory_space<hbm>>
          tpu.wait_dma2 semaphore(%arg12 : memref<!tpu.dma_semaphore, #tpu.memory_space<semaphore_mem>>) src(%dma_wait3A_729 : memref<1x64xf32, #tpu.memory_space<hbm>>) dst(%dma_wait3A_726 : memref<1x64xf32, #tpu.memory_space<vmem>>)
          %dma_wait3A_730 = arith.constant 10 : i32
          %dma_wait3A_731 = arith.constant 0 : i32
          %dma_wait3A_732 = tpu.memref_slice %arg10[%dma_wait3A_730, %dma_wait3A_731] : memref<256x64xf32, #tpu.memory_space<vmem>> -> memref<1x64xf32, #tpu.memory_space<vmem>>
          %dma_wait3A_733 = arith.constant 0 : i32
          %dma_wait3A_734 = arith.constant 0 : i32
          %dma_wait3A_735 = tpu.memref_slice %arg5[%dma_wait3A_733, %dma_wait3A_734] : memref<1000000x64xf32, #tpu.memory_space<hbm>> -> memref<1x64xf32, #tpu.memory_space<hbm>>
          %dma_wait3A_736 = arith.constant 10 : i32
          %dma_wait3A_737 = arith.constant 0 : i32
          %dma_wait3A_738 = tpu.memref_slice %arg10[%dma_wait3A_736, %dma_wait3A_737] : memref<256x64xf32, #tpu.memory_space<vmem>> -> memref<1x64xf32, #tpu.memory_space<vmem>>
          %dma_wait3A_739 = arith.constant 0 : i32
          %dma_wait3A_740 = arith.constant 0 : i32
          %dma_wait3A_741 = tpu.memref_slice %arg5[%dma_wait3A_739, %dma_wait3A_740] : memref<1000000x64xf32, #tpu.memory_space<hbm>> -> memref<1x64xf32, #tpu.memory_space<hbm>>
          tpu.wait_dma2 semaphore(%arg12 : memref<!tpu.dma_semaphore, #tpu.memory_space<semaphore_mem>>) src(%dma_wait3A_741 : memref<1x64xf32, #tpu.memory_space<hbm>>) dst(%dma_wait3A_738 : memref<1x64xf32, #tpu.memory_space<vmem>>)
          %dma_wait3A_742 = arith.constant 11 : i32
          %dma_wait3A_743 = arith.constant 0 : i32
          %dma_wait3A_744 = tpu.memref_slice %arg9[%dma_wait3A_742, %dma_wait3A_743] : memref<256x64xf32, #tpu.memory_space<vmem>> -> memref<1x64xf32, #tpu.memory_space<vmem>>
          %dma_wait3A_745 = arith.constant 0 : i32
          %dma_wait3A_746 = arith.constant 0 : i32
          %dma_wait3A_747 = tpu.memref_slice %arg4[%dma_wait3A_745, %dma_wait3A_746] : memref<1000000x64xf32, #tpu.memory_space<hbm>> -> memref<1x64xf32, #tpu.memory_space<hbm>>
          %dma_wait3A_748 = arith.constant 11 : i32
          %dma_wait3A_749 = arith.constant 0 : i32
          %dma_wait3A_750 = tpu.memref_slice %arg9[%dma_wait3A_748, %dma_wait3A_749] : memref<256x64xf32, #tpu.memory_space<vmem>> -> memref<1x64xf32, #tpu.memory_space<vmem>>
          %dma_wait3A_751 = arith.constant 0 : i32
          %dma_wait3A_752 = arith.constant 0 : i32
          %dma_wait3A_753 = tpu.memref_slice %arg4[%dma_wait3A_751, %dma_wait3A_752] : memref<1000000x64xf32, #tpu.memory_space<hbm>> -> memref<1x64xf32, #tpu.memory_space<hbm>>
          tpu.wait_dma2 semaphore(%arg12 : memref<!tpu.dma_semaphore, #tpu.memory_space<semaphore_mem>>) src(%dma_wait3A_753 : memref<1x64xf32, #tpu.memory_space<hbm>>) dst(%dma_wait3A_750 : memref<1x64xf32, #tpu.memory_space<vmem>>)
          %dma_wait3A_754 = arith.constant 11 : i32
          %dma_wait3A_755 = arith.constant 0 : i32
          %dma_wait3A_756 = tpu.memref_slice %arg10[%dma_wait3A_754, %dma_wait3A_755] : memref<256x64xf32, #tpu.memory_space<vmem>> -> memref<1x64xf32, #tpu.memory_space<vmem>>
          %dma_wait3A_757 = arith.constant 0 : i32
          %dma_wait3A_758 = arith.constant 0 : i32
          %dma_wait3A_759 = tpu.memref_slice %arg5[%dma_wait3A_757, %dma_wait3A_758] : memref<1000000x64xf32, #tpu.memory_space<hbm>> -> memref<1x64xf32, #tpu.memory_space<hbm>>
          %dma_wait3A_760 = arith.constant 11 : i32
          %dma_wait3A_761 = arith.constant 0 : i32
          %dma_wait3A_762 = tpu.memref_slice %arg10[%dma_wait3A_760, %dma_wait3A_761] : memref<256x64xf32, #tpu.memory_space<vmem>> -> memref<1x64xf32, #tpu.memory_space<vmem>>
          %dma_wait3A_763 = arith.constant 0 : i32
          %dma_wait3A_764 = arith.constant 0 : i32
          %dma_wait3A_765 = tpu.memref_slice %arg5[%dma_wait3A_763, %dma_wait3A_764] : memref<1000000x64xf32, #tpu.memory_space<hbm>> -> memref<1x64xf32, #tpu.memory_space<hbm>>
          tpu.wait_dma2 semaphore(%arg12 : memref<!tpu.dma_semaphore, #tpu.memory_space<semaphore_mem>>) src(%dma_wait3A_765 : memref<1x64xf32, #tpu.memory_space<hbm>>) dst(%dma_wait3A_762 : memref<1x64xf32, #tpu.memory_space<vmem>>)
          %dma_wait3A_766 = arith.constant 12 : i32
          %dma_wait3A_767 = arith.constant 0 : i32
          %dma_wait3A_768 = tpu.memref_slice %arg9[%dma_wait3A_766, %dma_wait3A_767] : memref<256x64xf32, #tpu.memory_space<vmem>> -> memref<1x64xf32, #tpu.memory_space<vmem>>
          %dma_wait3A_769 = arith.constant 0 : i32
          %dma_wait3A_770 = arith.constant 0 : i32
          %dma_wait3A_771 = tpu.memref_slice %arg4[%dma_wait3A_769, %dma_wait3A_770] : memref<1000000x64xf32, #tpu.memory_space<hbm>> -> memref<1x64xf32, #tpu.memory_space<hbm>>
          %dma_wait3A_772 = arith.constant 12 : i32
          %dma_wait3A_773 = arith.constant 0 : i32
          %dma_wait3A_774 = tpu.memref_slice %arg9[%dma_wait3A_772, %dma_wait3A_773] : memref<256x64xf32, #tpu.memory_space<vmem>> -> memref<1x64xf32, #tpu.memory_space<vmem>>
          %dma_wait3A_775 = arith.constant 0 : i32
          %dma_wait3A_776 = arith.constant 0 : i32
          %dma_wait3A_777 = tpu.memref_slice %arg4[%dma_wait3A_775, %dma_wait3A_776] : memref<1000000x64xf32, #tpu.memory_space<hbm>> -> memref<1x64xf32, #tpu.memory_space<hbm>>
          tpu.wait_dma2 semaphore(%arg12 : memref<!tpu.dma_semaphore, #tpu.memory_space<semaphore_mem>>) src(%dma_wait3A_777 : memref<1x64xf32, #tpu.memory_space<hbm>>) dst(%dma_wait3A_774 : memref<1x64xf32, #tpu.memory_space<vmem>>)
          %dma_wait3A_778 = arith.constant 12 : i32
          %dma_wait3A_779 = arith.constant 0 : i32
          %dma_wait3A_780 = tpu.memref_slice %arg10[%dma_wait3A_778, %dma_wait3A_779] : memref<256x64xf32, #tpu.memory_space<vmem>> -> memref<1x64xf32, #tpu.memory_space<vmem>>
          %dma_wait3A_781 = arith.constant 0 : i32
          %dma_wait3A_782 = arith.constant 0 : i32
          %dma_wait3A_783 = tpu.memref_slice %arg5[%dma_wait3A_781, %dma_wait3A_782] : memref<1000000x64xf32, #tpu.memory_space<hbm>> -> memref<1x64xf32, #tpu.memory_space<hbm>>
          %dma_wait3A_784 = arith.constant 12 : i32
          %dma_wait3A_785 = arith.constant 0 : i32
          %dma_wait3A_786 = tpu.memref_slice %arg10[%dma_wait3A_784, %dma_wait3A_785] : memref<256x64xf32, #tpu.memory_space<vmem>> -> memref<1x64xf32, #tpu.memory_space<vmem>>
          %dma_wait3A_787 = arith.constant 0 : i32
          %dma_wait3A_788 = arith.constant 0 : i32
          %dma_wait3A_789 = tpu.memref_slice %arg5[%dma_wait3A_787, %dma_wait3A_788] : memref<1000000x64xf32, #tpu.memory_space<hbm>> -> memref<1x64xf32, #tpu.memory_space<hbm>>
          tpu.wait_dma2 semaphore(%arg12 : memref<!tpu.dma_semaphore, #tpu.memory_space<semaphore_mem>>) src(%dma_wait3A_789 : memref<1x64xf32, #tpu.memory_space<hbm>>) dst(%dma_wait3A_786 : memref<1x64xf32, #tpu.memory_space<vmem>>)
          %dma_wait3A_790 = arith.constant 13 : i32
          %dma_wait3A_791 = arith.constant 0 : i32
          %dma_wait3A_792 = tpu.memref_slice %arg9[%dma_wait3A_790, %dma_wait3A_791] : memref<256x64xf32, #tpu.memory_space<vmem>> -> memref<1x64xf32, #tpu.memory_space<vmem>>
          %dma_wait3A_793 = arith.constant 0 : i32
          %dma_wait3A_794 = arith.constant 0 : i32
          %dma_wait3A_795 = tpu.memref_slice %arg4[%dma_wait3A_793, %dma_wait3A_794] : memref<1000000x64xf32, #tpu.memory_space<hbm>> -> memref<1x64xf32, #tpu.memory_space<hbm>>
          %dma_wait3A_796 = arith.constant 13 : i32
          %dma_wait3A_797 = arith.constant 0 : i32
          %dma_wait3A_798 = tpu.memref_slice %arg9[%dma_wait3A_796, %dma_wait3A_797] : memref<256x64xf32, #tpu.memory_space<vmem>> -> memref<1x64xf32, #tpu.memory_space<vmem>>
          %dma_wait3A_799 = arith.constant 0 : i32
          %dma_wait3A_800 = arith.constant 0 : i32
          %dma_wait3A_801 = tpu.memref_slice %arg4[%dma_wait3A_799, %dma_wait3A_800] : memref<1000000x64xf32, #tpu.memory_space<hbm>> -> memref<1x64xf32, #tpu.memory_space<hbm>>
          tpu.wait_dma2 semaphore(%arg12 : memref<!tpu.dma_semaphore, #tpu.memory_space<semaphore_mem>>) src(%dma_wait3A_801 : memref<1x64xf32, #tpu.memory_space<hbm>>) dst(%dma_wait3A_798 : memref<1x64xf32, #tpu.memory_space<vmem>>)
          %dma_wait3A_802 = arith.constant 13 : i32
          %dma_wait3A_803 = arith.constant 0 : i32
          %dma_wait3A_804 = tpu.memref_slice %arg10[%dma_wait3A_802, %dma_wait3A_803] : memref<256x64xf32, #tpu.memory_space<vmem>> -> memref<1x64xf32, #tpu.memory_space<vmem>>
          %dma_wait3A_805 = arith.constant 0 : i32
          %dma_wait3A_806 = arith.constant 0 : i32
          %dma_wait3A_807 = tpu.memref_slice %arg5[%dma_wait3A_805, %dma_wait3A_806] : memref<1000000x64xf32, #tpu.memory_space<hbm>> -> memref<1x64xf32, #tpu.memory_space<hbm>>
          %dma_wait3A_808 = arith.constant 13 : i32
          %dma_wait3A_809 = arith.constant 0 : i32
          %dma_wait3A_810 = tpu.memref_slice %arg10[%dma_wait3A_808, %dma_wait3A_809] : memref<256x64xf32, #tpu.memory_space<vmem>> -> memref<1x64xf32, #tpu.memory_space<vmem>>
          %dma_wait3A_811 = arith.constant 0 : i32
          %dma_wait3A_812 = arith.constant 0 : i32
          %dma_wait3A_813 = tpu.memref_slice %arg5[%dma_wait3A_811, %dma_wait3A_812] : memref<1000000x64xf32, #tpu.memory_space<hbm>> -> memref<1x64xf32, #tpu.memory_space<hbm>>
          tpu.wait_dma2 semaphore(%arg12 : memref<!tpu.dma_semaphore, #tpu.memory_space<semaphore_mem>>) src(%dma_wait3A_813 : memref<1x64xf32, #tpu.memory_space<hbm>>) dst(%dma_wait3A_810 : memref<1x64xf32, #tpu.memory_space<vmem>>)
          %dma_wait3A_814 = arith.constant 14 : i32
          %dma_wait3A_815 = arith.constant 0 : i32
          %dma_wait3A_816 = tpu.memref_slice %arg9[%dma_wait3A_814, %dma_wait3A_815] : memref<256x64xf32, #tpu.memory_space<vmem>> -> memref<1x64xf32, #tpu.memory_space<vmem>>
          %dma_wait3A_817 = arith.constant 0 : i32
          %dma_wait3A_818 = arith.constant 0 : i32
          %dma_wait3A_819 = tpu.memref_slice %arg4[%dma_wait3A_817, %dma_wait3A_818] : memref<1000000x64xf32, #tpu.memory_space<hbm>> -> memref<1x64xf32, #tpu.memory_space<hbm>>
          %dma_wait3A_820 = arith.constant 14 : i32
          %dma_wait3A_821 = arith.constant 0 : i32
          %dma_wait3A_822 = tpu.memref_slice %arg9[%dma_wait3A_820, %dma_wait3A_821] : memref<256x64xf32, #tpu.memory_space<vmem>> -> memref<1x64xf32, #tpu.memory_space<vmem>>
          %dma_wait3A_823 = arith.constant 0 : i32
          %dma_wait3A_824 = arith.constant 0 : i32
          %dma_wait3A_825 = tpu.memref_slice %arg4[%dma_wait3A_823, %dma_wait3A_824] : memref<1000000x64xf32, #tpu.memory_space<hbm>> -> memref<1x64xf32, #tpu.memory_space<hbm>>
          tpu.wait_dma2 semaphore(%arg12 : memref<!tpu.dma_semaphore, #tpu.memory_space<semaphore_mem>>) src(%dma_wait3A_825 : memref<1x64xf32, #tpu.memory_space<hbm>>) dst(%dma_wait3A_822 : memref<1x64xf32, #tpu.memory_space<vmem>>)
          %dma_wait3A_826 = arith.constant 14 : i32
          %dma_wait3A_827 = arith.constant 0 : i32
          %dma_wait3A_828 = tpu.memref_slice %arg10[%dma_wait3A_826, %dma_wait3A_827] : memref<256x64xf32, #tpu.memory_space<vmem>> -> memref<1x64xf32, #tpu.memory_space<vmem>>
          %dma_wait3A_829 = arith.constant 0 : i32
          %dma_wait3A_830 = arith.constant 0 : i32
          %dma_wait3A_831 = tpu.memref_slice %arg5[%dma_wait3A_829, %dma_wait3A_830] : memref<1000000x64xf32, #tpu.memory_space<hbm>> -> memref<1x64xf32, #tpu.memory_space<hbm>>
          %dma_wait3A_832 = arith.constant 14 : i32
          %dma_wait3A_833 = arith.constant 0 : i32
          %dma_wait3A_834 = tpu.memref_slice %arg10[%dma_wait3A_832, %dma_wait3A_833] : memref<256x64xf32, #tpu.memory_space<vmem>> -> memref<1x64xf32, #tpu.memory_space<vmem>>
          %dma_wait3A_835 = arith.constant 0 : i32
          %dma_wait3A_836 = arith.constant 0 : i32
          %dma_wait3A_837 = tpu.memref_slice %arg5[%dma_wait3A_835, %dma_wait3A_836] : memref<1000000x64xf32, #tpu.memory_space<hbm>> -> memref<1x64xf32, #tpu.memory_space<hbm>>
          tpu.wait_dma2 semaphore(%arg12 : memref<!tpu.dma_semaphore, #tpu.memory_space<semaphore_mem>>) src(%dma_wait3A_837 : memref<1x64xf32, #tpu.memory_space<hbm>>) dst(%dma_wait3A_834 : memref<1x64xf32, #tpu.memory_space<vmem>>)
          %dma_wait3A_838 = arith.constant 15 : i32
          %dma_wait3A_839 = arith.constant 0 : i32
          %dma_wait3A_840 = tpu.memref_slice %arg9[%dma_wait3A_838, %dma_wait3A_839] : memref<256x64xf32, #tpu.memory_space<vmem>> -> memref<1x64xf32, #tpu.memory_space<vmem>>
          %dma_wait3A_841 = arith.constant 0 : i32
          %dma_wait3A_842 = arith.constant 0 : i32
          %dma_wait3A_843 = tpu.memref_slice %arg4[%dma_wait3A_841, %dma_wait3A_842] : memref<1000000x64xf32, #tpu.memory_space<hbm>> -> memref<1x64xf32, #tpu.memory_space<hbm>>
          %dma_wait3A_844 = arith.constant 15 : i32
          %dma_wait3A_845 = arith.constant 0 : i32
          %dma_wait3A_846 = tpu.memref_slice %arg9[%dma_wait3A_844, %dma_wait3A_845] : memref<256x64xf32, #tpu.memory_space<vmem>> -> memref<1x64xf32, #tpu.memory_space<vmem>>
          %dma_wait3A_847 = arith.constant 0 : i32
          %dma_wait3A_848 = arith.constant 0 : i32
          %dma_wait3A_849 = tpu.memref_slice %arg4[%dma_wait3A_847, %dma_wait3A_848] : memref<1000000x64xf32, #tpu.memory_space<hbm>> -> memref<1x64xf32, #tpu.memory_space<hbm>>
          tpu.wait_dma2 semaphore(%arg12 : memref<!tpu.dma_semaphore, #tpu.memory_space<semaphore_mem>>) src(%dma_wait3A_849 : memref<1x64xf32, #tpu.memory_space<hbm>>) dst(%dma_wait3A_846 : memref<1x64xf32, #tpu.memory_space<vmem>>)
          %dma_wait3A_850 = arith.constant 15 : i32
          %dma_wait3A_851 = arith.constant 0 : i32
          %dma_wait3A_852 = tpu.memref_slice %arg10[%dma_wait3A_850, %dma_wait3A_851] : memref<256x64xf32, #tpu.memory_space<vmem>> -> memref<1x64xf32, #tpu.memory_space<vmem>>
          %dma_wait3A_853 = arith.constant 0 : i32
          %dma_wait3A_854 = arith.constant 0 : i32
          %dma_wait3A_855 = tpu.memref_slice %arg5[%dma_wait3A_853, %dma_wait3A_854] : memref<1000000x64xf32, #tpu.memory_space<hbm>> -> memref<1x64xf32, #tpu.memory_space<hbm>>
          %dma_wait3A_856 = arith.constant 15 : i32
          %dma_wait3A_857 = arith.constant 0 : i32
          %dma_wait3A_858 = tpu.memref_slice %arg10[%dma_wait3A_856, %dma_wait3A_857] : memref<256x64xf32, #tpu.memory_space<vmem>> -> memref<1x64xf32, #tpu.memory_space<vmem>>
          %dma_wait3A_859 = arith.constant 0 : i32
          %dma_wait3A_860 = arith.constant 0 : i32
          %dma_wait3A_861 = tpu.memref_slice %arg5[%dma_wait3A_859, %dma_wait3A_860] : memref<1000000x64xf32, #tpu.memory_space<hbm>> -> memref<1x64xf32, #tpu.memory_space<hbm>>
          tpu.wait_dma2 semaphore(%arg12 : memref<!tpu.dma_semaphore, #tpu.memory_space<semaphore_mem>>) src(%dma_wait3A_861 : memref<1x64xf32, #tpu.memory_space<hbm>>) dst(%dma_wait3A_858 : memref<1x64xf32, #tpu.memory_space<vmem>>)
        } else {
        }
        %jit3A_458 = arith.constant 2 : i32
        %eq3A_459 = arith.constant 0 : i32
        %eq3A_460 = arith.cmpi eq, %jit3A_458, %eq3A_459 : i32
        %jit3A_461 = arith.constant 1 : i32
        %select_n3A_462 = arith.select %eq3A_460, %jit3A_461, %jit3A_458 : i32
        %rem3A_463 = arith.remsi %scan3A_413, %select_n3A_462 : i32
        %ne3A_464 = arith.constant 0 : i32
        %ne3A_465 = arith.cmpi ne, %rem3A_463, %ne3A_464 : i32
        %lt3A_466 = arith.constant 0 : i32
        %lt3A_467 = arith.cmpi slt, %rem3A_463, %lt3A_466 : i32
        %lt3A_468 = arith.constant 0 : i32
        %lt3A_469 = arith.cmpi slt, %select_n3A_462, %lt3A_468 : i32
        %ne3A_470 = arith.xori %lt3A_467, %lt3A_469 : i1
        %and3A_471 = arith.andi %ne3A_470, %ne3A_465 : i1
        %add3A_472 = arith.addi %rem3A_463, %select_n3A_462 : i32
        %select_n3A_473 = arith.select %and3A_471, %add3A_472, %rem3A_463 : i32
        %eq3A_474 = arith.constant 0 : i32
        %eq3A_475 = arith.cmpi eq, %select_n3A_473, %eq3A_474 : i32
        %convert_element_type3A_476 = arith.extui %eq3A_475 : i1 to i32
        %cond3A_477 = arith.constant 0 : i32
        %cond3A_478 = arith.cmpi ne, %convert_element_type3A_476, %cond3A_477 : i32
        scf.if %cond3A_478 {
          %dma_wait3A = arith.constant 0 : i32
          %dma_wait3A_479 = arith.constant 0 : i32
          %dma_wait3A_480 = tpu.memref_slice %arg9[%dma_wait3A, %dma_wait3A_479] : memref<256x64xf32, #tpu.memory_space<vmem>> -> memref<1x64xf32, #tpu.memory_space<vmem>>
          %dma_wait3A_481 = arith.constant 0 : i32
          %dma_wait3A_482 = arith.constant 0 : i32
          %dma_wait3A_483 = tpu.memref_slice %arg4[%dma_wait3A_481, %dma_wait3A_482] : memref<1000000x64xf32, #tpu.memory_space<hbm>> -> memref<1x64xf32, #tpu.memory_space<hbm>>
          %dma_wait3A_484 = arith.constant 0 : i32
          %dma_wait3A_485 = arith.constant 0 : i32
          %dma_wait3A_486 = tpu.memref_slice %arg9[%dma_wait3A_484, %dma_wait3A_485] : memref<256x64xf32, #tpu.memory_space<vmem>> -> memref<1x64xf32, #tpu.memory_space<vmem>>
          %dma_wait3A_487 = arith.constant 0 : i32
          %dma_wait3A_488 = arith.constant 0 : i32
          %dma_wait3A_489 = tpu.memref_slice %arg4[%dma_wait3A_487, %dma_wait3A_488] : memref<1000000x64xf32, #tpu.memory_space<hbm>> -> memref<1x64xf32, #tpu.memory_space<hbm>>
          tpu.wait_dma2 semaphore(%arg13 : memref<!tpu.dma_semaphore, #tpu.memory_space<semaphore_mem>>) src(%dma_wait3A_489 : memref<1x64xf32, #tpu.memory_space<hbm>>) dst(%dma_wait3A_486 : memref<1x64xf32, #tpu.memory_space<vmem>>)
          %dma_wait3A_490 = arith.constant 0 : i32
          %dma_wait3A_491 = arith.constant 0 : i32
          %dma_wait3A_492 = tpu.memref_slice %arg10[%dma_wait3A_490, %dma_wait3A_491] : memref<256x64xf32, #tpu.memory_space<vmem>> -> memref<1x64xf32, #tpu.memory_space<vmem>>
          %dma_wait3A_493 = arith.constant 0 : i32
          %dma_wait3A_494 = arith.constant 0 : i32
          %dma_wait3A_495 = tpu.memref_slice %arg5[%dma_wait3A_493, %dma_wait3A_494] : memref<1000000x64xf32, #tpu.memory_space<hbm>> -> memref<1x64xf32, #tpu.memory_space<hbm>>
          %dma_wait3A_496 = arith.constant 0 : i32
          %dma_wait3A_497 = arith.constant 0 : i32
          %dma_wait3A_498 = tpu.memref_slice %arg10[%dma_wait3A_496, %dma_wait3A_497] : memref<256x64xf32, #tpu.memory_space<vmem>> -> memref<1x64xf32, #tpu.memory_space<vmem>>
          %dma_wait3A_499 = arith.constant 0 : i32
          %dma_wait3A_500 = arith.constant 0 : i32
          %dma_wait3A_501 = tpu.memref_slice %arg5[%dma_wait3A_499, %dma_wait3A_500] : memref<1000000x64xf32, #tpu.memory_space<hbm>> -> memref<1x64xf32, #tpu.memory_space<hbm>>
          tpu.wait_dma2 semaphore(%arg13 : memref<!tpu.dma_semaphore, #tpu.memory_space<semaphore_mem>>) src(%dma_wait3A_501 : memref<1x64xf32, #tpu.memory_space<hbm>>) dst(%dma_wait3A_498 : memref<1x64xf32, #tpu.memory_space<vmem>>)
          %dma_wait3A_502 = arith.constant 1 : i32
          %dma_wait3A_503 = arith.constant 0 : i32
          %dma_wait3A_504 = tpu.memref_slice %arg9[%dma_wait3A_502, %dma_wait3A_503] : memref<256x64xf32, #tpu.memory_space<vmem>> -> memref<1x64xf32, #tpu.memory_space<vmem>>
          %dma_wait3A_505 = arith.constant 0 : i32
          %dma_wait3A_506 = arith.constant 0 : i32
          %dma_wait3A_507 = tpu.memref_slice %arg4[%dma_wait3A_505, %dma_wait3A_506] : memref<1000000x64xf32, #tpu.memory_space<hbm>> -> memref<1x64xf32, #tpu.memory_space<hbm>>
          %dma_wait3A_508 = arith.constant 1 : i32
          %dma_wait3A_509 = arith.constant 0 : i32
          %dma_wait3A_510 = tpu.memref_slice %arg9[%dma_wait3A_508, %dma_wait3A_509] : memref<256x64xf32, #tpu.memory_space<vmem>> -> memref<1x64xf32, #tpu.memory_space<vmem>>
          %dma_wait3A_511 = arith.constant 0 : i32
          %dma_wait3A_512 = arith.constant 0 : i32
          %dma_wait3A_513 = tpu.memref_slice %arg4[%dma_wait3A_511, %dma_wait3A_512] : memref<1000000x64xf32, #tpu.memory_space<hbm>> -> memref<1x64xf32, #tpu.memory_space<hbm>>
          tpu.wait_dma2 semaphore(%arg13 : memref<!tpu.dma_semaphore, #tpu.memory_space<semaphore_mem>>) src(%dma_wait3A_513 : memref<1x64xf32, #tpu.memory_space<hbm>>) dst(%dma_wait3A_510 : memref<1x64xf32, #tpu.memory_space<vmem>>)
          %dma_wait3A_514 = arith.constant 1 : i32
          %dma_wait3A_515 = arith.constant 0 : i32
          %dma_wait3A_516 = tpu.memref_slice %arg10[%dma_wait3A_514, %dma_wait3A_515] : memref<256x64xf32, #tpu.memory_space<vmem>> -> memref<1x64xf32, #tpu.memory_space<vmem>>
          %dma_wait3A_517 = arith.constant 0 : i32
          %dma_wait3A_518 = arith.constant 0 : i32
          %dma_wait3A_519 = tpu.memref_slice %arg5[%dma_wait3A_517, %dma_wait3A_518] : memref<1000000x64xf32, #tpu.memory_space<hbm>> -> memref<1x64xf32, #tpu.memory_space<hbm>>
          %dma_wait3A_520 = arith.constant 1 : i32
          %dma_wait3A_521 = arith.constant 0 : i32
          %dma_wait3A_522 = tpu.memref_slice %arg10[%dma_wait3A_520, %dma_wait3A_521] : memref<256x64xf32, #tpu.memory_space<vmem>> -> memref<1x64xf32, #tpu.memory_space<vmem>>
          %dma_wait3A_523 = arith.constant 0 : i32
          %dma_wait3A_524 = arith.constant 0 : i32
          %dma_wait3A_525 = tpu.memref_slice %arg5[%dma_wait3A_523, %dma_wait3A_524] : memref<1000000x64xf32, #tpu.memory_space<hbm>> -> memref<1x64xf32, #tpu.memory_space<hbm>>
          tpu.wait_dma2 semaphore(%arg13 : memref<!tpu.dma_semaphore, #tpu.memory_space<semaphore_mem>>) src(%dma_wait3A_525 : memref<1x64xf32, #tpu.memory_space<hbm>>) dst(%dma_wait3A_522 : memref<1x64xf32, #tpu.memory_space<vmem>>)
          %dma_wait3A_526 = arith.constant 2 : i32
          %dma_wait3A_527 = arith.constant 0 : i32
          %dma_wait3A_528 = tpu.memref_slice %arg9[%dma_wait3A_526, %dma_wait3A_527] : memref<256x64xf32, #tpu.memory_space<vmem>> -> memref<1x64xf32, #tpu.memory_space<vmem>>
          %dma_wait3A_529 = arith.constant 0 : i32
          %dma_wait3A_530 = arith.constant 0 : i32
          %dma_wait3A_531 = tpu.memref_slice %arg4[%dma_wait3A_529, %dma_wait3A_530] : memref<1000000x64xf32, #tpu.memory_space<hbm>> -> memref<1x64xf32, #tpu.memory_space<hbm>>
          %dma_wait3A_532 = arith.constant 2 : i32
          %dma_wait3A_533 = arith.constant 0 : i32
          %dma_wait3A_534 = tpu.memref_slice %arg9[%dma_wait3A_532, %dma_wait3A_533] : memref<256x64xf32, #tpu.memory_space<vmem>> -> memref<1x64xf32, #tpu.memory_space<vmem>>
          %dma_wait3A_535 = arith.constant 0 : i32
          %dma_wait3A_536 = arith.constant 0 : i32
          %dma_wait3A_537 = tpu.memref_slice %arg4[%dma_wait3A_535, %dma_wait3A_536] : memref<1000000x64xf32, #tpu.memory_space<hbm>> -> memref<1x64xf32, #tpu.memory_space<hbm>>
          tpu.wait_dma2 semaphore(%arg13 : memref<!tpu.dma_semaphore, #tpu.memory_space<semaphore_mem>>) src(%dma_wait3A_537 : memref<1x64xf32, #tpu.memory_space<hbm>>) dst(%dma_wait3A_534 : memref<1x64xf32, #tpu.memory_space<vmem>>)
          %dma_wait3A_538 = arith.constant 2 : i32
          %dma_wait3A_539 = arith.constant 0 : i32
          %dma_wait3A_540 = tpu.memref_slice %arg10[%dma_wait3A_538, %dma_wait3A_539] : memref<256x64xf32, #tpu.memory_space<vmem>> -> memref<1x64xf32, #tpu.memory_space<vmem>>
          %dma_wait3A_541 = arith.constant 0 : i32
          %dma_wait3A_542 = arith.constant 0 : i32
          %dma_wait3A_543 = tpu.memref_slice %arg5[%dma_wait3A_541, %dma_wait3A_542] : memref<1000000x64xf32, #tpu.memory_space<hbm>> -> memref<1x64xf32, #tpu.memory_space<hbm>>
          %dma_wait3A_544 = arith.constant 2 : i32
          %dma_wait3A_545 = arith.constant 0 : i32
          %dma_wait3A_546 = tpu.memref_slice %arg10[%dma_wait3A_544, %dma_wait3A_545] : memref<256x64xf32, #tpu.memory_space<vmem>> -> memref<1x64xf32, #tpu.memory_space<vmem>>
          %dma_wait3A_547 = arith.constant 0 : i32
          %dma_wait3A_548 = arith.constant 0 : i32
          %dma_wait3A_549 = tpu.memref_slice %arg5[%dma_wait3A_547, %dma_wait3A_548] : memref<1000000x64xf32, #tpu.memory_space<hbm>> -> memref<1x64xf32, #tpu.memory_space<hbm>>
          tpu.wait_dma2 semaphore(%arg13 : memref<!tpu.dma_semaphore, #tpu.memory_space<semaphore_mem>>) src(%dma_wait3A_549 : memref<1x64xf32, #tpu.memory_space<hbm>>) dst(%dma_wait3A_546 : memref<1x64xf32, #tpu.memory_space<vmem>>)
          %dma_wait3A_550 = arith.constant 3 : i32
          %dma_wait3A_551 = arith.constant 0 : i32
          %dma_wait3A_552 = tpu.memref_slice %arg9[%dma_wait3A_550, %dma_wait3A_551] : memref<256x64xf32, #tpu.memory_space<vmem>> -> memref<1x64xf32, #tpu.memory_space<vmem>>
          %dma_wait3A_553 = arith.constant 0 : i32
          %dma_wait3A_554 = arith.constant 0 : i32
          %dma_wait3A_555 = tpu.memref_slice %arg4[%dma_wait3A_553, %dma_wait3A_554] : memref<1000000x64xf32, #tpu.memory_space<hbm>> -> memref<1x64xf32, #tpu.memory_space<hbm>>
          %dma_wait3A_556 = arith.constant 3 : i32
          %dma_wait3A_557 = arith.constant 0 : i32
          %dma_wait3A_558 = tpu.memref_slice %arg9[%dma_wait3A_556, %dma_wait3A_557] : memref<256x64xf32, #tpu.memory_space<vmem>> -> memref<1x64xf32, #tpu.memory_space<vmem>>
          %dma_wait3A_559 = arith.constant 0 : i32
          %dma_wait3A_560 = arith.constant 0 : i32
          %dma_wait3A_561 = tpu.memref_slice %arg4[%dma_wait3A_559, %dma_wait3A_560] : memref<1000000x64xf32, #tpu.memory_space<hbm>> -> memref<1x64xf32, #tpu.memory_space<hbm>>
          tpu.wait_dma2 semaphore(%arg13 : memref<!tpu.dma_semaphore, #tpu.memory_space<semaphore_mem>>) src(%dma_wait3A_561 : memref<1x64xf32, #tpu.memory_space<hbm>>) dst(%dma_wait3A_558 : memref<1x64xf32, #tpu.memory_space<vmem>>)
          %dma_wait3A_562 = arith.constant 3 : i32
          %dma_wait3A_563 = arith.constant 0 : i32
          %dma_wait3A_564 = tpu.memref_slice %arg10[%dma_wait3A_562, %dma_wait3A_563] : memref<256x64xf32, #tpu.memory_space<vmem>> -> memref<1x64xf32, #tpu.memory_space<vmem>>
          %dma_wait3A_565 = arith.constant 0 : i32
          %dma_wait3A_566 = arith.constant 0 : i32
          %dma_wait3A_567 = tpu.memref_slice %arg5[%dma_wait3A_565, %dma_wait3A_566] : memref<1000000x64xf32, #tpu.memory_space<hbm>> -> memref<1x64xf32, #tpu.memory_space<hbm>>
          %dma_wait3A_568 = arith.constant 3 : i32
          %dma_wait3A_569 = arith.constant 0 : i32
          %dma_wait3A_570 = tpu.memref_slice %arg10[%dma_wait3A_568, %dma_wait3A_569] : memref<256x64xf32, #tpu.memory_space<vmem>> -> memref<1x64xf32, #tpu.memory_space<vmem>>
          %dma_wait3A_571 = arith.constant 0 : i32
          %dma_wait3A_572 = arith.constant 0 : i32
          %dma_wait3A_573 = tpu.memref_slice %arg5[%dma_wait3A_571, %dma_wait3A_572] : memref<1000000x64xf32, #tpu.memory_space<hbm>> -> memref<1x64xf32, #tpu.memory_space<hbm>>
          tpu.wait_dma2 semaphore(%arg13 : memref<!tpu.dma_semaphore, #tpu.memory_space<semaphore_mem>>) src(%dma_wait3A_573 : memref<1x64xf32, #tpu.memory_space<hbm>>) dst(%dma_wait3A_570 : memref<1x64xf32, #tpu.memory_space<vmem>>)
          %dma_wait3A_574 = arith.constant 4 : i32
          %dma_wait3A_575 = arith.constant 0 : i32
          %dma_wait3A_576 = tpu.memref_slice %arg9[%dma_wait3A_574, %dma_wait3A_575] : memref<256x64xf32, #tpu.memory_space<vmem>> -> memref<1x64xf32, #tpu.memory_space<vmem>>
          %dma_wait3A_577 = arith.constant 0 : i32
          %dma_wait3A_578 = arith.constant 0 : i32
          %dma_wait3A_579 = tpu.memref_slice %arg4[%dma_wait3A_577, %dma_wait3A_578] : memref<1000000x64xf32, #tpu.memory_space<hbm>> -> memref<1x64xf32, #tpu.memory_space<hbm>>
          %dma_wait3A_580 = arith.constant 4 : i32
          %dma_wait3A_581 = arith.constant 0 : i32
          %dma_wait3A_582 = tpu.memref_slice %arg9[%dma_wait3A_580, %dma_wait3A_581] : memref<256x64xf32, #tpu.memory_space<vmem>> -> memref<1x64xf32, #tpu.memory_space<vmem>>
          %dma_wait3A_583 = arith.constant 0 : i32
          %dma_wait3A_584 = arith.constant 0 : i32
          %dma_wait3A_585 = tpu.memref_slice %arg4[%dma_wait3A_583, %dma_wait3A_584] : memref<1000000x64xf32, #tpu.memory_space<hbm>> -> memref<1x64xf32, #tpu.memory_space<hbm>>
          tpu.wait_dma2 semaphore(%arg13 : memref<!tpu.dma_semaphore, #tpu.memory_space<semaphore_mem>>) src(%dma_wait3A_585 : memref<1x64xf32, #tpu.memory_space<hbm>>) dst(%dma_wait3A_582 : memref<1x64xf32, #tpu.memory_space<vmem>>)
          %dma_wait3A_586 = arith.constant 4 : i32
          %dma_wait3A_587 = arith.constant 0 : i32
          %dma_wait3A_588 = tpu.memref_slice %arg10[%dma_wait3A_586, %dma_wait3A_587] : memref<256x64xf32, #tpu.memory_space<vmem>> -> memref<1x64xf32, #tpu.memory_space<vmem>>
          %dma_wait3A_589 = arith.constant 0 : i32
          %dma_wait3A_590 = arith.constant 0 : i32
          %dma_wait3A_591 = tpu.memref_slice %arg5[%dma_wait3A_589, %dma_wait3A_590] : memref<1000000x64xf32, #tpu.memory_space<hbm>> -> memref<1x64xf32, #tpu.memory_space<hbm>>
          %dma_wait3A_592 = arith.constant 4 : i32
          %dma_wait3A_593 = arith.constant 0 : i32
          %dma_wait3A_594 = tpu.memref_slice %arg10[%dma_wait3A_592, %dma_wait3A_593] : memref<256x64xf32, #tpu.memory_space<vmem>> -> memref<1x64xf32, #tpu.memory_space<vmem>>
          %dma_wait3A_595 = arith.constant 0 : i32
          %dma_wait3A_596 = arith.constant 0 : i32
          %dma_wait3A_597 = tpu.memref_slice %arg5[%dma_wait3A_595, %dma_wait3A_596] : memref<1000000x64xf32, #tpu.memory_space<hbm>> -> memref<1x64xf32, #tpu.memory_space<hbm>>
          tpu.wait_dma2 semaphore(%arg13 : memref<!tpu.dma_semaphore, #tpu.memory_space<semaphore_mem>>) src(%dma_wait3A_597 : memref<1x64xf32, #tpu.memory_space<hbm>>) dst(%dma_wait3A_594 : memref<1x64xf32, #tpu.memory_space<vmem>>)
          %dma_wait3A_598 = arith.constant 5 : i32
          %dma_wait3A_599 = arith.constant 0 : i32
          %dma_wait3A_600 = tpu.memref_slice %arg9[%dma_wait3A_598, %dma_wait3A_599] : memref<256x64xf32, #tpu.memory_space<vmem>> -> memref<1x64xf32, #tpu.memory_space<vmem>>
          %dma_wait3A_601 = arith.constant 0 : i32
          %dma_wait3A_602 = arith.constant 0 : i32
          %dma_wait3A_603 = tpu.memref_slice %arg4[%dma_wait3A_601, %dma_wait3A_602] : memref<1000000x64xf32, #tpu.memory_space<hbm>> -> memref<1x64xf32, #tpu.memory_space<hbm>>
          %dma_wait3A_604 = arith.constant 5 : i32
          %dma_wait3A_605 = arith.constant 0 : i32
          %dma_wait3A_606 = tpu.memref_slice %arg9[%dma_wait3A_604, %dma_wait3A_605] : memref<256x64xf32, #tpu.memory_space<vmem>> -> memref<1x64xf32, #tpu.memory_space<vmem>>
          %dma_wait3A_607 = arith.constant 0 : i32
          %dma_wait3A_608 = arith.constant 0 : i32
          %dma_wait3A_609 = tpu.memref_slice %arg4[%dma_wait3A_607, %dma_wait3A_608] : memref<1000000x64xf32, #tpu.memory_space<hbm>> -> memref<1x64xf32, #tpu.memory_space<hbm>>
          tpu.wait_dma2 semaphore(%arg13 : memref<!tpu.dma_semaphore, #tpu.memory_space<semaphore_mem>>) src(%dma_wait3A_609 : memref<1x64xf32, #tpu.memory_space<hbm>>) dst(%dma_wait3A_606 : memref<1x64xf32, #tpu.memory_space<vmem>>)
          %dma_wait3A_610 = arith.constant 5 : i32
          %dma_wait3A_611 = arith.constant 0 : i32
          %dma_wait3A_612 = tpu.memref_slice %arg10[%dma_wait3A_610, %dma_wait3A_611] : memref<256x64xf32, #tpu.memory_space<vmem>> -> memref<1x64xf32, #tpu.memory_space<vmem>>
          %dma_wait3A_613 = arith.constant 0 : i32
          %dma_wait3A_614 = arith.constant 0 : i32
          %dma_wait3A_615 = tpu.memref_slice %arg5[%dma_wait3A_613, %dma_wait3A_614] : memref<1000000x64xf32, #tpu.memory_space<hbm>> -> memref<1x64xf32, #tpu.memory_space<hbm>>
          %dma_wait3A_616 = arith.constant 5 : i32
          %dma_wait3A_617 = arith.constant 0 : i32
          %dma_wait3A_618 = tpu.memref_slice %arg10[%dma_wait3A_616, %dma_wait3A_617] : memref<256x64xf32, #tpu.memory_space<vmem>> -> memref<1x64xf32, #tpu.memory_space<vmem>>
          %dma_wait3A_619 = arith.constant 0 : i32
          %dma_wait3A_620 = arith.constant 0 : i32
          %dma_wait3A_621 = tpu.memref_slice %arg5[%dma_wait3A_619, %dma_wait3A_620] : memref<1000000x64xf32, #tpu.memory_space<hbm>> -> memref<1x64xf32, #tpu.memory_space<hbm>>
          tpu.wait_dma2 semaphore(%arg13 : memref<!tpu.dma_semaphore, #tpu.memory_space<semaphore_mem>>) src(%dma_wait3A_621 : memref<1x64xf32, #tpu.memory_space<hbm>>) dst(%dma_wait3A_618 : memref<1x64xf32, #tpu.memory_space<vmem>>)
          %dma_wait3A_622 = arith.constant 6 : i32
          %dma_wait3A_623 = arith.constant 0 : i32
          %dma_wait3A_624 = tpu.memref_slice %arg9[%dma_wait3A_622, %dma_wait3A_623] : memref<256x64xf32, #tpu.memory_space<vmem>> -> memref<1x64xf32, #tpu.memory_space<vmem>>
          %dma_wait3A_625 = arith.constant 0 : i32
          %dma_wait3A_626 = arith.constant 0 : i32
          %dma_wait3A_627 = tpu.memref_slice %arg4[%dma_wait3A_625, %dma_wait3A_626] : memref<1000000x64xf32, #tpu.memory_space<hbm>> -> memref<1x64xf32, #tpu.memory_space<hbm>>
          %dma_wait3A_628 = arith.constant 6 : i32
          %dma_wait3A_629 = arith.constant 0 : i32
          %dma_wait3A_630 = tpu.memref_slice %arg9[%dma_wait3A_628, %dma_wait3A_629] : memref<256x64xf32, #tpu.memory_space<vmem>> -> memref<1x64xf32, #tpu.memory_space<vmem>>
          %dma_wait3A_631 = arith.constant 0 : i32
          %dma_wait3A_632 = arith.constant 0 : i32
          %dma_wait3A_633 = tpu.memref_slice %arg4[%dma_wait3A_631, %dma_wait3A_632] : memref<1000000x64xf32, #tpu.memory_space<hbm>> -> memref<1x64xf32, #tpu.memory_space<hbm>>
          tpu.wait_dma2 semaphore(%arg13 : memref<!tpu.dma_semaphore, #tpu.memory_space<semaphore_mem>>) src(%dma_wait3A_633 : memref<1x64xf32, #tpu.memory_space<hbm>>) dst(%dma_wait3A_630 : memref<1x64xf32, #tpu.memory_space<vmem>>)
          %dma_wait3A_634 = arith.constant 6 : i32
          %dma_wait3A_635 = arith.constant 0 : i32
          %dma_wait3A_636 = tpu.memref_slice %arg10[%dma_wait3A_634, %dma_wait3A_635] : memref<256x64xf32, #tpu.memory_space<vmem>> -> memref<1x64xf32, #tpu.memory_space<vmem>>
          %dma_wait3A_637 = arith.constant 0 : i32
          %dma_wait3A_638 = arith.constant 0 : i32
          %dma_wait3A_639 = tpu.memref_slice %arg5[%dma_wait3A_637, %dma_wait3A_638] : memref<1000000x64xf32, #tpu.memory_space<hbm>> -> memref<1x64xf32, #tpu.memory_space<hbm>>
          %dma_wait3A_640 = arith.constant 6 : i32
          %dma_wait3A_641 = arith.constant 0 : i32
          %dma_wait3A_642 = tpu.memref_slice %arg10[%dma_wait3A_640, %dma_wait3A_641] : memref<256x64xf32, #tpu.memory_space<vmem>> -> memref<1x64xf32, #tpu.memory_space<vmem>>
          %dma_wait3A_643 = arith.constant 0 : i32
          %dma_wait3A_644 = arith.constant 0 : i32
          %dma_wait3A_645 = tpu.memref_slice %arg5[%dma_wait3A_643, %dma_wait3A_644] : memref<1000000x64xf32, #tpu.memory_space<hbm>> -> memref<1x64xf32, #tpu.memory_space<hbm>>
          tpu.wait_dma2 semaphore(%arg13 : memref<!tpu.dma_semaphore, #tpu.memory_space<semaphore_mem>>) src(%dma_wait3A_645 : memref<1x64xf32, #tpu.memory_space<hbm>>) dst(%dma_wait3A_642 : memref<1x64xf32, #tpu.memory_space<vmem>>)
          %dma_wait3A_646 = arith.constant 7 : i32
          %dma_wait3A_647 = arith.constant 0 : i32
          %dma_wait3A_648 = tpu.memref_slice %arg9[%dma_wait3A_646, %dma_wait3A_647] : memref<256x64xf32, #tpu.memory_space<vmem>> -> memref<1x64xf32, #tpu.memory_space<vmem>>
          %dma_wait3A_649 = arith.constant 0 : i32
          %dma_wait3A_650 = arith.constant 0 : i32
          %dma_wait3A_651 = tpu.memref_slice %arg4[%dma_wait3A_649, %dma_wait3A_650] : memref<1000000x64xf32, #tpu.memory_space<hbm>> -> memref<1x64xf32, #tpu.memory_space<hbm>>
          %dma_wait3A_652 = arith.constant 7 : i32
          %dma_wait3A_653 = arith.constant 0 : i32
          %dma_wait3A_654 = tpu.memref_slice %arg9[%dma_wait3A_652, %dma_wait3A_653] : memref<256x64xf32, #tpu.memory_space<vmem>> -> memref<1x64xf32, #tpu.memory_space<vmem>>
          %dma_wait3A_655 = arith.constant 0 : i32
          %dma_wait3A_656 = arith.constant 0 : i32
          %dma_wait3A_657 = tpu.memref_slice %arg4[%dma_wait3A_655, %dma_wait3A_656] : memref<1000000x64xf32, #tpu.memory_space<hbm>> -> memref<1x64xf32, #tpu.memory_space<hbm>>
          tpu.wait_dma2 semaphore(%arg13 : memref<!tpu.dma_semaphore, #tpu.memory_space<semaphore_mem>>) src(%dma_wait3A_657 : memref<1x64xf32, #tpu.memory_space<hbm>>) dst(%dma_wait3A_654 : memref<1x64xf32, #tpu.memory_space<vmem>>)
          %dma_wait3A_658 = arith.constant 7 : i32
          %dma_wait3A_659 = arith.constant 0 : i32
          %dma_wait3A_660 = tpu.memref_slice %arg10[%dma_wait3A_658, %dma_wait3A_659] : memref<256x64xf32, #tpu.memory_space<vmem>> -> memref<1x64xf32, #tpu.memory_space<vmem>>
          %dma_wait3A_661 = arith.constant 0 : i32
          %dma_wait3A_662 = arith.constant 0 : i32
          %dma_wait3A_663 = tpu.memref_slice %arg5[%dma_wait3A_661, %dma_wait3A_662] : memref<1000000x64xf32, #tpu.memory_space<hbm>> -> memref<1x64xf32, #tpu.memory_space<hbm>>
          %dma_wait3A_664 = arith.constant 7 : i32
          %dma_wait3A_665 = arith.constant 0 : i32
          %dma_wait3A_666 = tpu.memref_slice %arg10[%dma_wait3A_664, %dma_wait3A_665] : memref<256x64xf32, #tpu.memory_space<vmem>> -> memref<1x64xf32, #tpu.memory_space<vmem>>
          %dma_wait3A_667 = arith.constant 0 : i32
          %dma_wait3A_668 = arith.constant 0 : i32
          %dma_wait3A_669 = tpu.memref_slice %arg5[%dma_wait3A_667, %dma_wait3A_668] : memref<1000000x64xf32, #tpu.memory_space<hbm>> -> memref<1x64xf32, #tpu.memory_space<hbm>>
          tpu.wait_dma2 semaphore(%arg13 : memref<!tpu.dma_semaphore, #tpu.memory_space<semaphore_mem>>) src(%dma_wait3A_669 : memref<1x64xf32, #tpu.memory_space<hbm>>) dst(%dma_wait3A_666 : memref<1x64xf32, #tpu.memory_space<vmem>>)
          %dma_wait3A_670 = arith.constant 8 : i32
          %dma_wait3A_671 = arith.constant 0 : i32
          %dma_wait3A_672 = tpu.memref_slice %arg9[%dma_wait3A_670, %dma_wait3A_671] : memref<256x64xf32, #tpu.memory_space<vmem>> -> memref<1x64xf32, #tpu.memory_space<vmem>>
          %dma_wait3A_673 = arith.constant 0 : i32
          %dma_wait3A_674 = arith.constant 0 : i32
          %dma_wait3A_675 = tpu.memref_slice %arg4[%dma_wait3A_673, %dma_wait3A_674] : memref<1000000x64xf32, #tpu.memory_space<hbm>> -> memref<1x64xf32, #tpu.memory_space<hbm>>
          %dma_wait3A_676 = arith.constant 8 : i32
          %dma_wait3A_677 = arith.constant 0 : i32
          %dma_wait3A_678 = tpu.memref_slice %arg9[%dma_wait3A_676, %dma_wait3A_677] : memref<256x64xf32, #tpu.memory_space<vmem>> -> memref<1x64xf32, #tpu.memory_space<vmem>>
          %dma_wait3A_679 = arith.constant 0 : i32
          %dma_wait3A_680 = arith.constant 0 : i32
          %dma_wait3A_681 = tpu.memref_slice %arg4[%dma_wait3A_679, %dma_wait3A_680] : memref<1000000x64xf32, #tpu.memory_space<hbm>> -> memref<1x64xf32, #tpu.memory_space<hbm>>
          tpu.wait_dma2 semaphore(%arg13 : memref<!tpu.dma_semaphore, #tpu.memory_space<semaphore_mem>>) src(%dma_wait3A_681 : memref<1x64xf32, #tpu.memory_space<hbm>>) dst(%dma_wait3A_678 : memref<1x64xf32, #tpu.memory_space<vmem>>)
          %dma_wait3A_682 = arith.constant 8 : i32
          %dma_wait3A_683 = arith.constant 0 : i32
          %dma_wait3A_684 = tpu.memref_slice %arg10[%dma_wait3A_682, %dma_wait3A_683] : memref<256x64xf32, #tpu.memory_space<vmem>> -> memref<1x64xf32, #tpu.memory_space<vmem>>
          %dma_wait3A_685 = arith.constant 0 : i32
          %dma_wait3A_686 = arith.constant 0 : i32
          %dma_wait3A_687 = tpu.memref_slice %arg5[%dma_wait3A_685, %dma_wait3A_686] : memref<1000000x64xf32, #tpu.memory_space<hbm>> -> memref<1x64xf32, #tpu.memory_space<hbm>>
          %dma_wait3A_688 = arith.constant 8 : i32
          %dma_wait3A_689 = arith.constant 0 : i32
          %dma_wait3A_690 = tpu.memref_slice %arg10[%dma_wait3A_688, %dma_wait3A_689] : memref<256x64xf32, #tpu.memory_space<vmem>> -> memref<1x64xf32, #tpu.memory_space<vmem>>
          %dma_wait3A_691 = arith.constant 0 : i32
          %dma_wait3A_692 = arith.constant 0 : i32
          %dma_wait3A_693 = tpu.memref_slice %arg5[%dma_wait3A_691, %dma_wait3A_692] : memref<1000000x64xf32, #tpu.memory_space<hbm>> -> memref<1x64xf32, #tpu.memory_space<hbm>>
          tpu.wait_dma2 semaphore(%arg13 : memref<!tpu.dma_semaphore, #tpu.memory_space<semaphore_mem>>) src(%dma_wait3A_693 : memref<1x64xf32, #tpu.memory_space<hbm>>) dst(%dma_wait3A_690 : memref<1x64xf32, #tpu.memory_space<vmem>>)
          %dma_wait3A_694 = arith.constant 9 : i32
          %dma_wait3A_695 = arith.constant 0 : i32
          %dma_wait3A_696 = tpu.memref_slice %arg9[%dma_wait3A_694, %dma_wait3A_695] : memref<256x64xf32, #tpu.memory_space<vmem>> -> memref<1x64xf32, #tpu.memory_space<vmem>>
          %dma_wait3A_697 = arith.constant 0 : i32
          %dma_wait3A_698 = arith.constant 0 : i32
          %dma_wait3A_699 = tpu.memref_slice %arg4[%dma_wait3A_697, %dma_wait3A_698] : memref<1000000x64xf32, #tpu.memory_space<hbm>> -> memref<1x64xf32, #tpu.memory_space<hbm>>
          %dma_wait3A_700 = arith.constant 9 : i32
          %dma_wait3A_701 = arith.constant 0 : i32
          %dma_wait3A_702 = tpu.memref_slice %arg9[%dma_wait3A_700, %dma_wait3A_701] : memref<256x64xf32, #tpu.memory_space<vmem>> -> memref<1x64xf32, #tpu.memory_space<vmem>>
          %dma_wait3A_703 = arith.constant 0 : i32
          %dma_wait3A_704 = arith.constant 0 : i32
          %dma_wait3A_705 = tpu.memref_slice %arg4[%dma_wait3A_703, %dma_wait3A_704] : memref<1000000x64xf32, #tpu.memory_space<hbm>> -> memref<1x64xf32, #tpu.memory_space<hbm>>
          tpu.wait_dma2 semaphore(%arg13 : memref<!tpu.dma_semaphore, #tpu.memory_space<semaphore_mem>>) src(%dma_wait3A_705 : memref<1x64xf32, #tpu.memory_space<hbm>>) dst(%dma_wait3A_702 : memref<1x64xf32, #tpu.memory_space<vmem>>)
          %dma_wait3A_706 = arith.constant 9 : i32
          %dma_wait3A_707 = arith.constant 0 : i32
          %dma_wait3A_708 = tpu.memref_slice %arg10[%dma_wait3A_706, %dma_wait3A_707] : memref<256x64xf32, #tpu.memory_space<vmem>> -> memref<1x64xf32, #tpu.memory_space<vmem>>
          %dma_wait3A_709 = arith.constant 0 : i32
          %dma_wait3A_710 = arith.constant 0 : i32
          %dma_wait3A_711 = tpu.memref_slice %arg5[%dma_wait3A_709, %dma_wait3A_710] : memref<1000000x64xf32, #tpu.memory_space<hbm>> -> memref<1x64xf32, #tpu.memory_space<hbm>>
          %dma_wait3A_712 = arith.constant 9 : i32
          %dma_wait3A_713 = arith.constant 0 : i32
          %dma_wait3A_714 = tpu.memref_slice %arg10[%dma_wait3A_712, %dma_wait3A_713] : memref<256x64xf32, #tpu.memory_space<vmem>> -> memref<1x64xf32, #tpu.memory_space<vmem>>
          %dma_wait3A_715 = arith.constant 0 : i32
          %dma_wait3A_716 = arith.constant 0 : i32
          %dma_wait3A_717 = tpu.memref_slice %arg5[%dma_wait3A_715, %dma_wait3A_716] : memref<1000000x64xf32, #tpu.memory_space<hbm>> -> memref<1x64xf32, #tpu.memory_space<hbm>>
          tpu.wait_dma2 semaphore(%arg13 : memref<!tpu.dma_semaphore, #tpu.memory_space<semaphore_mem>>) src(%dma_wait3A_717 : memref<1x64xf32, #tpu.memory_space<hbm>>) dst(%dma_wait3A_714 : memref<1x64xf32, #tpu.memory_space<vmem>>)
          %dma_wait3A_718 = arith.constant 10 : i32
          %dma_wait3A_719 = arith.constant 0 : i32
          %dma_wait3A_720 = tpu.memref_slice %arg9[%dma_wait3A_718, %dma_wait3A_719] : memref<256x64xf32, #tpu.memory_space<vmem>> -> memref<1x64xf32, #tpu.memory_space<vmem>>
          %dma_wait3A_721 = arith.constant 0 : i32
          %dma_wait3A_722 = arith.constant 0 : i32
          %dma_wait3A_723 = tpu.memref_slice %arg4[%dma_wait3A_721, %dma_wait3A_722] : memref<1000000x64xf32, #tpu.memory_space<hbm>> -> memref<1x64xf32, #tpu.memory_space<hbm>>
          %dma_wait3A_724 = arith.constant 10 : i32
          %dma_wait3A_725 = arith.constant 0 : i32
          %dma_wait3A_726 = tpu.memref_slice %arg9[%dma_wait3A_724, %dma_wait3A_725] : memref<256x64xf32, #tpu.memory_space<vmem>> -> memref<1x64xf32, #tpu.memory_space<vmem>>
          %dma_wait3A_727 = arith.constant 0 : i32
          %dma_wait3A_728 = arith.constant 0 : i32
          %dma_wait3A_729 = tpu.memref_slice %arg4[%dma_wait3A_727, %dma_wait3A_728] : memref<1000000x64xf32, #tpu.memory_space<hbm>> -> memref<1x64xf32, #tpu.memory_space<hbm>>
          tpu.wait_dma2 semaphore(%arg13 : memref<!tpu.dma_semaphore, #tpu.memory_space<semaphore_mem>>) src(%dma_wait3A_729 : memref<1x64xf32, #tpu.memory_space<hbm>>) dst(%dma_wait3A_726 : memref<1x64xf32, #tpu.memory_space<vmem>>)
          %dma_wait3A_730 = arith.constant 10 : i32
          %dma_wait3A_731 = arith.constant 0 : i32
          %dma_wait3A_732 = tpu.memref_slice %arg10[%dma_wait3A_730, %dma_wait3A_731] : memref<256x64xf32, #tpu.memory_space<vmem>> -> memref<1x64xf32, #tpu.memory_space<vmem>>
          %dma_wait3A_733 = arith.constant 0 : i32
          %dma_wait3A_734 = arith.constant 0 : i32
          %dma_wait3A_735 = tpu.memref_slice %arg5[%dma_wait3A_733, %dma_wait3A_734] : memref<1000000x64xf32, #tpu.memory_space<hbm>> -> memref<1x64xf32, #tpu.memory_space<hbm>>
          %dma_wait3A_736 = arith.constant 10 : i32
          %dma_wait3A_737 = arith.constant 0 : i32
          %dma_wait3A_738 = tpu.memref_slice %arg10[%dma_wait3A_736, %dma_wait3A_737] : memref<256x64xf32, #tpu.memory_space<vmem>> -> memref<1x64xf32, #tpu.memory_space<vmem>>
          %dma_wait3A_739 = arith.constant 0 : i32
          %dma_wait3A_740 = arith.constant 0 : i32
          %dma_wait3A_741 = tpu.memref_slice %arg5[%dma_wait3A_739, %dma_wait3A_740] : memref<1000000x64xf32, #tpu.memory_space<hbm>> -> memref<1x64xf32, #tpu.memory_space<hbm>>
          tpu.wait_dma2 semaphore(%arg13 : memref<!tpu.dma_semaphore, #tpu.memory_space<semaphore_mem>>) src(%dma_wait3A_741 : memref<1x64xf32, #tpu.memory_space<hbm>>) dst(%dma_wait3A_738 : memref<1x64xf32, #tpu.memory_space<vmem>>)
          %dma_wait3A_742 = arith.constant 11 : i32
          %dma_wait3A_743 = arith.constant 0 : i32
          %dma_wait3A_744 = tpu.memref_slice %arg9[%dma_wait3A_742, %dma_wait3A_743] : memref<256x64xf32, #tpu.memory_space<vmem>> -> memref<1x64xf32, #tpu.memory_space<vmem>>
          %dma_wait3A_745 = arith.constant 0 : i32
          %dma_wait3A_746 = arith.constant 0 : i32
          %dma_wait3A_747 = tpu.memref_slice %arg4[%dma_wait3A_745, %dma_wait3A_746] : memref<1000000x64xf32, #tpu.memory_space<hbm>> -> memref<1x64xf32, #tpu.memory_space<hbm>>
          %dma_wait3A_748 = arith.constant 11 : i32
          %dma_wait3A_749 = arith.constant 0 : i32
          %dma_wait3A_750 = tpu.memref_slice %arg9[%dma_wait3A_748, %dma_wait3A_749] : memref<256x64xf32, #tpu.memory_space<vmem>> -> memref<1x64xf32, #tpu.memory_space<vmem>>
          %dma_wait3A_751 = arith.constant 0 : i32
          %dma_wait3A_752 = arith.constant 0 : i32
          %dma_wait3A_753 = tpu.memref_slice %arg4[%dma_wait3A_751, %dma_wait3A_752] : memref<1000000x64xf32, #tpu.memory_space<hbm>> -> memref<1x64xf32, #tpu.memory_space<hbm>>
          tpu.wait_dma2 semaphore(%arg13 : memref<!tpu.dma_semaphore, #tpu.memory_space<semaphore_mem>>) src(%dma_wait3A_753 : memref<1x64xf32, #tpu.memory_space<hbm>>) dst(%dma_wait3A_750 : memref<1x64xf32, #tpu.memory_space<vmem>>)
          %dma_wait3A_754 = arith.constant 11 : i32
          %dma_wait3A_755 = arith.constant 0 : i32
          %dma_wait3A_756 = tpu.memref_slice %arg10[%dma_wait3A_754, %dma_wait3A_755] : memref<256x64xf32, #tpu.memory_space<vmem>> -> memref<1x64xf32, #tpu.memory_space<vmem>>
          %dma_wait3A_757 = arith.constant 0 : i32
          %dma_wait3A_758 = arith.constant 0 : i32
          %dma_wait3A_759 = tpu.memref_slice %arg5[%dma_wait3A_757, %dma_wait3A_758] : memref<1000000x64xf32, #tpu.memory_space<hbm>> -> memref<1x64xf32, #tpu.memory_space<hbm>>
          %dma_wait3A_760 = arith.constant 11 : i32
          %dma_wait3A_761 = arith.constant 0 : i32
          %dma_wait3A_762 = tpu.memref_slice %arg10[%dma_wait3A_760, %dma_wait3A_761] : memref<256x64xf32, #tpu.memory_space<vmem>> -> memref<1x64xf32, #tpu.memory_space<vmem>>
          %dma_wait3A_763 = arith.constant 0 : i32
          %dma_wait3A_764 = arith.constant 0 : i32
          %dma_wait3A_765 = tpu.memref_slice %arg5[%dma_wait3A_763, %dma_wait3A_764] : memref<1000000x64xf32, #tpu.memory_space<hbm>> -> memref<1x64xf32, #tpu.memory_space<hbm>>
          tpu.wait_dma2 semaphore(%arg13 : memref<!tpu.dma_semaphore, #tpu.memory_space<semaphore_mem>>) src(%dma_wait3A_765 : memref<1x64xf32, #tpu.memory_space<hbm>>) dst(%dma_wait3A_762 : memref<1x64xf32, #tpu.memory_space<vmem>>)
          %dma_wait3A_766 = arith.constant 12 : i32
          %dma_wait3A_767 = arith.constant 0 : i32
          %dma_wait3A_768 = tpu.memref_slice %arg9[%dma_wait3A_766, %dma_wait3A_767] : memref<256x64xf32, #tpu.memory_space<vmem>> -> memref<1x64xf32, #tpu.memory_space<vmem>>
          %dma_wait3A_769 = arith.constant 0 : i32
          %dma_wait3A_770 = arith.constant 0 : i32
          %dma_wait3A_771 = tpu.memref_slice %arg4[%dma_wait3A_769, %dma_wait3A_770] : memref<1000000x64xf32, #tpu.memory_space<hbm>> -> memref<1x64xf32, #tpu.memory_space<hbm>>
          %dma_wait3A_772 = arith.constant 12 : i32
          %dma_wait3A_773 = arith.constant 0 : i32
          %dma_wait3A_774 = tpu.memref_slice %arg9[%dma_wait3A_772, %dma_wait3A_773] : memref<256x64xf32, #tpu.memory_space<vmem>> -> memref<1x64xf32, #tpu.memory_space<vmem>>
          %dma_wait3A_775 = arith.constant 0 : i32
          %dma_wait3A_776 = arith.constant 0 : i32
          %dma_wait3A_777 = tpu.memref_slice %arg4[%dma_wait3A_775, %dma_wait3A_776] : memref<1000000x64xf32, #tpu.memory_space<hbm>> -> memref<1x64xf32, #tpu.memory_space<hbm>>
          tpu.wait_dma2 semaphore(%arg13 : memref<!tpu.dma_semaphore, #tpu.memory_space<semaphore_mem>>) src(%dma_wait3A_777 : memref<1x64xf32, #tpu.memory_space<hbm>>) dst(%dma_wait3A_774 : memref<1x64xf32, #tpu.memory_space<vmem>>)
          %dma_wait3A_778 = arith.constant 12 : i32
          %dma_wait3A_779 = arith.constant 0 : i32
          %dma_wait3A_780 = tpu.memref_slice %arg10[%dma_wait3A_778, %dma_wait3A_779] : memref<256x64xf32, #tpu.memory_space<vmem>> -> memref<1x64xf32, #tpu.memory_space<vmem>>
          %dma_wait3A_781 = arith.constant 0 : i32
          %dma_wait3A_782 = arith.constant 0 : i32
          %dma_wait3A_783 = tpu.memref_slice %arg5[%dma_wait3A_781, %dma_wait3A_782] : memref<1000000x64xf32, #tpu.memory_space<hbm>> -> memref<1x64xf32, #tpu.memory_space<hbm>>
          %dma_wait3A_784 = arith.constant 12 : i32
          %dma_wait3A_785 = arith.constant 0 : i32
          %dma_wait3A_786 = tpu.memref_slice %arg10[%dma_wait3A_784, %dma_wait3A_785] : memref<256x64xf32, #tpu.memory_space<vmem>> -> memref<1x64xf32, #tpu.memory_space<vmem>>
          %dma_wait3A_787 = arith.constant 0 : i32
          %dma_wait3A_788 = arith.constant 0 : i32
          %dma_wait3A_789 = tpu.memref_slice %arg5[%dma_wait3A_787, %dma_wait3A_788] : memref<1000000x64xf32, #tpu.memory_space<hbm>> -> memref<1x64xf32, #tpu.memory_space<hbm>>
          tpu.wait_dma2 semaphore(%arg13 : memref<!tpu.dma_semaphore, #tpu.memory_space<semaphore_mem>>) src(%dma_wait3A_789 : memref<1x64xf32, #tpu.memory_space<hbm>>) dst(%dma_wait3A_786 : memref<1x64xf32, #tpu.memory_space<vmem>>)
          %dma_wait3A_790 = arith.constant 13 : i32
          %dma_wait3A_791 = arith.constant 0 : i32
          %dma_wait3A_792 = tpu.memref_slice %arg9[%dma_wait3A_790, %dma_wait3A_791] : memref<256x64xf32, #tpu.memory_space<vmem>> -> memref<1x64xf32, #tpu.memory_space<vmem>>
          %dma_wait3A_793 = arith.constant 0 : i32
          %dma_wait3A_794 = arith.constant 0 : i32
          %dma_wait3A_795 = tpu.memref_slice %arg4[%dma_wait3A_793, %dma_wait3A_794] : memref<1000000x64xf32, #tpu.memory_space<hbm>> -> memref<1x64xf32, #tpu.memory_space<hbm>>
          %dma_wait3A_796 = arith.constant 13 : i32
          %dma_wait3A_797 = arith.constant 0 : i32
          %dma_wait3A_798 = tpu.memref_slice %arg9[%dma_wait3A_796, %dma_wait3A_797] : memref<256x64xf32, #tpu.memory_space<vmem>> -> memref<1x64xf32, #tpu.memory_space<vmem>>
          %dma_wait3A_799 = arith.constant 0 : i32
          %dma_wait3A_800 = arith.constant 0 : i32
          %dma_wait3A_801 = tpu.memref_slice %arg4[%dma_wait3A_799, %dma_wait3A_800] : memref<1000000x64xf32, #tpu.memory_space<hbm>> -> memref<1x64xf32, #tpu.memory_space<hbm>>
          tpu.wait_dma2 semaphore(%arg13 : memref<!tpu.dma_semaphore, #tpu.memory_space<semaphore_mem>>) src(%dma_wait3A_801 : memref<1x64xf32, #tpu.memory_space<hbm>>) dst(%dma_wait3A_798 : memref<1x64xf32, #tpu.memory_space<vmem>>)
          %dma_wait3A_802 = arith.constant 13 : i32
          %dma_wait3A_803 = arith.constant 0 : i32
          %dma_wait3A_804 = tpu.memref_slice %arg10[%dma_wait3A_802, %dma_wait3A_803] : memref<256x64xf32, #tpu.memory_space<vmem>> -> memref<1x64xf32, #tpu.memory_space<vmem>>
          %dma_wait3A_805 = arith.constant 0 : i32
          %dma_wait3A_806 = arith.constant 0 : i32
          %dma_wait3A_807 = tpu.memref_slice %arg5[%dma_wait3A_805, %dma_wait3A_806] : memref<1000000x64xf32, #tpu.memory_space<hbm>> -> memref<1x64xf32, #tpu.memory_space<hbm>>
          %dma_wait3A_808 = arith.constant 13 : i32
          %dma_wait3A_809 = arith.constant 0 : i32
          %dma_wait3A_810 = tpu.memref_slice %arg10[%dma_wait3A_808, %dma_wait3A_809] : memref<256x64xf32, #tpu.memory_space<vmem>> -> memref<1x64xf32, #tpu.memory_space<vmem>>
          %dma_wait3A_811 = arith.constant 0 : i32
          %dma_wait3A_812 = arith.constant 0 : i32
          %dma_wait3A_813 = tpu.memref_slice %arg5[%dma_wait3A_811, %dma_wait3A_812] : memref<1000000x64xf32, #tpu.memory_space<hbm>> -> memref<1x64xf32, #tpu.memory_space<hbm>>
          tpu.wait_dma2 semaphore(%arg13 : memref<!tpu.dma_semaphore, #tpu.memory_space<semaphore_mem>>) src(%dma_wait3A_813 : memref<1x64xf32, #tpu.memory_space<hbm>>) dst(%dma_wait3A_810 : memref<1x64xf32, #tpu.memory_space<vmem>>)
          %dma_wait3A_814 = arith.constant 14 : i32
          %dma_wait3A_815 = arith.constant 0 : i32
          %dma_wait3A_816 = tpu.memref_slice %arg9[%dma_wait3A_814, %dma_wait3A_815] : memref<256x64xf32, #tpu.memory_space<vmem>> -> memref<1x64xf32, #tpu.memory_space<vmem>>
          %dma_wait3A_817 = arith.constant 0 : i32
          %dma_wait3A_818 = arith.constant 0 : i32
          %dma_wait3A_819 = tpu.memref_slice %arg4[%dma_wait3A_817, %dma_wait3A_818] : memref<1000000x64xf32, #tpu.memory_space<hbm>> -> memref<1x64xf32, #tpu.memory_space<hbm>>
          %dma_wait3A_820 = arith.constant 14 : i32
          %dma_wait3A_821 = arith.constant 0 : i32
          %dma_wait3A_822 = tpu.memref_slice %arg9[%dma_wait3A_820, %dma_wait3A_821] : memref<256x64xf32, #tpu.memory_space<vmem>> -> memref<1x64xf32, #tpu.memory_space<vmem>>
          %dma_wait3A_823 = arith.constant 0 : i32
          %dma_wait3A_824 = arith.constant 0 : i32
          %dma_wait3A_825 = tpu.memref_slice %arg4[%dma_wait3A_823, %dma_wait3A_824] : memref<1000000x64xf32, #tpu.memory_space<hbm>> -> memref<1x64xf32, #tpu.memory_space<hbm>>
          tpu.wait_dma2 semaphore(%arg13 : memref<!tpu.dma_semaphore, #tpu.memory_space<semaphore_mem>>) src(%dma_wait3A_825 : memref<1x64xf32, #tpu.memory_space<hbm>>) dst(%dma_wait3A_822 : memref<1x64xf32, #tpu.memory_space<vmem>>)
          %dma_wait3A_826 = arith.constant 14 : i32
          %dma_wait3A_827 = arith.constant 0 : i32
          %dma_wait3A_828 = tpu.memref_slice %arg10[%dma_wait3A_826, %dma_wait3A_827] : memref<256x64xf32, #tpu.memory_space<vmem>> -> memref<1x64xf32, #tpu.memory_space<vmem>>
          %dma_wait3A_829 = arith.constant 0 : i32
          %dma_wait3A_830 = arith.constant 0 : i32
          %dma_wait3A_831 = tpu.memref_slice %arg5[%dma_wait3A_829, %dma_wait3A_830] : memref<1000000x64xf32, #tpu.memory_space<hbm>> -> memref<1x64xf32, #tpu.memory_space<hbm>>
          %dma_wait3A_832 = arith.constant 14 : i32
          %dma_wait3A_833 = arith.constant 0 : i32
          %dma_wait3A_834 = tpu.memref_slice %arg10[%dma_wait3A_832, %dma_wait3A_833] : memref<256x64xf32, #tpu.memory_space<vmem>> -> memref<1x64xf32, #tpu.memory_space<vmem>>
          %dma_wait3A_835 = arith.constant 0 : i32
          %dma_wait3A_836 = arith.constant 0 : i32
          %dma_wait3A_837 = tpu.memref_slice %arg5[%dma_wait3A_835, %dma_wait3A_836] : memref<1000000x64xf32, #tpu.memory_space<hbm>> -> memref<1x64xf32, #tpu.memory_space<hbm>>
          tpu.wait_dma2 semaphore(%arg13 : memref<!tpu.dma_semaphore, #tpu.memory_space<semaphore_mem>>) src(%dma_wait3A_837 : memref<1x64xf32, #tpu.memory_space<hbm>>) dst(%dma_wait3A_834 : memref<1x64xf32, #tpu.memory_space<vmem>>)
          %dma_wait3A_838 = arith.constant 15 : i32
          %dma_wait3A_839 = arith.constant 0 : i32
          %dma_wait3A_840 = tpu.memref_slice %arg9[%dma_wait3A_838, %dma_wait3A_839] : memref<256x64xf32, #tpu.memory_space<vmem>> -> memref<1x64xf32, #tpu.memory_space<vmem>>
          %dma_wait3A_841 = arith.constant 0 : i32
          %dma_wait3A_842 = arith.constant 0 : i32
          %dma_wait3A_843 = tpu.memref_slice %arg4[%dma_wait3A_841, %dma_wait3A_842] : memref<1000000x64xf32, #tpu.memory_space<hbm>> -> memref<1x64xf32, #tpu.memory_space<hbm>>
          %dma_wait3A_844 = arith.constant 15 : i32
          %dma_wait3A_845 = arith.constant 0 : i32
          %dma_wait3A_846 = tpu.memref_slice %arg9[%dma_wait3A_844, %dma_wait3A_845] : memref<256x64xf32, #tpu.memory_space<vmem>> -> memref<1x64xf32, #tpu.memory_space<vmem>>
          %dma_wait3A_847 = arith.constant 0 : i32
          %dma_wait3A_848 = arith.constant 0 : i32
          %dma_wait3A_849 = tpu.memref_slice %arg4[%dma_wait3A_847, %dma_wait3A_848] : memref<1000000x64xf32, #tpu.memory_space<hbm>> -> memref<1x64xf32, #tpu.memory_space<hbm>>
          tpu.wait_dma2 semaphore(%arg13 : memref<!tpu.dma_semaphore, #tpu.memory_space<semaphore_mem>>) src(%dma_wait3A_849 : memref<1x64xf32, #tpu.memory_space<hbm>>) dst(%dma_wait3A_846 : memref<1x64xf32, #tpu.memory_space<vmem>>)
          %dma_wait3A_850 = arith.constant 15 : i32
          %dma_wait3A_851 = arith.constant 0 : i32
          %dma_wait3A_852 = tpu.memref_slice %arg10[%dma_wait3A_850, %dma_wait3A_851] : memref<256x64xf32, #tpu.memory_space<vmem>> -> memref<1x64xf32, #tpu.memory_space<vmem>>
          %dma_wait3A_853 = arith.constant 0 : i32
          %dma_wait3A_854 = arith.constant 0 : i32
          %dma_wait3A_855 = tpu.memref_slice %arg5[%dma_wait3A_853, %dma_wait3A_854] : memref<1000000x64xf32, #tpu.memory_space<hbm>> -> memref<1x64xf32, #tpu.memory_space<hbm>>
          %dma_wait3A_856 = arith.constant 15 : i32
          %dma_wait3A_857 = arith.constant 0 : i32
          %dma_wait3A_858 = tpu.memref_slice %arg10[%dma_wait3A_856, %dma_wait3A_857] : memref<256x64xf32, #tpu.memory_space<vmem>> -> memref<1x64xf32, #tpu.memory_space<vmem>>
          %dma_wait3A_859 = arith.constant 0 : i32
          %dma_wait3A_860 = arith.constant 0 : i32
          %dma_wait3A_861 = tpu.memref_slice %arg5[%dma_wait3A_859, %dma_wait3A_860] : memref<1000000x64xf32, #tpu.memory_space<hbm>> -> memref<1x64xf32, #tpu.memory_space<hbm>>
          tpu.wait_dma2 semaphore(%arg13 : memref<!tpu.dma_semaphore, #tpu.memory_space<semaphore_mem>>) src(%dma_wait3A_861 : memref<1x64xf32, #tpu.memory_space<hbm>>) dst(%dma_wait3A_858 : memref<1x64xf32, #tpu.memory_space<vmem>>)
        } else {
        }
      }
      %scan3A_406 = arith.constant 16 : i32
      %scan3A_407 = arith.constant 0 : i32
      %scan3A_408 = arith.constant 0 : i32
      %scan3A_409 = arith.constant 256 : i32
      %scan3A_410 = arith.addi %scan3A_408, %scan3A_409 : i32
      %scan3A_411 = arith.constant 4 : i32
      scf.for %scan3A_413 = %scan3A_408 to %scan3A_410 step %scan3A_411  : i32 {
        %get3A_414 = arith.index_cast %scan3A_413 : i32 to index
        %get3A_415 = arith.constant 0 : index
        %get3A_416 = tpu.vector_load %arg9[%get3A_414, %get3A_415] {strides = array<i32>} : memref<256x64xf32, #tpu.memory_space<vmem>>, vector<16xf32>,
        %get3A_417 = arith.index_cast %scan3A_413 : i32 to index
        %get3A_418 = arith.constant 0 : index
        %get3A_419 = tpu.vector_load %arg10[%get3A_417, %get3A_418] {strides = array<i32>} : memref<256x64xf32, #tpu.memory_space<vmem>>, vector<16xf32>,
        %mul3A_420 = arith.mulf %get3A_416, %get3A_419 : vector<16xf32>
        %get3A_421 = arith.index_cast %scan3A_413 : i32 to index
        %get3A_422 = arith.constant 16 : index
        %get3A_423 = tpu.vector_load %arg9[%get3A_421, %get3A_422] {strides = array<i32>} : memref<256x64xf32, #tpu.memory_space<vmem>>, vector<16xf32>,
        %get3A_424 = arith.index_cast %scan3A_413 : i32 to index
        %get3A_425 = arith.constant 16 : index
        %get3A_426 = tpu.vector_load %arg10[%get3A_424, %get3A_425] {strides = array<i32>} : memref<256x64xf32, #tpu.memory_space<vmem>>, vector<16xf32>,
        %mul3A_427 = arith.mulf %get3A_423, %get3A_426 : vector<16xf32>
        %add3A_428 = arith.addf %mul3A_420, %mul3A_427 : vector<16xf32>
        %get3A_429 = arith.index_cast %scan3A_413 : i32 to index
        %get3A_430 = arith.constant 32 : index
        %get3A_431 = tpu.vector_load %arg9[%get3A_429, %get3A_430] {strides = array<i32>} : memref<256x64xf32, #tpu.memory_space<vmem>>, vector<16xf32>,
        %get3A_432 = arith.index_cast %scan3A_413 : i32 to index
        %get3A_433 = arith.constant 32 : index
        %get3A_434 = tpu.vector_load %arg10[%get3A_432, %get3A_433] {strides = array<i32>} : memref<256x64xf32, #tpu.memory_space<vmem>>, vector<16xf32>,
        %mul3A_435 = arith.mulf %get3A_431, %get3A_434 : vector<16xf32>
        %add3A_436 = arith.addf %add3A_428, %mul3A_435 : vector<16xf32>
        %get3A_437 = arith.index_cast %scan3A_413 : i32 to index
        %get3A_438 = arith.constant 48 : index
        %get3A_439 = tpu.vector_load %arg9[%get3A_437, %get3A_438] {strides = array<i32>} : memref<256x64xf32, #tpu.memory_space<vmem>>, vector<16xf32>,
        %get3A_440 = arith.index_cast %scan3A_413 : i32 to index
        %get3A_441 = arith.constant 48 : index
        %get3A_442 = tpu.vector_load %arg10[%get3A_440, %get3A_441] {strides = array<i32>} : memref<256x64xf32, #tpu.memory_space<vmem>>, vector<16xf32>,
        %mul3A_443 = arith.mulf %get3A_439, %get3A_442 : vector<16xf32>
        %add3A_444 = arith.addf %add3A_436, %mul3A_443 : vector<16xf32>
        %reduce_sum3A = arith.constant true
        %reduce_sum3A_445 = vector.broadcast %reduce_sum3A : i1 to vector<16xi1>
        %reduce_sum3A_446 = tpu.scan <sum>, %add3A_444 masked %reduce_sum3A_445 : vector<16xf32>, vector<16xi1> -> vector<16xf32>
        %reduce_sum3A_447 = vector.extract %reduce_sum3A_446[15] : f32 from vector<16xf32>
        %add3A_448 = arith.addi %mul3A_12, %scan3A_413 : i32
        %broadcast_in_dim3A = vector.broadcast %add3A_448 : i32 to vector<16xi32>
        %broadcast_in_dim3A_449 = vector.broadcast %reduce_sum3A_447 : f32 to vector<16xf32>
        tpu.vector_store_idx %arg11[%broadcast_in_dim3A], %broadcast_in_dim3A_449 masked %eq3A_4 : memref<512xf32, #tpu.memory_space<vmem>>[vector<16xi32>], vector<16xf32>, vector<16xi1>
        %scan3A_450 = arith.constant 1 : i32
        %scan3A_451 = arith.addi %scan3A_413, %scan3A_450 : i32
        %get3A_452 = arith.index_cast %scan3A_451 : i32 to index
        %get3A_453 = arith.constant 0 : index
        %get3A_454 = tpu.vector_load %arg9[%get3A_452, %get3A_453] {strides = array<i32>} : memref<256x64xf32, #tpu.memory_space<vmem>>, vector<16xf32>,
        %get3A_455 = arith.index_cast %scan3A_451 : i32 to index
        %get3A_456 = arith.constant 0 : index
        %get3A_457 = tpu.vector_load %arg10[%get3A_455, %get3A_456] {strides = array<i32>} : memref<256x64xf32, #tpu.memory_space<vmem>>, vector<16xf32>,
        %mul3A_458 = arith.mulf %get3A_454, %get3A_457 : vector<16xf32>
        %get3A_459 = arith.index_cast %scan3A_451 : i32 to index
        %get3A_460 = arith.constant 16 : index
        %get3A_461 = tpu.vector_load %arg9[%get3A_459, %get3A_460] {strides = array<i32>} : memref<256x64xf32, #tpu.memory_space<vmem>>, vector<16xf32>,
        %get3A_462 = arith.index_cast %scan3A_451 : i32 to index
        %get3A_463 = arith.constant 16 : index
        %get3A_464 = tpu.vector_load %arg10[%get3A_462, %get3A_463] {strides = array<i32>} : memref<256x64xf32, #tpu.memory_space<vmem>>, vector<16xf32>,
        %mul3A_465 = arith.mulf %get3A_461, %get3A_464 : vector<16xf32>
        %add3A_466 = arith.addf %mul3A_458, %mul3A_465 : vector<16xf32>
        %get3A_467 = arith.index_cast %scan3A_451 : i32 to index
        %get3A_468 = arith.constant 32 : index
        %get3A_469 = tpu.vector_load %arg9[%get3A_467, %get3A_468] {strides = array<i32>} : memref<256x64xf32, #tpu.memory_space<vmem>>, vector<16xf32>,
        %get3A_470 = arith.index_cast %scan3A_451 : i32 to index
        %get3A_471 = arith.constant 32 : index
        %get3A_472 = tpu.vector_load %arg10[%get3A_470, %get3A_471] {strides = array<i32>} : memref<256x64xf32, #tpu.memory_space<vmem>>, vector<16xf32>,
        %mul3A_473 = arith.mulf %get3A_469, %get3A_472 : vector<16xf32>
        %add3A_474 = arith.addf %add3A_466, %mul3A_473 : vector<16xf32>
        %get3A_475 = arith.index_cast %scan3A_451 : i32 to index
        %get3A_476 = arith.constant 48 : index
        %get3A_477 = tpu.vector_load %arg9[%get3A_475, %get3A_476] {strides = array<i32>} : memref<256x64xf32, #tpu.memory_space<vmem>>, vector<16xf32>,
        %get3A_478 = arith.index_cast %scan3A_451 : i32 to index
        %get3A_479 = arith.constant 48 : index
        %get3A_480 = tpu.vector_load %arg10[%get3A_478, %get3A_479] {strides = array<i32>} : memref<256x64xf32, #tpu.memory_space<vmem>>, vector<16xf32>,
        %mul3A_481 = arith.mulf %get3A_477, %get3A_480 : vector<16xf32>
        %add3A_482 = arith.addf %add3A_474, %mul3A_481 : vector<16xf32>
        %reduce_sum3A_483 = arith.constant true
        %reduce_sum3A_484 = vector.broadcast %reduce_sum3A_483 : i1 to vector<16xi1>
        %reduce_sum3A_485 = tpu.scan <sum>, %add3A_482 masked %reduce_sum3A_484 : vector<16xf32>, vector<16xi1> -> vector<16xf32>
        %reduce_sum3A_486 = vector.extract %reduce_sum3A_485[15] : f32 from vector<16xf32>
        %add3A_487 = arith.addi %mul3A_12, %scan3A_451 : i32
        %broadcast_in_dim3A_488 = vector.broadcast %add3A_487 : i32 to vector<16xi32>
        %broadcast_in_dim3A_489 = vector.broadcast %reduce_sum3A_486 : f32 to vector<16xf32>
        tpu.vector_store_idx %arg11[%broadcast_in_dim3A_488], %broadcast_in_dim3A_489 masked %eq3A_4 : memref<512xf32, #tpu.memory_space<vmem>>[vector<16xi32>], vector<16xf32>, vector<16xi1>
        %scan3A_490 = arith.constant 2 : i32
        %scan3A_491 = arith.addi %scan3A_413, %scan3A_490 : i32
        %get3A_492 = arith.index_cast %scan3A_491 : i32 to index
        %get3A_493 = arith.constant 0 : index
        %get3A_494 = tpu.vector_load %arg9[%get3A_492, %get3A_493] {strides = array<i32>} : memref<256x64xf32, #tpu.memory_space<vmem>>, vector<16xf32>,
        %get3A_495 = arith.index_cast %scan3A_491 : i32 to index
        %get3A_496 = arith.constant 0 : index
        %get3A_497 = tpu.vector_load %arg10[%get3A_495, %get3A_496] {strides = array<i32>} : memref<256x64xf32, #tpu.memory_space<vmem>>, vector<16xf32>,
        %mul3A_498 = arith.mulf %get3A_494, %get3A_497 : vector<16xf32>
        %get3A_499 = arith.index_cast %scan3A_491 : i32 to index
        %get3A_500 = arith.constant 16 : index
        %get3A_501 = tpu.vector_load %arg9[%get3A_499, %get3A_500] {strides = array<i32>} : memref<256x64xf32, #tpu.memory_space<vmem>>, vector<16xf32>,
        %get3A_502 = arith.index_cast %scan3A_491 : i32 to index
        %get3A_503 = arith.constant 16 : index
        %get3A_504 = tpu.vector_load %arg10[%get3A_502, %get3A_503] {strides = array<i32>} : memref<256x64xf32, #tpu.memory_space<vmem>>, vector<16xf32>,
        %mul3A_505 = arith.mulf %get3A_501, %get3A_504 : vector<16xf32>
        %add3A_506 = arith.addf %mul3A_498, %mul3A_505 : vector<16xf32>
        %get3A_507 = arith.index_cast %scan3A_491 : i32 to index
        %get3A_508 = arith.constant 32 : index
        %get3A_509 = tpu.vector_load %arg9[%get3A_507, %get3A_508] {strides = array<i32>} : memref<256x64xf32, #tpu.memory_space<vmem>>, vector<16xf32>,
        %get3A_510 = arith.index_cast %scan3A_491 : i32 to index
        %get3A_511 = arith.constant 32 : index
        %get3A_512 = tpu.vector_load %arg10[%get3A_510, %get3A_511] {strides = array<i32>} : memref<256x64xf32, #tpu.memory_space<vmem>>, vector<16xf32>,
        %mul3A_513 = arith.mulf %get3A_509, %get3A_512 : vector<16xf32>
        %add3A_514 = arith.addf %add3A_506, %mul3A_513 : vector<16xf32>
        %get3A_515 = arith.index_cast %scan3A_491 : i32 to index
        %get3A_516 = arith.constant 48 : index
        %get3A_517 = tpu.vector_load %arg9[%get3A_515, %get3A_516] {strides = array<i32>} : memref<256x64xf32, #tpu.memory_space<vmem>>, vector<16xf32>,
        %get3A_518 = arith.index_cast %scan3A_491 : i32 to index
        %get3A_519 = arith.constant 48 : index
        %get3A_520 = tpu.vector_load %arg10[%get3A_518, %get3A_519] {strides = array<i32>} : memref<256x64xf32, #tpu.memory_space<vmem>>, vector<16xf32>,
        %mul3A_521 = arith.mulf %get3A_517, %get3A_520 : vector<16xf32>
        %add3A_522 = arith.addf %add3A_514, %mul3A_521 : vector<16xf32>
        %reduce_sum3A_523 = arith.constant true
        %reduce_sum3A_524 = vector.broadcast %reduce_sum3A_523 : i1 to vector<16xi1>
        %reduce_sum3A_525 = tpu.scan <sum>, %add3A_522 masked %reduce_sum3A_524 : vector<16xf32>, vector<16xi1> -> vector<16xf32>
        %reduce_sum3A_526 = vector.extract %reduce_sum3A_525[15] : f32 from vector<16xf32>
        %add3A_527 = arith.addi %mul3A_12, %scan3A_491 : i32
        %broadcast_in_dim3A_528 = vector.broadcast %add3A_527 : i32 to vector<16xi32>
        %broadcast_in_dim3A_529 = vector.broadcast %reduce_sum3A_526 : f32 to vector<16xf32>
        tpu.vector_store_idx %arg11[%broadcast_in_dim3A_528], %broadcast_in_dim3A_529 masked %eq3A_4 : memref<512xf32, #tpu.memory_space<vmem>>[vector<16xi32>], vector<16xf32>, vector<16xi1>
        %scan3A_530 = arith.constant 3 : i32
        %scan3A_531 = arith.addi %scan3A_413, %scan3A_530 : i32
        %get3A_532 = arith.index_cast %scan3A_531 : i32 to index
        %get3A_533 = arith.constant 0 : index
        %get3A_534 = tpu.vector_load %arg9[%get3A_532, %get3A_533] {strides = array<i32>} : memref<256x64xf32, #tpu.memory_space<vmem>>, vector<16xf32>,
        %get3A_535 = arith.index_cast %scan3A_531 : i32 to index
        %get3A_536 = arith.constant 0 : index
        %get3A_537 = tpu.vector_load %arg10[%get3A_535, %get3A_536] {strides = array<i32>} : memref<256x64xf32, #tpu.memory_space<vmem>>, vector<16xf32>,
        %mul3A_538 = arith.mulf %get3A_534, %get3A_537 : vector<16xf32>
        %get3A_539 = arith.index_cast %scan3A_531 : i32 to index
        %get3A_540 = arith.constant 16 : index
        %get3A_541 = tpu.vector_load %arg9[%get3A_539, %get3A_540] {strides = array<i32>} : memref<256x64xf32, #tpu.memory_space<vmem>>, vector<16xf32>,
        %get3A_542 = arith.index_cast %scan3A_531 : i32 to index
        %get3A_543 = arith.constant 16 : index
        %get3A_544 = tpu.vector_load %arg10[%get3A_542, %get3A_543] {strides = array<i32>} : memref<256x64xf32, #tpu.memory_space<vmem>>, vector<16xf32>,
        %mul3A_545 = arith.mulf %get3A_541, %get3A_544 : vector<16xf32>
        %add3A_546 = arith.addf %mul3A_538, %mul3A_545 : vector<16xf32>
        %get3A_547 = arith.index_cast %scan3A_531 : i32 to index
        %get3A_548 = arith.constant 32 : index
        %get3A_549 = tpu.vector_load %arg9[%get3A_547, %get3A_548] {strides = array<i32>} : memref<256x64xf32, #tpu.memory_space<vmem>>, vector<16xf32>,
        %get3A_550 = arith.index_cast %scan3A_531 : i32 to index
        %get3A_551 = arith.constant 32 : index
        %get3A_552 = tpu.vector_load %arg10[%get3A_550, %get3A_551] {strides = array<i32>} : memref<256x64xf32, #tpu.memory_space<vmem>>, vector<16xf32>,
        %mul3A_553 = arith.mulf %get3A_549, %get3A_552 : vector<16xf32>
        %add3A_554 = arith.addf %add3A_546, %mul3A_553 : vector<16xf32>
        %get3A_555 = arith.index_cast %scan3A_531 : i32 to index
        %get3A_556 = arith.constant 48 : index
        %get3A_557 = tpu.vector_load %arg9[%get3A_555, %get3A_556] {strides = array<i32>} : memref<256x64xf32, #tpu.memory_space<vmem>>, vector<16xf32>,
        %get3A_558 = arith.index_cast %scan3A_531 : i32 to index
        %get3A_559 = arith.constant 48 : index
        %get3A_560 = tpu.vector_load %arg10[%get3A_558, %get3A_559] {strides = array<i32>} : memref<256x64xf32, #tpu.memory_space<vmem>>, vector<16xf32>,
        %mul3A_561 = arith.mulf %get3A_557, %get3A_560 : vector<16xf32>
        %add3A_562 = arith.addf %add3A_554, %mul3A_561 : vector<16xf32>
        %reduce_sum3A_563 = arith.constant true
        %reduce_sum3A_564 = vector.broadcast %reduce_sum3A_563 : i1 to vector<16xi1>
        %reduce_sum3A_565 = tpu.scan <sum>, %add3A_562 masked %reduce_sum3A_564 : vector<16xf32>, vector<16xi1> -> vector<16xf32>
        %reduce_sum3A_566 = vector.extract %reduce_sum3A_565[15] : f32 from vector<16xf32>
        %add3A_567 = arith.addi %mul3A_12, %scan3A_531 : i32
        %broadcast_in_dim3A_568 = vector.broadcast %add3A_567 : i32 to vector<16xi32>
        %broadcast_in_dim3A_569 = vector.broadcast %reduce_sum3A_566 : f32 to vector<16xf32>
        tpu.vector_store_idx %arg11[%broadcast_in_dim3A_568], %broadcast_in_dim3A_569 masked %eq3A_4 : memref<512xf32, #tpu.memory_space<vmem>>[vector<16xi32>], vector<16xf32>, vector<16xi1>
      }
      %scan3A_412 = arith.constant 256 : i32
    }
    %scan3A_9 = arith.constant 2 : i32
    "tpu.region"() ({
      %run_scoped3A = tpu.sem_alloc : memref<!tpu.dma_semaphore, #tpu.memory_space<semaphore_mem>>
      %dma_start3A = tpu.memref_slice %arg6[%mul3A_2] : memref<16384xf32, #tpu.memory_space<hbm>> -> memref<512xf32, #tpu.memory_space<hbm>>
      %dma_start3A_10 = tpu.memref_slice %arg6[%mul3A_2] : memref<16384xf32, #tpu.memory_space<hbm>> -> memref<512xf32, #tpu.memory_space<hbm>>
      tpu.enqueue_dma source(%arg11 : memref<512xf32, #tpu.memory_space<vmem>>) target(%dma_start3A_10 : memref<512xf32, #tpu.memory_space<hbm>>) target_semaphore(%run_scoped3A : memref<!tpu.dma_semaphore, #tpu.memory_space<semaphore_mem>>)
      %dma_wait3A = tpu.memref_slice %arg6[%mul3A_2] : memref<16384xf32, #tpu.memory_space<hbm>> -> memref<512xf32, #tpu.memory_space<hbm>>
      %dma_wait3A_11 = tpu.memref_slice %arg6[%mul3A_2] : memref<16384xf32, #tpu.memory_space<hbm>> -> memref<512xf32, #tpu.memory_space<hbm>>
      tpu.wait_dma2 semaphore(%run_scoped3A : memref<!tpu.dma_semaphore, #tpu.memory_space<semaphore_mem>>) src(%arg11 : memref<512xf32, #tpu.memory_space<vmem>>) dst(%dma_wait3A_11 : memref<512xf32, #tpu.memory_space<hbm>>)
      tpu.yield
    }) : () -> ()
    return
  }
}

</mosaic_0001>

<sc_bundles>
// kernel: kernel.3.cloned.1.call-start
scs
__scs_entry_jumppad:
0x0: {  	(pc) =	sbr.rel $0x88, $3  }
0x1: {  	(tag) =	ssettag $0x0;
	lr =	simm.s32 $0x1  }
0x2: {  	[smem:$0x3F9D] =	sst lr;
	_ =	strace $0xD0000000  }
0x3: {  	_ = 	snop  }
0x4: {  	_ = 	snop  }
0x5: {  	_ = 	snop  }
0x6: {  	_ = 	snop  }
0x7: {  	_ = 	snop  }
__scs_overlays_trampoline_lowered:
0x8: {  	[smem:$0x3FAC] =	sst s0  }
0x9: {  	[smem:$0x3FAD] =	sst s1  }
0xa: {  	[smem:$0x3FAE] =	sst s2  }
0xb: {  	[smem:$0x3FAF] =	sst s3  }
0xc: {  	[smem:$0x3FB0] =	sst s4  }
0xd: {  	[smem:$0x3FB1] =	sst s5  }
0xe: {  	[smem:$0x3FB2] =	sst s6  }
0xf: {  	[smem:$0x3FB3] =	sst s7  }
0x10: {  	[smem:$0x3FB4] =	sst s8  }
0x11: {  	[smem:$0x3FB5] =	sst s9;
	s0 =	simm.s32 @!p0 $0x0  }
0x12: {  	s1 =	sld [smem:$0x3F9B];
	s0 =	simm.s32 @p0 $0x1  }
0x13: {  	[smem:$0x3FB6] =	sst s0;
	s0 =	simm.s32 @!p1 $0x0  }
0x14: {  	s2 =	sld [smem:$0x3F9A];
	s0 =	simm.s32 @p1 $0x1  }
0x15: {  	[smem:$0x3FB7] =	sst s0;
	s0 =	simm.s32 @!p2 $0x0  }
0x16: {  	s3 =	sld [smem:$0x3FDB];
	s0 =	simm.s32 @p2 $0x1  }
0x17: {  	s4 =	simm.s32 $0x1BF5;
	[smem:$0x3FB9] =	sst s0  }
0x18: {  	s0 =	sld [smem:$0x3F9C];
	_ =	swait.ge [sflag:s4], $0x0  }
0x19: {  	s7 =	sld [smem:$0x3F9D]  }
0x1a: {  	s8 =	sadd.s32 $0xFFFFE003, lr  }
0x1b: {  	s9 =	sadd.s32 $0xFFFFFEF7, lr;
	s5 =	simm.s32 $0xFFFFFFFF;
	p2 =	slt.u32 s8, $0xFFFFF086  }
0x1c: {  	p1 =	slt.u32 s9, $0xF7A;
	s5 =	simm.s32 @!p2 $0x0  }
0x1d: {  	s5 =	simm.s32 @p1 $0x1;
	p0 =	seq.s32 s7, s2  }
0x1e: {  	s7 =	smul.u32 @!p0 $0xF7A, s2;
	p2 =	seq.s32 @!p0 s5, $0x0  }
0x1f: {  	s9 =	smul.u32 $0xF7A, s1;
	s8 =	simm.s32 @!p0 $0x1BF5;
	p2 =	por !p2, p0  }
0x20: {  	[sflag:s8] =	ssyncset.s32 @!p0 $0xFFFFF086;
	s6 =	sadd.s32 @!p0 s3, s7;
	s7 =	simm.s32 @!p0 $0x108  }
0x21: {  	s3 =	sadd.s32 s3, s9;
	s6 =	sadd.s32 @!p0 $0x88, s6;
	s7 =	simm.s32 @p2 $0x1082  }
0x22: {  	[simem:s7], [sflag:s8] =	dma.local @!p0 [hbm:s6], $0xF7A  }
0x23: {  	s9 =	sor.u32 $0xD0000000, s2;
	s6 =	simm.s32 $0x108;
	_ =	swait.ge @!p0 [sflag:s8], $0x0  }
0x24: {  	s3 =	sadd.s32 $0x88, s3;
	s6 =	simm.s32 @!p1 $0x1082;
	[sflag:s4] =	ssyncset.s32 $0xFFFFF086  }
0x25: {  	[simem:s6], [sflag:s4] =	dma.local [hbm:s3], $0xF7A  }
0x26: {  	[smem:$0x3F9D] =	sst s1;
	(tag) =	ssettag s2;
	_ =	strace s9  }
0x27: {  	s1 =	sld [smem:$0x3FAD]  }
0x28: {  	s2 =	sld [smem:$0x3FAE]  }
0x29: {  	s4 =	sld [smem:$0x3FB0]  }
0x2a: {  	p0 =	seq.s32 s5, $0x0;
	s5 =	sld [smem:$0x3FB1]  }
0x2b: {  	s6 =	sld [smem:$0x3FB2]  }
0x2c: {  	s7 =	sld [smem:$0x3FB3]  }
0x2d: {  	s3 =	simm.s32 $0x108;
	s8 =	sld [smem:$0x3FB4]  }
0x2e: {  	s3 =	simm.s32 @!p0 $0x1082;
	s9 =	sld [smem:$0x3FB5]  }
0x2f: {  	lr =	sadd.s32 s0, s3;
	s0 =	sld [smem:$0x3FAC]  }
0x30: {  	s3 =	sld [smem:$0x3FAF]  }
0x31: {  	[smem:$0x3FB8] =	sst s10  }
0x32: {  	s10 =	sld [smem:$0x3FB6];
	_ =	sdelay $0x3  }
0x33: {  	p0 =	seq.s32 s10, $0x1;
	s10 =	sld [smem:$0x3FB8];
	_ =	sdelay $0x3  }
0x34: {  	[smem:$0x3FB8] =	sst s10  }
0x35: {  	s10 =	sld [smem:$0x3FB7];
	_ =	sdelay $0x3  }
0x36: {  	p1 =	seq.s32 s10, $0x1;
	s10 =	sld [smem:$0x3FB8];
	_ =	sdelay $0x3  }
0x37: {  	[smem:$0x3FB8] =	sst s10  }
0x38: {  	s10 =	sld [smem:$0x3FB9]  }
0x39: {  	_ = 	snop;
	(pc) =	sbr.ind lr, $3  }
0x3a: {  	_ = 	snop  }
0x3b: {  	_ = 	snop  }
0x3c: {  	p2 =	seq.s32 s10, $0x1;
	s10 =	sld [smem:$0x3FB8]  }
0x3d: {  	_ =	shalt  }
0x3e: {  	_ =	shalt  }
0x3f: {  	_ =	shalt  }
0x40: {  	_ =	shalt  }
0x41: {  	_ =	shalt  }
0x42: {  	_ =	shalt  }
0x43: {  	_ =	shalt  }
0x44: {  	_ =	shalt  }
0x45: {  	_ =	shalt  }
0x46: {  	_ =	shalt  }
0x47: {  	_ =	shalt  }
0x48: {  	_ =	shalt  }
0x49: {  	_ =	shalt  }
0x4a: {  	_ =	shalt  }
0x4b: {  	_ =	shalt  }
0x4c: {  	_ =	shalt  }
0x4d: {  	_ =	shalt  }
0x4e: {  	_ =	shalt  }
0x4f: {  	_ =	shalt  }
0x50: {  	_ =	shalt  }
0x51: {  	_ =	shalt  }
0x52: {  	_ =	shalt  }
0x53: {  	_ =	shalt  }
0x54: {  	_ =	shalt  }
0x55: {  	_ =	shalt  }
0x56: {  	_ =	shalt  }
0x57: {  	_ =	shalt  }
0x58: {  	_ =	shalt  }
0x59: {  	_ =	shalt  }
0x5a: {  	_ =	shalt  }
0x5b: {  	_ =	shalt  }
0x5c: {  	_ =	shalt  }
0x5d: {  	_ =	shalt  }
0x5e: {  	_ =	shalt  }
0x5f: {  	_ =	shalt  }
0x60: {  	_ =	shalt  }
0x61: {  	_ =	shalt  }
0x62: {  	_ =	shalt  }
0x63: {  	_ =	shalt  }
0x64: {  	_ =	shalt  }
0x65: {  	_ =	shalt  }
0x66: {  	_ =	shalt  }
0x67: {  	_ =	shalt  }
0x68: {  	_ =	shalt  }
0x69: {  	_ =	shalt  }
0x6a: {  	_ =	shalt  }
0x6b: {  	_ =	shalt  }
0x6c: {  	_ =	shalt  }
0x6d: {  	_ =	shalt  }
0x6e: {  	_ =	shalt  }
0x6f: {  	_ =	shalt  }
0x70: {  	_ =	shalt  }
0x71: {  	_ =	shalt  }
0x72: {  	_ =	shalt  }
0x73: {  	_ =	shalt  }
0x74: {  	_ =	shalt  }
0x75: {  	_ =	shalt  }
0x76: {  	_ =	shalt  }
0x77: {  	_ =	shalt  }
0x78: {  	_ =	shalt  }
0x79: {  	_ =	shalt  }
0x7a: {  	_ =	shalt  }
0x7b: {  	_ =	shalt  }
0x7c: {  	_ =	shalt  }
0x7d: {  	_ =	shalt  }
0x7e: {  	_ =	shalt  }
0x7f: {  	_ =	shalt  }
0x80: {  	_ =	shalt  }
0x81: {  	_ =	shalt  }
0x82: {  	_ =	shalt  }
0x83: {  	_ =	shalt  }
0x84: {  	_ =	shalt  }
0x85: {  	_ =	shalt  }
0x86: {  	_ =	shalt  }
0x87: {  	_ =	shalt  }
.Lfunc_end0:
.L_simem_size_0:
called_computation_lowered:
.L_overlay_start_0:
0x88: {  	s2 =	sld [smem:$0x3FD9]  }
0x89: {  	s3 =	sld [smem:$0x3FFE];
	_ =	sdelay $0x1  }
0x8a: {  	s1 =	srdreg.scid  }
0x8b: {  	s0 =	sand.u32 $0x1, s1  }
0x8c: {  	s17 =	sshll.u32 s0, $0xA;
	s2 =	sadd.s32 s3, s2  }
0x8d: {  	s2 =	sadd.s32 s2, s17  }
0x8e: {  	[smem:$0x3FC4] =	sst s2  }
0x8f: {  	_ = 	snop  }
0x90: {  	s2 =	sld [smem:$0x3FC9]  }
0x91: {  	s18 =	sld [smem:$0x3FC8]  }
0x92: {  	s4 =	sld [smem:$0x3FD0];
	(tm) =	ssettm $0x1  }
0x93: {  	s5 =	sld [smem:$0x3FFB];
	_ =	sdelay $0x3  }
0x94: {  	_ =	strace s5  }
0x95: {  	s5 =	sld [smem:$0x3FFC];
	_ =	sdelay $0x3  }
0x96: {  	_ =	strace s5  }
0x97: {  	s5 =	sld [smem:$0x3FFD];
	_ =	sdelay $0x3  }
0x98: {  	_ =	strace s5  }
0x99: {  	_ =	strace $0x8FFFFFFF  }
0x9a: {  	s19 =	sld [smem:$0x3FDB];
	_ =	sdelay $0x1  }
0x9b: {  	s6 =	simm.s32 $_scs_section_size  }
0x9c: {  	s7 =	simm.s32 $_size__tile_overlayer_lowered;
	s8 =	simm.s32 $_tile_overlayer_lowered  }
0x9d: {  	s22 =	simm.s32 $0x1BFF;
	s21 =	sshll.u32 s8, $0x1;
	s5 =	sadd.s32 s6, s19  }
0x9e: {  	s9 =	simm.s32 $0x0;
	s20 =	sshll.u32 s7, $0x1;
	s7 =	sadd.s32 s21, s5  }
0x9f: {  	[timem:s9], [sflag:s22] =	dma.local [hbm:s7], s20  }
0xa0: {  	_ =	swait.ge [sflag:s22], s20  }
0xa1: {  	s6 =	ssub.s32 $0x0, s20;
	[sflag:s22] =	ssyncset.done $0x0  }
0xa2: {  	[sflag:s22] =	ssyncadd.s32 s6;
	_ =	sdelay $0x1  }
0xa3: {  	s23 =	simm.s32 $0x1B8B  }
0xa4: {  	_ =	swait.ge [sflag:s23], $0x1  }
0xa5: {  	[sflag:s23] =	ssyncset.done $0x0  }
0xa6: {  	s25 =	simm.s32 $0x1B8E;
	s24 =	sld [smem:$0x3FFE];
	[sflag:s23] =	ssyncadd.s32 $0xFFFFFFFF  }
0xa7: {  	s26 =	simm.s32 $execute0_lowered;
	[smem:$0x3FD2] =	sst s25  }
0xa8: {  	s7 =	sshll.u32 s26, $0x1;
	_ =	strace $0x80000046;
	[dreg:$0x1] =	wrdreg $0xFFFFFFFF  }
0xa9: {  	s28 =	simm.s32 $_size_execute0_lowered;
	s5 =	sadd.s32 s5, s7;
	[dreg:$0x0] =	wrdreg $0x0  }
0xaa: {  	s7 =	sshll.u32 s28, $0x1;
	[dreg:$0x2] =	wrdreg s5  }
0xab: {  	[dreg:$0x3] =	wrdreg s7  }
0xac: {  	[dreg:$0x4] =	wrdreg $0xC0  }
0xad: {  	_ =	task [dreg:s9], $0x5FFFF  }
0xae: {  	[dreg:$0x1] =	wrdreg $0xFFFFFFFF  }
0xaf: {  	[dreg:$0x0] =	wrdreg $0x60  }
0xb0: {  	[dreg:$0x2] =	wrdreg s2  }
0xb1: {  	[dreg:$0x3] =	wrdreg s18  }
0xb2: {  	[dreg:$0x4] =	wrdreg s24  }
0xb3: {  	[dreg:$0x5] =	wrdreg s4  }
0xb4: {  	[dreg:$0x6] =	wrdreg $0x9  }
0xb5: {  	_ =	task.clear_ibuf [dreg:s9], $0x7FFFF;
	_ =	strace $0x90000046  }
0xb6: {  	s29 =	simm.s32 $0x9;
	_ =	strace $0x80000048  }
0xb7: {  	_ =	swait.ge [sflag:s29], $0x1  }
0xb8: {  	[sflag:s29] =	ssyncadd.s32 $0xFFFFFFFF  }
0xb9: {  	_ =	strace $0x90000048  }
0xba: {  	_ =	sfence  }
0xbb: {  	s30 =	sld [smem:$0x0];
	_ =	sdelay $0x2  }
0xbc: {  	s31 =	sshll.u32 s1, $0xD;
	s1 =	sshrl.u32 s1, $0x2  }
0xbd: {  	s3 =	sand.u32 $0x4000, s31;
	s1 =	sadd.s32 s1, s30  }
0xbe: {  	s0 =	sor.u32 s3, s0;
	s1 =	sshll.u32 s1, $0x11  }
0xbf: {  	s0 =	sor.u32 s1, s0  }
0xc0: {  	s0 =	sadd.s32 $0x8F2B, s0  }
0xc1: {  	[sflag:s0] =	ssyncadd.remote.s32 $0x1  }
0xc2: {  	_ =	sfence.sel $0xFFFF  }
0xc3: {  	[dreg:$0x0] =	wrdreg $0xFFFFFFFF;
	(pc) =	sbr.abs _section_cstart, $3  }
0xc4: {  	[dreg:$0x1] =	wrdreg $0xFFFFFFFF  }
0xc5: {  	_ =	task.clear_ibuf [dreg:s9], $0x2FFFF;
	_ =	strace $0x9FFFFFFF  }
0xc6: {  	(tm) =	ssettm $0x7FFFFFFF  }
0xc7: {  	_ =	shalt  }
tec
execute0_lowered:
.L_overlay_start_1:
0x0: {  	(tag) =	ssettag $0x1  }
0x1: {  	s0 =	rddreg [dreg:$0x0]  }
0x2: {  	s1 =	rddreg [dreg:$0x1]  }
0x3: {  	s4 =	rddreg [dreg:$0x2]  }
0x4: {  	s5 =	rddreg [dreg:$0x3];
	s2 =	simm.s32 $0x0  }
0x5: {  	s3 =	srdreg.scid;
	s7 =	stileid.u32;
	s17 =	simm.s32 $0x3  }
0x6: {  	s28 =	simm.s32 $0x800;
	s29 =	simm.s32 $0x8800;
	s30 =	simm.s32 $0x880  }
0x7: {  	s31 =	simm.s32 $0x8880;
	s10 =	simm.s32 $0x980;
	s11 =	simm.s32 $0xB00  }
0x8: {  	s12 =	simm.s32 $0x8B00;
	s13 =	simm.s32 $0xB80;
	s14 =	simm.s32 $0x8B80  }
0x9: {  	s15 =	simm.s32 $0x10400;
	s18 =	simm.s32 $0x0;
	[smem:$0x7FF] =	sst s2  }
0xa: {  	s3 =	sand.u32 $0x1, s3;
	s7 =	sshll.u32 s7, $0x7;
	_ =	strace $0x80000047  }
0xb: {  	s6 =	ssub.s32 $0x2, s3;
	s8 =	sshll.u32 s3, $0x6;
	s3 =	sadd.s32 $0x400, s4  }
0xc: {  	s4 =	sadd.s32 $0xF42800, s4;
	s9 =	sshrl.u32 s6, $0x1;
	s7 =	sor.u32 s8, s7  }
0xd: {  	s8 =	simm.s32 $0xA80;
	s6 =	ssub.s32 s6, s9;
	s0 =	sadd.s32 s0, s7  }
0xe: {  	s24 =	sadd.s32 s1, s7;
	s25 =	sadd.s32 s5, s7;
	[dreg:$0x5] =	wrdreg s0  }
0xf: {  	s1 =	simm.s32 $0x8900;
	s5 =	simm.s32 $0x8980;
	[dreg:$0x6] =	wrdreg s24  }
0x10: {  	s7 =	simm.s32 $0x8A00;
	s9 =	simm.s32 $0x8A80;
	[dreg:$0x7] =	wrdreg s25  }
0x11: {  	s26 =	smax.u32 s6, $0x1;
	s25 =	simm.s32 $0x780;
	s0 =	simm.s32 $0x900  }
0x12: {  	s6 =	simm.s32 $0xA00;
	[dreg:$0x8] =	wrdreg s26;
	s26 =	simm.s32 $0x8780  }
.LBB2_1:
0x13: {  	[dreg:$0x9] =	wrdreg s18  }
0x14: {  	s16 =	rddreg [dreg:$0x5]  }
0x15: {  	[tilespmem:s2], [sflag:$0x3] =	stream.linear.gather [hbm4b:s16+s2], $0x200, $0x38;
	[tilespmem:$0x10600] =	vst v63  }
0x16: {  	_ =	swait.ge [sflag:s17], $0x200  }
0x17: {  	[sflag:s17] =	ssyncset.done $0x0  }
0x18: {  	s24 =	simm.s32 $0x200;
	s23 =	rddreg [dreg:$0x6];
	[sflag:s17] =	ssyncadd.s32 $0xFFFFFE00  }
0x19: {  	[tilespmem:s24], [sflag:$0x3] =	stream.linear.gather [hbm4b:s23+s2], $0x200, $0x38;
	[tilespmem:$0x10600] =	vst v63  }
0x1a: {  	_ =	swait.ge [sflag:s17], $0x200  }
0x1b: {  	[sflag:s17] =	ssyncset.done $0x0  }
0x1c: {  	p1 =	por $0x1, $0x1;
	s16 =	simm.s32 $0x0;
	[sflag:s17] =	ssyncadd.s32 $0xFFFFFE00  }
.LBB2_2:
0x1d: {  	v0 =	vld [tilespmem:s16+$0x0];
	_ =	sdelay $0x3  }
0x1e: {  	v2 =	vld [tilespmem:s16+$0x200]  }
0x1f: {  	v1 =	vshll.u32 v0, $0x4  }
0x20: {  	(v2sf) =	vpush v1, $0x0;
	_ =	sdelay $0x2  }
0x21: {  	v63 =	vshll.u32 v2, $0x4  }
0x22: {  	(v2sf) =	vpush v63, $0x0;
	_ =	sdelay $0x5  }
0x23: {  	(v2sf) =	vpush v1, $0x1  }
0x24: {  	(v2sf) =	vpush v63, $0x1;
	_ =	sdelay $0x3  }
0x25: {  	s17 =	spop (v2sf)  }
0x26: {  	s17 =	sand.u32 $0x1FFFFFF0, s17  }
0x27: {  	s19 =	simm.s32 $0x400;
	(v2sf) =	vpush v1, $0x2;
	s18 =	sadd.s32 s3, s17;
	s17 =	simm.s32 $0x0  }
0x28: {  	[tilespmem:s19], [sflag:$0x1] =	stream.linear.gather [hbm4b:s18+s17], $0x80, $0x38;
	[tilespmem:$0x10600] =	vst v63  }
0x29: {  	s19 =	spop (v2sf);
	(v2sf) =	vpush v63, $0x2;
	_ =	sdelay $0x5  }
0x2a: {  	s21 =	spop (v2sf);
	(v2sf) =	vpush v1, $0x3  }
0x2b: {  	s23 =	spop (v2sf);
	(v2sf) =	vpush v63, $0x3;
	_ =	sdelay $0x4  }
0x2c: {  	s18 =	sand.u32 $0x1FFFFFF0, s19  }
0x2d: {  	s20 =	simm.s32 $0x8400;
	s18 =	sadd.s32 s4, s18;
	s19 =	spop (v2sf);
	(v2sf) =	vpush v1, $0x4  }
0x2e: {  	[tilespmem:s20], [sflag:$0x1] =	stream.linear.gather [hbm4b:s18+s17], $0x80, $0x38;
	[tilespmem:$0x10600] =	vst v63  }
0x2f: {  	s18 =	sand.u32 $0x1FFFFFF0, s21;
	s21 =	spop (v2sf);
	(v2sf) =	vpush v63, $0x4  }
0x30: {  	s22 =	simm.s32 $0x480;
	s18 =	sadd.s32 s3, s18  }
0x31: {  	[tilespmem:s22], [sflag:$0x1] =	stream.linear.gather [hbm4b:s18+s17], $0x80, $0x38;
	[tilespmem:$0x10600] =	vst v63  }
0x32: {  	s18 =	sand.u32 $0x1FFFFFF0, s23  }
0x33: {  	s24 =	simm.s32 $0x8480;
	s18 =	sadd.s32 s4, s18  }
0x34: {  	[tilespmem:s24], [sflag:$0x1] =	stream.linear.gather [hbm4b:s18+s17], $0x80, $0x38;
	[tilespmem:$0x10600] =	vst v63  }
0x35: {  	s23 =	spop (v2sf);
	(v2sf) =	vpush v1, $0x5  }
0x36: {  	s18 =	sand.u32 $0x1FFFFFF0, s19;
	s19 =	spop (v2sf);
	(v2sf) =	vpush v63, $0x5;
	_ =	sdelay $0x2  }
0x37: {  	s20 =	simm.s32 $0x500;
	s18 =	sadd.s32 s3, s18  }
0x38: {  	[tilespmem:s20], [sflag:$0x1] =	stream.linear.gather [hbm4b:s18+s17], $0x80, $0x38;
	[tilespmem:$0x10600] =	vst v63  }
0x39: {  	s18 =	sand.u32 $0x1FFFFFF0, s21  }
0x3a: {  	s22 =	simm.s32 $0x8500;
	s18 =	sadd.s32 s4, s18;
	s21 =	spop (v2sf);
	(v2sf) =	vpush v1, $0x6  }
0x3b: {  	[tilespmem:s22], [sflag:$0x1] =	stream.linear.gather [hbm4b:s18+s17], $0x80, $0x38;
	[tilespmem:$0x10600] =	vst v63  }
0x3c: {  	s18 =	sand.u32 $0x1FFFFFF0, s23;
	s23 =	spop (v2sf);
	(v2sf) =	vpush v63, $0x6  }
0x3d: {  	s24 =	simm.s32 $0x580;
	s18 =	sadd.s32 s3, s18  }
0x3e: {  	[tilespmem:s24], [sflag:$0x1] =	stream.linear.gather [hbm4b:s18+s17], $0x80, $0x38;
	[tilespmem:$0x10600] =	vst v63  }
0x3f: {  	s18 =	sand.u32 $0x1FFFFFF0, s19  }
0x40: {  	s20 =	simm.s32 $0x8580;
	s18 =	sadd.s32 s4, s18  }
0x41: {  	[tilespmem:s20], [sflag:$0x1] =	stream.linear.gather [hbm4b:s18+s17], $0x80, $0x38;
	[tilespmem:$0x10600] =	vst v63  }
0x42: {  	s19 =	spop (v2sf);
	(v2sf) =	vpush v1, $0x7  }
0x43: {  	s18 =	sand.u32 $0x1FFFFFF0, s21;
	s21 =	spop (v2sf);
	(v2sf) =	vpush v63, $0x7;
	_ =	sdelay $0x2  }
0x44: {  	s22 =	simm.s32 $0x600;
	s18 =	sadd.s32 s3, s18  }
0x45: {  	[tilespmem:s22], [sflag:$0x1] =	stream.linear.gather [hbm4b:s18+s17], $0x80, $0x38;
	[tilespmem:$0x10600] =	vst v63  }
0x46: {  	s18 =	sand.u32 $0x1FFFFFF0, s23  }
0x47: {  	s24 =	simm.s32 $0x8600;
	s18 =	sadd.s32 s4, s18;
	s23 =	spop (v2sf);
	(v2sf) =	vpush v1, $0x8  }
0x48: {  	[tilespmem:s24], [sflag:$0x1] =	stream.linear.gather [hbm4b:s18+s17], $0x80, $0x38;
	[tilespmem:$0x10600] =	vst v63  }
0x49: {  	s18 =	sand.u32 $0x1FFFFFF0, s19;
	s19 =	spop (v2sf);
	(v2sf) =	vpush v63, $0x8  }
0x4a: {  	s20 =	simm.s32 $0x680;
	s18 =	sadd.s32 s3, s18  }
0x4b: {  	[tilespmem:s20], [sflag:$0x1] =	stream.linear.gather [hbm4b:s18+s17], $0x80, $0x38;
	[tilespmem:$0x10600] =	vst v63  }
0x4c: {  	s18 =	sand.u32 $0x1FFFFFF0, s21  }
0x4d: {  	s22 =	simm.s32 $0x8680;
	s18 =	sadd.s32 s4, s18  }
0x4e: {  	[tilespmem:s22], [sflag:$0x1] =	stream.linear.gather [hbm4b:s18+s17], $0x80, $0x38;
	[tilespmem:$0x10600] =	vst v63  }
0x4f: {  	s21 =	spop (v2sf);
	(v2sf) =	vpush v1, $0x9  }
0x50: {  	s22 =	spop (v2sf);
	(v2sf) =	vpush v63, $0x9;
	_ =	sdelay $0x1  }
0x51: {  	s18 =	sand.u32 $0x1FFFFFF0, s23  }
0x52: {  	s24 =	simm.s32 $0x700;
	s18 =	sadd.s32 s3, s18  }
0x53: {  	[tilespmem:s24], [sflag:$0x1] =	stream.linear.gather [hbm4b:s18+s17], $0x80, $0x38;
	[tilespmem:$0x10600] =	vst v63  }
0x54: {  	s18 =	sand.u32 $0x1FFFFFF0, s19  }
0x55: {  	s20 =	simm.s32 $0x8700;
	s18 =	sadd.s32 s4, s18;
	s23 =	spop (v2sf);
	(v2sf) =	vpush v1, $0xA  }
0x56: {  	[tilespmem:s20], [sflag:$0x1] =	stream.linear.gather [hbm4b:s18+s17], $0x80, $0x38;
	[tilespmem:$0x10600] =	vst v63  }
0x57: {  	s18 =	sand.u32 $0x1FFFFFF0, s21;
	s24 =	spop (v2sf);
	(v2sf) =	vpush v63, $0xA  }
0x58: {  	s18 =	sadd.s32 s3, s18  }
0x59: {  	[tilespmem:s25], [sflag:$0x1] =	stream.linear.gather [hbm4b:s18+s17], $0x80, $0x38;
	[tilespmem:$0x10600] =	vst v63  }
0x5a: {  	s18 =	sand.u32 $0x1FFFFFF0, s22  }
0x5b: {  	s18 =	sadd.s32 s4, s18  }
0x5c: {  	[tilespmem:s26], [sflag:$0x1] =	stream.linear.gather [hbm4b:s18+s17], $0x80, $0x38;
	[tilespmem:$0x10600] =	vst v63  }
0x5d: {  	s18 =	sand.u32 $0x1FFFFFF0, s23;
	s19 =	spop (v2sf);
	(v2sf) =	vpush v1, $0xB  }
0x5e: {  	s18 =	sadd.s32 s3, s18;
	s20 =	spop (v2sf);
	(v2sf) =	vpush v63, $0xB  }
0x5f: {  	[tilespmem:s28], [sflag:$0x1] =	stream.linear.gather [hbm4b:s18+s17], $0x80, $0x38;
	[tilespmem:$0x10600] =	vst v63  }
0x60: {  	s18 =	sand.u32 $0x1FFFFFF0, s24  }
0x61: {  	s18 =	sadd.s32 s4, s18  }
0x62: {  	[tilespmem:s29], [sflag:$0x1] =	stream.linear.gather [hbm4b:s18+s17], $0x80, $0x38;
	[tilespmem:$0x10600] =	vst v63  }
0x63: {  	s18 =	sand.u32 $0x1FFFFFF0, s19  }
0x64: {  	s18 =	sadd.s32 s3, s18;
	s21 =	spop (v2sf);
	(v2sf) =	vpush v1, $0xC  }
0x65: {  	[tilespmem:s30], [sflag:$0x1] =	stream.linear.gather [hbm4b:s18+s17], $0x80, $0x38;
	[tilespmem:$0x10600] =	vst v63  }
0x66: {  	s18 =	sand.u32 $0x1FFFFFF0, s20;
	s22 =	spop (v2sf);
	(v2sf) =	vpush v63, $0xC  }
0x67: {  	s18 =	sadd.s32 s4, s18  }
0x68: {  	[tilespmem:s31], [sflag:$0x1] =	stream.linear.gather [hbm4b:s18+s17], $0x80, $0x38;
	[tilespmem:$0x10600] =	vst v63  }
0x69: {  	s18 =	sand.u32 $0x1FFFFFF0, s21  }
0x6a: {  	s18 =	sadd.s32 s3, s18;
	(v2sf) =	vpush v1, $0xD  }
0x6b: {  	[tilespmem:s0], [sflag:$0x1] =	stream.linear.gather [hbm4b:s18+s17], $0x80, $0x38;
	[tilespmem:$0x10600] =	vst v63  }
0x6c: {  	s18 =	sand.u32 $0x1FFFFFF0, s22;
	s23 =	spop (v2sf);
	(v2sf) =	vpush v63, $0xD  }
0x6d: {  	s18 =	sadd.s32 s4, s18;
	s24 =	spop (v2sf);
	(v2sf) =	vpush v1, $0xE  }
0x6e: {  	[tilespmem:s1], [sflag:$0x1] =	stream.linear.gather [hbm4b:s18+s17], $0x80, $0x38;
	[tilespmem:$0x10600] =	vst v63  }
0x6f: {  	s18 =	sand.u32 $0x1FFFFFF0, s23  }
0x70: {  	s18 =	sadd.s32 s3, s18  }
0x71: {  	[tilespmem:s10], [sflag:$0x1] =	stream.linear.gather [hbm4b:s18+s17], $0x80, $0x38;
	[tilespmem:$0x10600] =	vst v63  }
0x72: {  	s18 =	sand.u32 $0x1FFFFFF0, s24  }
0x73: {  	s18 =	sadd.s32 s4, s18;
	s19 =	spop (v2sf);
	(v2sf) =	vpush v63, $0xE  }
0x74: {  	[tilespmem:s5], [sflag:$0x1] =	stream.linear.gather [hbm4b:s18+s17], $0x80, $0x38;
	[tilespmem:$0x10600] =	vst v63  }
0x75: {  	s18 =	sand.u32 $0x1FFFFFF0, s19;
	s20 =	spop (v2sf);
	(v2sf) =	vpush v1, $0xF  }
0x76: {  	s18 =	sadd.s32 s3, s18  }
0x77: {  	[tilespmem:s6], [sflag:$0x1] =	stream.linear.gather [hbm4b:s18+s17], $0x80, $0x38;
	[tilespmem:$0x10600] =	vst v63  }
0x78: {  	s18 =	sand.u32 $0x1FFFFFF0, s20  }
0x79: {  	s21 =	spop (v2sf);
	s18 =	sadd.s32 s4, s18  }
0x7a: {  	(v2sf) =	vpush v63, $0xF;
	[tilespmem:s7], [sflag:$0x1] =	stream.linear.gather [hbm4b:s18+s17], $0x80, $0x38;
	[tilespmem:$0x10600] =	vst v63  }
0x7b: {  	s22 =	spop (v2sf);
	s18 =	sand.u32 $0x1FFFFFF0, s21  }
0x7c: {  	s23 =	sand.u32 $0x1FFFFFF0, s22;
	s24 =	spop (v2sf);
	s18 =	sadd.s32 s3, s18  }
0x7d: {  	[tilespmem:s8], [sflag:$0x1] =	stream.linear.gather [hbm4b:s18+s17], $0x80, $0x38;
	[tilespmem:$0x10600] =	vst v63  }
0x7e: {  	s19 =	sand.u32 $0x1FFFFFF0, s24;
	s18 =	sadd.s32 s4, s23  }
0x7f: {  	[tilespmem:s9], [sflag:$0x1] =	stream.linear.gather [hbm4b:s18+s17], $0x80, $0x38;
	[tilespmem:$0x10600] =	vst v63  }
0x80: {  	s18 =	sadd.s32 s3, s19  }
0x81: {  	[tilespmem:s11], [sflag:$0x1] =	stream.linear.gather [hbm4b:s18+s17], $0x80, $0x38;
	[tilespmem:$0x10600] =	vst v63  }
0x82: {  	s20 =	spop (v2sf)  }
0x83: {  	s21 =	sand.u32 $0x1FFFFFF0, s20  }
0x84: {  	s18 =	sadd.s32 s4, s21;
	s22 =	spop (v2sf)  }
0x85: {  	[tilespmem:s12], [sflag:$0x1] =	stream.linear.gather [hbm4b:s18+s17], $0x80, $0x38;
	[tilespmem:$0x10600] =	vst v63  }
0x86: {  	s23 =	sand.u32 $0x1FFFFFF0, s22  }
0x87: {  	s18 =	sadd.s32 s3, s23  }
0x88: {  	[tilespmem:s13], [sflag:$0x1] =	stream.linear.gather [hbm4b:s18+s17], $0x80, $0x38;
	[tilespmem:$0x10600] =	vst v63  }
.Ltmp0:
0x89: {  	s24 =	spop (v2sf);
	(pc) =	sbr.rel .LBB2_3-.Ltmp0, $4  }
0x8a: {  	s18 =	sand.u32 $0x1FFFFFF0, s24  }
0x8b: {  	s18 =	sadd.s32 s4, s18  }
0x8c: {  	[tilespmem:s14], [sflag:$0x1] =	stream.linear.gather [hbm4b:s18+s17], $0x80, $0x38;
	[tilespmem:$0x10600] =	vst v63  }
0x8d: {  	p0 =	por p1, p1;
	s19 =	simm.s32 $0x10;
	s18 =	simm.s32 $0x1  }
.LBB2_7:
0x8e: {  	s20 =	simm.s32 $0x2  }
0x8f: {  	s20 =	simm.s32 @!p1 $0x1  }
0x90: {  	_ =	swait.ge [sflag:s20], $0x80  }
0x91: {  	[sflag:s20] =	ssyncset.done $0x0  }
0x92: {  	[sflag:s20] =	ssyncadd.s32 $0xFFFFFF80  }
0x93: {  	_ =	swait.ge [sflag:s20], $0x80  }
0x94: {  	[sflag:s20] =	ssyncset.done $0x0  }
0x95: {  	[sflag:s20] =	ssyncadd.s32 $0xFFFFFF80  }
0x96: {  	_ =	swait.ge [sflag:s20], $0x80  }
0x97: {  	[sflag:s20] =	ssyncset.done $0x0  }
0x98: {  	[sflag:s20] =	ssyncadd.s32 $0xFFFFFF80  }
0x99: {  	_ =	swait.ge [sflag:s20], $0x80  }
0x9a: {  	[sflag:s20] =	ssyncset.done $0x0  }
0x9b: {  	[sflag:s20] =	ssyncadd.s32 $0xFFFFFF80  }
0x9c: {  	_ =	swait.ge [sflag:s20], $0x80  }
0x9d: {  	[sflag:s20] =	ssyncset.done $0x0  }
0x9e: {  	[sflag:s20] =	ssyncadd.s32 $0xFFFFFF80  }
0x9f: {  	_ =	swait.ge [sflag:s20], $0x80  }
0xa0: {  	[sflag:s20] =	ssyncset.done $0x0  }
0xa1: {  	[sflag:s20] =	ssyncadd.s32 $0xFFFFFF80  }
0xa2: {  	_ =	swait.ge [sflag:s20], $0x80  }
0xa3: {  	[sflag:s20] =	ssyncset.done $0x0  }
0xa4: {  	[sflag:s20] =	ssyncadd.s32 $0xFFFFFF80  }
0xa5: {  	_ =	swait.ge [sflag:s20], $0x80  }
0xa6: {  	[sflag:s20] =	ssyncset.done $0x0  }
0xa7: {  	[sflag:s20] =	ssyncadd.s32 $0xFFFFFF80  }
0xa8: {  	_ =	swait.ge [sflag:s20], $0x80  }
0xa9: {  	[sflag:s20] =	ssyncset.done $0x0  }
0xaa: {  	[sflag:s20] =	ssyncadd.s32 $0xFFFFFF80  }
0xab: {  	_ =	swait.ge [sflag:s20], $0x80  }
0xac: {  	[sflag:s20] =	ssyncset.done $0x0  }
0xad: {  	[sflag:s20] =	ssyncadd.s32 $0xFFFFFF80  }
0xae: {  	_ =	swait.ge [sflag:s20], $0x80  }
0xaf: {  	[sflag:s20] =	ssyncset.done $0x0  }
0xb0: {  	[sflag:s20] =	ssyncadd.s32 $0xFFFFFF80  }
0xb1: {  	_ =	swait.ge [sflag:s20], $0x80  }
0xb2: {  	[sflag:s20] =	ssyncset.done $0x0  }
0xb3: {  	[sflag:s20] =	ssyncadd.s32 $0xFFFFFF80  }
0xb4: {  	_ =	swait.ge [sflag:s20], $0x80  }
0xb5: {  	[sflag:s20] =	ssyncset.done $0x0  }
0xb6: {  	[sflag:s20] =	ssyncadd.s32 $0xFFFFFF80  }
0xb7: {  	_ =	swait.ge [sflag:s20], $0x80  }
0xb8: {  	[sflag:s20] =	ssyncset.done $0x0  }
0xb9: {  	[sflag:s20] =	ssyncadd.s32 $0xFFFFFF80  }
0xba: {  	_ =	swait.ge [sflag:s20], $0x80  }
0xbb: {  	[sflag:s20] =	ssyncset.done $0x0  }
0xbc: {  	[sflag:s20] =	ssyncadd.s32 $0xFFFFFF80  }
0xbd: {  	_ =	swait.ge [sflag:s20], $0x80  }
0xbe: {  	[sflag:s20] =	ssyncset.done $0x0  }
0xbf: {  	[sflag:s20] =	ssyncadd.s32 $0xFFFFFF80  }
0xc0: {  	_ =	swait.ge [sflag:s20], $0x80  }
0xc1: {  	[sflag:s20] =	ssyncset.done $0x0  }
0xc2: {  	[sflag:s20] =	ssyncadd.s32 $0xFFFFFF80  }
0xc3: {  	_ =	swait.ge [sflag:s20], $0x80  }
0xc4: {  	[sflag:s20] =	ssyncset.done $0x0  }
0xc5: {  	[sflag:s20] =	ssyncadd.s32 $0xFFFFFF80  }
0xc6: {  	_ =	swait.ge [sflag:s20], $0x80  }
0xc7: {  	[sflag:s20] =	ssyncset.done $0x0  }
0xc8: {  	[sflag:s20] =	ssyncadd.s32 $0xFFFFFF80  }
0xc9: {  	_ =	swait.ge [sflag:s20], $0x80  }
0xca: {  	[sflag:s20] =	ssyncset.done $0x0  }
0xcb: {  	[sflag:s20] =	ssyncadd.s32 $0xFFFFFF80  }
0xcc: {  	_ =	swait.ge [sflag:s20], $0x80  }
0xcd: {  	[sflag:s20] =	ssyncset.done $0x0  }
0xce: {  	[sflag:s20] =	ssyncadd.s32 $0xFFFFFF80  }
0xcf: {  	_ =	swait.ge [sflag:s20], $0x80  }
0xd0: {  	[sflag:s20] =	ssyncset.done $0x0  }
0xd1: {  	[sflag:s20] =	ssyncadd.s32 $0xFFFFFF80  }
0xd2: {  	_ =	swait.ge [sflag:s20], $0x80  }
0xd3: {  	[sflag:s20] =	ssyncset.done $0x0  }
0xd4: {  	[sflag:s20] =	ssyncadd.s32 $0xFFFFFF80  }
0xd5: {  	_ =	swait.ge [sflag:s20], $0x80  }
0xd6: {  	[sflag:s20] =	ssyncset.done $0x0  }
0xd7: {  	[sflag:s20] =	ssyncadd.s32 $0xFFFFFF80  }
0xd8: {  	_ =	swait.ge [sflag:s20], $0x80  }
0xd9: {  	[sflag:s20] =	ssyncset.done $0x0  }
0xda: {  	[sflag:s20] =	ssyncadd.s32 $0xFFFFFF80  }
0xdb: {  	_ =	swait.ge [sflag:s20], $0x80  }
0xdc: {  	[sflag:s20] =	ssyncset.done $0x0  }
0xdd: {  	[sflag:s20] =	ssyncadd.s32 $0xFFFFFF80  }
0xde: {  	_ =	swait.ge [sflag:s20], $0x80  }
0xdf: {  	[sflag:s20] =	ssyncset.done $0x0  }
0xe0: {  	[sflag:s20] =	ssyncadd.s32 $0xFFFFFF80  }
0xe1: {  	_ =	swait.ge [sflag:s20], $0x80  }
0xe2: {  	[sflag:s20] =	ssyncset.done $0x0  }
0xe3: {  	[sflag:s20] =	ssyncadd.s32 $0xFFFFFF80  }
0xe4: {  	_ =	swait.ge [sflag:s20], $0x80  }
0xe5: {  	[sflag:s20] =	ssyncset.done $0x0  }
0xe6: {  	[sflag:s20] =	ssyncadd.s32 $0xFFFFFF80  }
0xe7: {  	_ =	swait.ge [sflag:s20], $0x80  }
0xe8: {  	[sflag:s20] =	ssyncset.done $0x0  }
0xe9: {  	s17 =	sadd.s32 $0x2000, s17;
	[sflag:s20] =	ssyncadd.s32 $0xFFFFFF80  }
0xea: {  	p1 =	sne.s32 s17, $0x20000;
	_ =	swait.ge [sflag:s20], $0x80  }
.Ltmp1:
0xeb: {  	[sflag:s20] =	ssyncset.done $0x0;
	(pc) =	sbr.rel @!p1 .LBB2_8-.Ltmp1, $4  }
0xec: {  	[sflag:s20] =	ssyncadd.s32 $0xFFFFFF80  }
0xed: {  	_ =	swait.ge [sflag:s20], $0x80  }
0xee: {  	[sflag:s20] =	ssyncset.done $0x0  }
0xef: {  	s18 =	sadd.s32 $0x1, s18;
	s19 =	sadd.s32 $0x10, s19;
	[sflag:s20] =	ssyncadd.s32 $0xFFFFFF80  }
.LBB2_3:
0xf0: {  	s20 =	sand.u32 $0x1, s18;
	p1 =	seq.s32 s17, $0x1E000  }
0xf1: {  	p2 =	sne.s32 @!p1 s20, $0x0  }
0xf2: {  	p1 =	por p1, p2  }
.Ltmp2:
0xf3: {  	_ = 	snop;
	(pc) =	sbr.rel @p1 .LBB2_5-.Ltmp2, $3  }
0xf4: {  	_ =	sdelay $0x1  }
0xf5: {  	s21 =	sadd.s32 s19, s16  }
0xf6: {  	s21 =	sand.u32 $0x380, s21  }
0xf7: {  	s22 =	sand.u32 $0x60, s19  }
0xf8: {  	s22 =	sor.u32 s22, s21  }
0xf9: {  	v0 =	vld [tilespmem:s22+$0x0];
	_ =	sdelay $0x3  }
0xfa: {  	v2 =	vld [tilespmem:s22+$0x200]  }
0xfb: {  	v1 =	vshll.u32 v0, $0x4  }
0xfc: {  	(v2sf) =	vpush v1, $0x0;
	_ =	sdelay $0x2  }
0xfd: {  	v63 =	vshll.u32 v2, $0x4  }
0xfe: {  	(v2sf) =	vpush v63, $0x0;
	_ =	sdelay $0x3  }
0xff: {  	(v2sf) =	vpush v1, $0x1;
	_ =	sdelay $0x3  }
0x100: {  	(v2sf) =	vpush v63, $0x1;
	_ =	sdelay $0x2  }
0x101: {  	s23 =	spop (v2sf)  }
0x102: {  	s22 =	sshra.s32 s17, $0x2;
	(v2sf) =	vpush v1, $0x2;
	s23 =	sand.u32 $0x1FFFFFF0, s23  }
0x103: {  	s24 =	sadd.s32 $0xC00, s22;
	s23 =	sadd.s32 s3, s23  }
0x104: {  	[tilespmem:s24], [sflag:$0x1] =	stream.linear.gather [hbm4b:s23+s2], $0x80, $0x38;
	[tilespmem:$0x10600] =	vst v63  }
0x105: {  	s24 =	spop (v2sf)  }
0x106: {  	(v2sf) =	vpush v63, $0x2;
	s23 =	sand.u32 $0x1FFFFFF0, s24  }
0x107: {  	s24 =	sadd.s32 $0x8C00, s22;
	s23 =	sadd.s32 s4, s23  }
0x108: {  	[tilespmem:s24], [sflag:$0x1] =	stream.linear.gather [hbm4b:s23+s2], $0x80, $0x38;
	[tilespmem:$0x10600] =	vst v63  }
0x109: {  	s24 =	spop (v2sf)  }
0x10a: {  	(v2sf) =	vpush v1, $0x3;
	s23 =	sand.u32 $0x1FFFFFF0, s24  }
0x10b: {  	s24 =	sadd.s32 $0xC80, s22;
	s23 =	sadd.s32 s3, s23  }
0x10c: {  	[tilespmem:s24], [sflag:$0x1] =	stream.linear.gather [hbm4b:s23+s2], $0x80, $0x38;
	[tilespmem:$0x10600] =	vst v63  }
0x10d: {  	s24 =	spop (v2sf)  }
0x10e: {  	(v2sf) =	vpush v63, $0x3;
	s23 =	sand.u32 $0x1FFFFFF0, s24  }
0x10f: {  	s24 =	sadd.s32 $0x8C80, s22;
	s23 =	sadd.s32 s4, s23  }
0x110: {  	[tilespmem:s24], [sflag:$0x1] =	stream.linear.gather [hbm4b:s23+s2], $0x80, $0x38;
	[tilespmem:$0x10600] =	vst v63  }
0x111: {  	s24 =	spop (v2sf)  }
0x112: {  	(v2sf) =	vpush v1, $0x4;
	s23 =	sand.u32 $0x1FFFFFF0, s24  }
0x113: {  	s24 =	sadd.s32 $0xD00, s22;
	s23 =	sadd.s32 s3, s23  }
0x114: {  	[tilespmem:s24], [sflag:$0x1] =	stream.linear.gather [hbm4b:s23+s2], $0x80, $0x38;
	[tilespmem:$0x10600] =	vst v63  }
0x115: {  	s24 =	spop (v2sf)  }
0x116: {  	(v2sf) =	vpush v63, $0x4;
	s23 =	sand.u32 $0x1FFFFFF0, s24  }
0x117: {  	s24 =	sadd.s32 $0x8D00, s22;
	s23 =	sadd.s32 s4, s23  }
0x118: {  	[tilespmem:s24], [sflag:$0x1] =	stream.linear.gather [hbm4b:s23+s2], $0x80, $0x38;
	[tilespmem:$0x10600] =	vst v63  }
0x119: {  	s24 =	spop (v2sf)  }
0x11a: {  	(v2sf) =	vpush v1, $0x5;
	s23 =	sand.u32 $0x1FFFFFF0, s24  }
0x11b: {  	s24 =	sadd.s32 $0xD80, s22;
	s23 =	sadd.s32 s3, s23  }
0x11c: {  	[tilespmem:s24], [sflag:$0x1] =	stream.linear.gather [hbm4b:s23+s2], $0x80, $0x38;
	[tilespmem:$0x10600] =	vst v63  }
0x11d: {  	s24 =	spop (v2sf)  }
0x11e: {  	(v2sf) =	vpush v63, $0x5;
	s23 =	sand.u32 $0x1FFFFFF0, s24  }
0x11f: {  	s24 =	sadd.s32 $0x8D80, s22;
	s23 =	sadd.s32 s4, s23  }
0x120: {  	[tilespmem:s24], [sflag:$0x1] =	stream.linear.gather [hbm4b:s23+s2], $0x80, $0x38;
	[tilespmem:$0x10600] =	vst v63  }
0x121: {  	s24 =	spop (v2sf)  }
0x122: {  	(v2sf) =	vpush v1, $0x6;
	s23 =	sand.u32 $0x1FFFFFF0, s24  }
0x123: {  	s24 =	sadd.s32 $0xE00, s22;
	s23 =	sadd.s32 s3, s23  }
0x124: {  	[tilespmem:s24], [sflag:$0x1] =	stream.linear.gather [hbm4b:s23+s2], $0x80, $0x38;
	[tilespmem:$0x10600] =	vst v63  }
0x125: {  	s24 =	spop (v2sf)  }
0x126: {  	(v2sf) =	vpush v63, $0x6;
	s23 =	sand.u32 $0x1FFFFFF0, s24  }
0x127: {  	s24 =	sadd.s32 $0x8E00, s22;
	s23 =	sadd.s32 s4, s23  }
0x128: {  	[tilespmem:s24], [sflag:$0x1] =	stream.linear.gather [hbm4b:s23+s2], $0x80, $0x38;
	[tilespmem:$0x10600] =	vst v63  }
0x129: {  	s24 =	spop (v2sf)  }
0x12a: {  	(v2sf) =	vpush v1, $0x7;
	s23 =	sand.u32 $0x1FFFFFF0, s24  }
0x12b: {  	s24 =	sadd.s32 $0xE80, s22;
	s23 =	sadd.s32 s3, s23  }
0x12c: {  	[tilespmem:s24], [sflag:$0x1] =	stream.linear.gather [hbm4b:s23+s2], $0x80, $0x38;
	[tilespmem:$0x10600] =	vst v63  }
0x12d: {  	s24 =	spop (v2sf)  }
0x12e: {  	(v2sf) =	vpush v63, $0x7;
	s23 =	sand.u32 $0x1FFFFFF0, s24  }
0x12f: {  	s24 =	sadd.s32 $0x8E80, s22;
	s23 =	sadd.s32 s4, s23  }
0x130: {  	[tilespmem:s24], [sflag:$0x1] =	stream.linear.gather [hbm4b:s23+s2], $0x80, $0x38;
	[tilespmem:$0x10600] =	vst v63  }
0x131: {  	s24 =	spop (v2sf)  }
0x132: {  	(v2sf) =	vpush v1, $0x8;
	s23 =	sand.u32 $0x1FFFFFF0, s24  }
0x133: {  	s24 =	sadd.s32 $0xF00, s22;
	s23 =	sadd.s32 s3, s23  }
0x134: {  	[tilespmem:s24], [sflag:$0x1] =	stream.linear.gather [hbm4b:s23+s2], $0x80, $0x38;
	[tilespmem:$0x10600] =	vst v63  }
0x135: {  	s24 =	spop (v2sf)  }
0x136: {  	(v2sf) =	vpush v63, $0x8;
	s23 =	sand.u32 $0x1FFFFFF0, s24  }
0x137: {  	s24 =	sadd.s32 $0x8F00, s22;
	s23 =	sadd.s32 s4, s23  }
0x138: {  	[tilespmem:s24], [sflag:$0x1] =	stream.linear.gather [hbm4b:s23+s2], $0x80, $0x38;
	[tilespmem:$0x10600] =	vst v63  }
0x139: {  	s24 =	spop (v2sf)  }
0x13a: {  	(v2sf) =	vpush v1, $0x9;
	s23 =	sand.u32 $0x1FFFFFF0, s24  }
0x13b: {  	s24 =	sadd.s32 $0xF80, s22;
	s23 =	sadd.s32 s3, s23  }
0x13c: {  	[tilespmem:s24], [sflag:$0x1] =	stream.linear.gather [hbm4b:s23+s2], $0x80, $0x38;
	[tilespmem:$0x10600] =	vst v63  }
0x13d: {  	s24 =	spop (v2sf)  }
0x13e: {  	(v2sf) =	vpush v63, $0x9;
	s23 =	sand.u32 $0x1FFFFFF0, s24  }
0x13f: {  	s24 =	sadd.s32 $0x8F80, s22;
	s23 =	sadd.s32 s4, s23  }
0x140: {  	[tilespmem:s24], [sflag:$0x1] =	stream.linear.gather [hbm4b:s23+s2], $0x80, $0x38;
	[tilespmem:$0x10600] =	vst v63  }
0x141: {  	s24 =	spop (v2sf)  }
0x142: {  	(v2sf) =	vpush v1, $0xA;
	s23 =	sand.u32 $0x1FFFFFF0, s24  }
0x143: {  	s24 =	sadd.s32 $0x1000, s22;
	s23 =	sadd.s32 s3, s23  }
0x144: {  	[tilespmem:s24], [sflag:$0x1] =	stream.linear.gather [hbm4b:s23+s2], $0x80, $0x38;
	[tilespmem:$0x10600] =	vst v63  }
0x145: {  	s24 =	spop (v2sf)  }
0x146: {  	(v2sf) =	vpush v63, $0xA;
	s23 =	sand.u32 $0x1FFFFFF0, s24  }
0x147: {  	s24 =	sadd.s32 $0x9000, s22;
	s23 =	sadd.s32 s4, s23  }
0x148: {  	[tilespmem:s24], [sflag:$0x1] =	stream.linear.gather [hbm4b:s23+s2], $0x80, $0x38;
	[tilespmem:$0x10600] =	vst v63  }
0x149: {  	s24 =	spop (v2sf)  }
0x14a: {  	(v2sf) =	vpush v1, $0xB;
	s23 =	sand.u32 $0x1FFFFFF0, s24  }
0x14b: {  	s24 =	sadd.s32 $0x1080, s22;
	s23 =	sadd.s32 s3, s23  }
0x14c: {  	[tilespmem:s24], [sflag:$0x1] =	stream.linear.gather [hbm4b:s23+s2], $0x80, $0x38;
	[tilespmem:$0x10600] =	vst v63  }
0x14d: {  	s24 =	spop (v2sf)  }
0x14e: {  	(v2sf) =	vpush v63, $0xB;
	s23 =	sand.u32 $0x1FFFFFF0, s24  }
0x14f: {  	s24 =	sadd.s32 $0x9080, s22;
	s23 =	sadd.s32 s4, s23  }
0x150: {  	[tilespmem:s24], [sflag:$0x1] =	stream.linear.gather [hbm4b:s23+s2], $0x80, $0x38;
	[tilespmem:$0x10600] =	vst v63  }
0x151: {  	s24 =	spop (v2sf)  }
0x152: {  	(v2sf) =	vpush v1, $0xC;
	s23 =	sand.u32 $0x1FFFFFF0, s24  }
0x153: {  	s24 =	sadd.s32 $0x1100, s22;
	s23 =	sadd.s32 s3, s23  }
0x154: {  	[tilespmem:s24], [sflag:$0x1] =	stream.linear.gather [hbm4b:s23+s2], $0x80, $0x38;
	[tilespmem:$0x10600] =	vst v63  }
0x155: {  	s24 =	spop (v2sf)  }
0x156: {  	(v2sf) =	vpush v63, $0xC;
	s23 =	sand.u32 $0x1FFFFFF0, s24  }
0x157: {  	s24 =	sadd.s32 $0x9100, s22;
	s23 =	sadd.s32 s4, s23  }
0x158: {  	[tilespmem:s24], [sflag:$0x1] =	stream.linear.gather [hbm4b:s23+s2], $0x80, $0x38;
	[tilespmem:$0x10600] =	vst v63  }
0x159: {  	s24 =	spop (v2sf)  }
0x15a: {  	(v2sf) =	vpush v1, $0xD;
	s23 =	sand.u32 $0x1FFFFFF0, s24  }
0x15b: {  	s24 =	sadd.s32 $0x1180, s22;
	s23 =	sadd.s32 s3, s23  }
0x15c: {  	[tilespmem:s24], [sflag:$0x1] =	stream.linear.gather [hbm4b:s23+s2], $0x80, $0x38;
	[tilespmem:$0x10600] =	vst v63  }
0x15d: {  	s24 =	spop (v2sf)  }
0x15e: {  	(v2sf) =	vpush v63, $0xD;
	s23 =	sand.u32 $0x1FFFFFF0, s24  }
0x15f: {  	s24 =	sadd.s32 $0x9180, s22;
	s23 =	sadd.s32 s4, s23  }
0x160: {  	[tilespmem:s24], [sflag:$0x1] =	stream.linear.gather [hbm4b:s23+s2], $0x80, $0x38;
	[tilespmem:$0x10600] =	vst v63  }
0x161: {  	s24 =	spop (v2sf)  }
0x162: {  	(v2sf) =	vpush v1, $0xE;
	s23 =	sand.u32 $0x1FFFFFF0, s24  }
0x163: {  	s24 =	sadd.s32 $0x1200, s22;
	s23 =	sadd.s32 s3, s23  }
0x164: {  	[tilespmem:s24], [sflag:$0x1] =	stream.linear.gather [hbm4b:s23+s2], $0x80, $0x38;
	[tilespmem:$0x10600] =	vst v63  }
0x165: {  	s24 =	spop (v2sf)  }
0x166: {  	(v2sf) =	vpush v63, $0xE;
	s23 =	sand.u32 $0x1FFFFFF0, s24  }
0x167: {  	s24 =	sadd.s32 $0x9200, s22;
	s23 =	sadd.s32 s4, s23  }
0x168: {  	[tilespmem:s24], [sflag:$0x1] =	stream.linear.gather [hbm4b:s23+s2], $0x80, $0x38;
	[tilespmem:$0x10600] =	vst v63  }
0x169: {  	s24 =	spop (v2sf)  }
0x16a: {  	(v2sf) =	vpush v1, $0xF;
	s23 =	sand.u32 $0x1FFFFFF0, s24  }
0x16b: {  	s24 =	sadd.s32 $0x1280, s22;
	s23 =	sadd.s32 s3, s23  }
0x16c: {  	[tilespmem:s24], [sflag:$0x1] =	stream.linear.gather [hbm4b:s23+s2], $0x80, $0x38;
	[tilespmem:$0x10600] =	vst v63  }
0x16d: {  	s24 =	spop (v2sf)  }
0x16e: {  	(v2sf) =	vpush v63, $0xF;
	s23 =	sand.u32 $0x1FFFFFF0, s24  }
0x16f: {  	s24 =	sadd.s32 $0x9280, s22;
	s23 =	sadd.s32 s4, s23  }
0x170: {  	[tilespmem:s24], [sflag:$0x1] =	stream.linear.gather [hbm4b:s23+s2], $0x80, $0x38;
	[tilespmem:$0x10600] =	vst v63  }
0x171: {  	s24 =	spop (v2sf)  }
0x172: {  	s23 =	sand.u32 $0x1FFFFFF0, s24  }
0x173: {  	s24 =	sadd.s32 $0x1300, s22;
	s23 =	sadd.s32 s3, s23  }
0x174: {  	[tilespmem:s24], [sflag:$0x1] =	stream.linear.gather [hbm4b:s23+s2], $0x80, $0x38;
	[tilespmem:$0x10600] =	vst v63  }
0x175: {  	s24 =	spop (v2sf)  }
0x176: {  	s23 =	sand.u32 $0x1FFFFFF0, s24  }
0x177: {  	s24 =	sadd.s32 $0x9300, s22;
	s23 =	sadd.s32 s4, s23  }
0x178: {  	[tilespmem:s24], [sflag:$0x1] =	stream.linear.gather [hbm4b:s23+s2], $0x80, $0x38;
	[tilespmem:$0x10600] =	vst v63  }
0x179: {  	s24 =	spop (v2sf)  }
0x17a: {  	s23 =	sand.u32 $0x1FFFFFF0, s24  }
0x17b: {  	s24 =	sadd.s32 $0x1380, s22;
	s23 =	sadd.s32 s3, s23  }
0x17c: {  	[tilespmem:s24], [sflag:$0x1] =	stream.linear.gather [hbm4b:s23+s2], $0x80, $0x38;
	[tilespmem:$0x10600] =	vst v63  }
0x17d: {  	s24 =	spop (v2sf)  }
0x17e: {  	s23 =	sand.u32 $0x1FFFFFF0, s24  }
0x17f: {  	s22 =	sadd.s32 $0x9380, s22;
	s23 =	sadd.s32 s4, s23  }
0x180: {  	[tilespmem:s22], [sflag:$0x1] =	stream.linear.gather [hbm4b:s23+s2], $0x80, $0x38;
	[tilespmem:$0x10600] =	vst v63  }
.LBB2_5:
0x181: {  	p1 =	seq.s32 s20, $0x0  }
.Ltmp3:
0x182: {  	_ = 	snop;
	(pc) =	sbr.rel @p1 .LBB2_7-.Ltmp3, $1  }
0x183: {  	_ =	sdelay $0x3  }
0x184: {  	s20 =	sand.u32 $0x70, s19  }
0x185: {  	s20 =	sor.u32 s20, s21  }
0x186: {  	v0 =	vld [tilespmem:s20+$0x0];
	_ =	sdelay $0x1  }
0x187: {  	v2 =	vld [tilespmem:s20+$0x200];
	_ =	sdelay $0x2  }
0x188: {  	v1 =	vshll.u32 v0, $0x4  }
0x189: {  	(v2sf) =	vpush v1, $0x0  }
0x18a: {  	v63 =	vshll.u32 v2, $0x4  }
0x18b: {  	(v2sf) =	vpush v63, $0x0;
	_ =	sdelay $0x2  }
0x18c: {  	(v2sf) =	vpush v1, $0x1;
	_ =	sdelay $0x2  }
0x18d: {  	(v2sf) =	vpush v63, $0x1;
	_ =	sdelay $0x6  }
0x18e: {  	s22 =	spop (v2sf);
	(v2sf) =	vpush v1, $0x2;
	_ =	sdelay $0x1  }
0x18f: {  	s20 =	sshra.s32 s17, $0x2;
	s21 =	sand.u32 $0x1FFFFFF0, s22;
	s23 =	spop (v2sf);
	(v2sf) =	vpush v63, $0x2  }
0x190: {  	s22 =	sadd.s32 $0xC00, s20;
	s21 =	sadd.s32 s3, s21  }
0x191: {  	[tilespmem:s22], [sflag:$0x2] =	stream.linear.gather [hbm4b:s21+s2], $0x80, $0x38;
	[tilespmem:$0x10600] =	vst v63  }
0x192: {  	s21 =	sand.u32 $0x1FFFFFF0, s23;
	s23 =	spop (v2sf);
	(v2sf) =	vpush v1, $0x3  }
0x193: {  	s24 =	sadd.s32 $0x8C00, s20;
	s21 =	sadd.s32 s4, s21  }
0x194: {  	[tilespmem:s24], [sflag:$0x2] =	stream.linear.gather [hbm4b:s21+s2], $0x80, $0x38;
	[tilespmem:$0x10600] =	vst v63  }
0x195: {  	s21 =	sand.u32 $0x1FFFFFF0, s23;
	s23 =	spop (v2sf);
	(v2sf) =	vpush v63, $0x3;
	_ =	sdelay $0x3  }
0x196: {  	s24 =	sadd.s32 $0xC80, s20;
	s21 =	sadd.s32 s3, s21  }
0x197: {  	[tilespmem:s24], [sflag:$0x2] =	stream.linear.gather [hbm4b:s21+s2], $0x80, $0x38;
	[tilespmem:$0x10600] =	vst v63  }
0x198: {  	s21 =	sand.u32 $0x1FFFFFF0, s23  }
0x199: {  	s24 =	sadd.s32 $0x8C80, s20;
	s21 =	sadd.s32 s4, s21;
	s23 =	spop (v2sf);
	(v2sf) =	vpush v1, $0x4  }
0x19a: {  	[tilespmem:s24], [sflag:$0x2] =	stream.linear.gather [hbm4b:s21+s2], $0x80, $0x38;
	[tilespmem:$0x10600] =	vst v63  }
0x19b: {  	s21 =	sand.u32 $0x1FFFFFF0, s23;
	s23 =	spop (v2sf);
	(v2sf) =	vpush v63, $0x4  }
0x19c: {  	s24 =	sadd.s32 $0xD00, s20;
	s21 =	sadd.s32 s3, s21  }
0x19d: {  	[tilespmem:s24], [sflag:$0x2] =	stream.linear.gather [hbm4b:s21+s2], $0x80, $0x38;
	[tilespmem:$0x10600] =	vst v63  }
0x19e: {  	s21 =	sand.u32 $0x1FFFFFF0, s23;
	s23 =	spop (v2sf);
	(v2sf) =	vpush v1, $0x5  }
0x19f: {  	s24 =	sadd.s32 $0x8D00, s20;
	s21 =	sadd.s32 s4, s21  }
0x1a0: {  	[tilespmem:s24], [sflag:$0x2] =	stream.linear.gather [hbm4b:s21+s2], $0x80, $0x38;
	[tilespmem:$0x10600] =	vst v63  }
0x1a1: {  	s21 =	sand.u32 $0x1FFFFFF0, s23;
	s23 =	spop (v2sf);
	(v2sf) =	vpush v63, $0x5;
	_ =	sdelay $0x3  }
0x1a2: {  	s24 =	sadd.s32 $0xD80, s20;
	s21 =	sadd.s32 s3, s21  }
0x1a3: {  	[tilespmem:s24], [sflag:$0x2] =	stream.linear.gather [hbm4b:s21+s2], $0x80, $0x38;
	[tilespmem:$0x10600] =	vst v63  }
0x1a4: {  	s21 =	sand.u32 $0x1FFFFFF0, s23  }
0x1a5: {  	s24 =	sadd.s32 $0x8D80, s20;
	s21 =	sadd.s32 s4, s21;
	s23 =	spop (v2sf);
	(v2sf) =	vpush v1, $0x6  }
0x1a6: {  	[tilespmem:s24], [sflag:$0x2] =	stream.linear.gather [hbm4b:s21+s2], $0x80, $0x38;
	[tilespmem:$0x10600] =	vst v63  }
0x1a7: {  	s21 =	sand.u32 $0x1FFFFFF0, s23;
	s23 =	spop (v2sf);
	(v2sf) =	vpush v63, $0x6  }
0x1a8: {  	s24 =	sadd.s32 $0xE00, s20;
	s21 =	sadd.s32 s3, s21  }
0x1a9: {  	[tilespmem:s24], [sflag:$0x2] =	stream.linear.gather [hbm4b:s21+s2], $0x80, $0x38;
	[tilespmem:$0x10600] =	vst v63  }
0x1aa: {  	s21 =	sand.u32 $0x1FFFFFF0, s23;
	s23 =	spop (v2sf);
	(v2sf) =	vpush v1, $0x7  }
0x1ab: {  	s24 =	sadd.s32 $0x8E00, s20;
	s21 =	sadd.s32 s4, s21  }
0x1ac: {  	[tilespmem:s24], [sflag:$0x2] =	stream.linear.gather [hbm4b:s21+s2], $0x80, $0x38;
	[tilespmem:$0x10600] =	vst v63  }
0x1ad: {  	s21 =	sand.u32 $0x1FFFFFF0, s23;
	s23 =	spop (v2sf);
	(v2sf) =	vpush v63, $0x7;
	_ =	sdelay $0x3  }
0x1ae: {  	s24 =	sadd.s32 $0xE80, s20;
	s21 =	sadd.s32 s3, s21  }
0x1af: {  	[tilespmem:s24], [sflag:$0x2] =	stream.linear.gather [hbm4b:s21+s2], $0x80, $0x38;
	[tilespmem:$0x10600] =	vst v63  }
0x1b0: {  	s21 =	sand.u32 $0x1FFFFFF0, s23  }
0x1b1: {  	s24 =	sadd.s32 $0x8E80, s20;
	s21 =	sadd.s32 s4, s21;
	s23 =	spop (v2sf);
	(v2sf) =	vpush v1, $0x8  }
0x1b2: {  	[tilespmem:s24], [sflag:$0x2] =	stream.linear.gather [hbm4b:s21+s2], $0x80, $0x38;
	[tilespmem:$0x10600] =	vst v63  }
0x1b3: {  	s21 =	sand.u32 $0x1FFFFFF0, s23;
	s23 =	spop (v2sf);
	(v2sf) =	vpush v63, $0x8  }
0x1b4: {  	s24 =	sadd.s32 $0xF00, s20;
	s21 =	sadd.s32 s3, s21  }
0x1b5: {  	[tilespmem:s24], [sflag:$0x2] =	stream.linear.gather [hbm4b:s21+s2], $0x80, $0x38;
	[tilespmem:$0x10600] =	vst v63  }
0x1b6: {  	s21 =	sand.u32 $0x1FFFFFF0, s23;
	s23 =	spop (v2sf);
	(v2sf) =	vpush v1, $0x9  }
0x1b7: {  	s24 =	sadd.s32 $0x8F00, s20;
	s21 =	sadd.s32 s4, s21  }
0x1b8: {  	[tilespmem:s24], [sflag:$0x2] =	stream.linear.gather [hbm4b:s21+s2], $0x80, $0x38;
	[tilespmem:$0x10600] =	vst v63  }
0x1b9: {  	s21 =	sand.u32 $0x1FFFFFF0, s23;
	s23 =	spop (v2sf);
	(v2sf) =	vpush v63, $0x9;
	_ =	sdelay $0x3  }
0x1ba: {  	s24 =	sadd.s32 $0xF80, s20;
	s21 =	sadd.s32 s3, s21  }
0x1bb: {  	[tilespmem:s24], [sflag:$0x2] =	stream.linear.gather [hbm4b:s21+s2], $0x80, $0x38;
	[tilespmem:$0x10600] =	vst v63  }
0x1bc: {  	s21 =	sand.u32 $0x1FFFFFF0, s23  }
0x1bd: {  	s24 =	sadd.s32 $0x8F80, s20;
	s21 =	sadd.s32 s4, s21;
	s23 =	spop (v2sf);
	(v2sf) =	vpush v1, $0xA  }
0x1be: {  	[tilespmem:s24], [sflag:$0x2] =	stream.linear.gather [hbm4b:s21+s2], $0x80, $0x38;
	[tilespmem:$0x10600] =	vst v63  }
0x1bf: {  	s21 =	sand.u32 $0x1FFFFFF0, s23;
	s23 =	spop (v2sf);
	(v2sf) =	vpush v63, $0xA  }
0x1c0: {  	s24 =	sadd.s32 $0x1000, s20;
	s21 =	sadd.s32 s3, s21  }
0x1c1: {  	[tilespmem:s24], [sflag:$0x2] =	stream.linear.gather [hbm4b:s21+s2], $0x80, $0x38;
	[tilespmem:$0x10600] =	vst v63  }
0x1c2: {  	s21 =	sand.u32 $0x1FFFFFF0, s23;
	s23 =	spop (v2sf);
	(v2sf) =	vpush v1, $0xB  }
0x1c3: {  	s24 =	sadd.s32 $0x9000, s20;
	s21 =	sadd.s32 s4, s21  }
0x1c4: {  	[tilespmem:s24], [sflag:$0x2] =	stream.linear.gather [hbm4b:s21+s2], $0x80, $0x38;
	[tilespmem:$0x10600] =	vst v63  }
0x1c5: {  	s21 =	sand.u32 $0x1FFFFFF0, s23;
	s23 =	spop (v2sf);
	(v2sf) =	vpush v63, $0xB;
	_ =	sdelay $0x3  }
0x1c6: {  	s24 =	sadd.s32 $0x1080, s20;
	s21 =	sadd.s32 s3, s21  }
0x1c7: {  	[tilespmem:s24], [sflag:$0x2] =	stream.linear.gather [hbm4b:s21+s2], $0x80, $0x38;
	[tilespmem:$0x10600] =	vst v63  }
0x1c8: {  	s21 =	sand.u32 $0x1FFFFFF0, s23  }
0x1c9: {  	s24 =	sadd.s32 $0x9080, s20;
	s21 =	sadd.s32 s4, s21;
	s23 =	spop (v2sf);
	(v2sf) =	vpush v1, $0xC  }
0x1ca: {  	[tilespmem:s24], [sflag:$0x2] =	stream.linear.gather [hbm4b:s21+s2], $0x80, $0x38;
	[tilespmem:$0x10600] =	vst v63  }
0x1cb: {  	s21 =	sand.u32 $0x1FFFFFF0, s23;
	s23 =	spop (v2sf);
	(v2sf) =	vpush v63, $0xC  }
0x1cc: {  	s24 =	sadd.s32 $0x1100, s20;
	s21 =	sadd.s32 s3, s21  }
0x1cd: {  	[tilespmem:s24], [sflag:$0x2] =	stream.linear.gather [hbm4b:s21+s2], $0x80, $0x38;
	[tilespmem:$0x10600] =	vst v63  }
0x1ce: {  	s21 =	sand.u32 $0x1FFFFFF0, s23;
	s23 =	spop (v2sf);
	(v2sf) =	vpush v1, $0xD  }
0x1cf: {  	s24 =	sadd.s32 $0x9100, s20;
	s21 =	sadd.s32 s4, s21  }
0x1d0: {  	[tilespmem:s24], [sflag:$0x2] =	stream.linear.gather [hbm4b:s21+s2], $0x80, $0x38;
	[tilespmem:$0x10600] =	vst v63  }
0x1d1: {  	s21 =	sand.u32 $0x1FFFFFF0, s23;
	s23 =	spop (v2sf);
	(v2sf) =	vpush v63, $0xD;
	_ =	sdelay $0x3  }
0x1d2: {  	s24 =	sadd.s32 $0x1180, s20;
	s21 =	sadd.s32 s3, s21  }
0x1d3: {  	[tilespmem:s24], [sflag:$0x2] =	stream.linear.gather [hbm4b:s21+s2], $0x80, $0x38;
	[tilespmem:$0x10600] =	vst v63  }
0x1d4: {  	s21 =	sand.u32 $0x1FFFFFF0, s23  }
0x1d5: {  	s24 =	sadd.s32 $0x9180, s20;
	s21 =	sadd.s32 s4, s21;
	s23 =	spop (v2sf);
	(v2sf) =	vpush v1, $0xE  }
0x1d6: {  	[tilespmem:s24], [sflag:$0x2] =	stream.linear.gather [hbm4b:s21+s2], $0x80, $0x38;
	[tilespmem:$0x10600] =	vst v63  }
0x1d7: {  	s21 =	sand.u32 $0x1FFFFFF0, s23;
	s23 =	spop (v2sf);
	(v2sf) =	vpush v63, $0xE  }
0x1d8: {  	s24 =	sadd.s32 $0x1200, s20;
	s21 =	sadd.s32 s3, s21  }
0x1d9: {  	[tilespmem:s24], [sflag:$0x2] =	stream.linear.gather [hbm4b:s21+s2], $0x80, $0x38;
	[tilespmem:$0x10600] =	vst v63  }
0x1da: {  	s21 =	sand.u32 $0x1FFFFFF0, s23;
	s23 =	spop (v2sf);
	(v2sf) =	vpush v1, $0xF  }
0x1db: {  	s24 =	sadd.s32 $0x9200, s20;
	s21 =	sadd.s32 s4, s21  }
0x1dc: {  	[tilespmem:s24], [sflag:$0x2] =	stream.linear.gather [hbm4b:s21+s2], $0x80, $0x38;
	[tilespmem:$0x10600] =	vst v63  }
0x1dd: {  	s21 =	sand.u32 $0x1FFFFFF0, s23;
	s23 =	spop (v2sf);
	(v2sf) =	vpush v63, $0xF;
	_ =	sdelay $0x1  }
0x1de: {  	s24 =	sadd.s32 $0x1280, s20;
	s21 =	sadd.s32 s3, s21  }
0x1df: {  	[tilespmem:s24], [sflag:$0x2] =	stream.linear.gather [hbm4b:s21+s2], $0x80, $0x38;
	[tilespmem:$0x10600] =	vst v63  }
0x1e0: {  	s21 =	sand.u32 $0x1FFFFFF0, s23  }
0x1e1: {  	s24 =	sadd.s32 $0x9280, s20;
	s21 =	sadd.s32 s4, s21  }
0x1e2: {  	[tilespmem:s24], [sflag:$0x2] =	stream.linear.gather [hbm4b:s21+s2], $0x80, $0x38;
	[tilespmem:$0x10600] =	vst v63  }
0x1e3: {  	s23 =	spop (v2sf)  }
0x1e4: {  	s21 =	sand.u32 $0x1FFFFFF0, s23  }
0x1e5: {  	s24 =	sadd.s32 $0x1300, s20;
	s23 =	spop (v2sf);
	s21 =	sadd.s32 s3, s21  }
0x1e6: {  	[tilespmem:s24], [sflag:$0x2] =	stream.linear.gather [hbm4b:s21+s2], $0x80, $0x38;
	[tilespmem:$0x10600] =	vst v63  }
0x1e7: {  	s21 =	sand.u32 $0x1FFFFFF0, s23  }
0x1e8: {  	s24 =	sadd.s32 $0x9300, s20;
	s22 =	spop (v2sf);
	s21 =	sadd.s32 s4, s21  }
0x1e9: {  	[tilespmem:s24], [sflag:$0x2] =	stream.linear.gather [hbm4b:s21+s2], $0x80, $0x38;
	[tilespmem:$0x10600] =	vst v63  }
0x1ea: {  	s23 =	sadd.s32 $0x1380, s20;
	s21 =	sand.u32 $0x1FFFFFF0, s22  }
.Ltmp4:
0x1eb: {  	s24 =	spop (v2sf);
	s21 =	sadd.s32 s3, s21;
	(pc) =	sbr.rel .LBB2_7-.Ltmp4, $4  }
0x1ec: {  	[tilespmem:s23], [sflag:$0x2] =	stream.linear.gather [hbm4b:s21+s2], $0x80, $0x38;
	[tilespmem:$0x10600] =	vst v63  }
0x1ed: {  	s21 =	sand.u32 $0x1FFFFFF0, s24  }
0x1ee: {  	s20 =	sadd.s32 $0x9380, s20;
	s21 =	sadd.s32 s4, s21  }
0x1ef: {  	[tilespmem:s20], [sflag:$0x2] =	stream.linear.gather [hbm4b:s21+s2], $0x80, $0x38;
	[tilespmem:$0x10600] =	vst v63  }
.LBB2_8:
0x1f0: {  	s17 =	simm.s32 $0x500  }
0x1f1: {  	s18 =	simm.s32 $0x8500;
	v0 =	vld [tilespmem:s17+$0xFFFFFF00]  }
0x1f2: {  	v1 =	vld [tilespmem:s18+$0xFFFFFF10]  }
0x1f3: {  	v2 =	vld [tilespmem:s17+$0xFFFFFF10]  }
0x1f4: {  	v3 =	vld [tilespmem:s18+$0xFFFFFF00]  }
0x1f5: {  	v4 =	vld [tilespmem:s18+$0xFFFFFF20]  }
0x1f6: {  	v5 =	vld [tilespmem:s17+$0xFFFFFF20]  }
0x1f7: {  	v6 =	vld [tilespmem:s18+$0xFFFFFF30]  }
0x1f8: {  	v7 =	vld [tilespmem:s17+$0xFFFFFF30]  }
0x1f9: {  	v0 =	vmul.f32 v3, v0;
	v1 =	vmul.f32 v1, v2;
	_ =	sdelay $0x1  }
0x1fa: {  	v0 =	vadd.f32 v1, v0;
	v1 =	vmul.f32 v4, v5;
	_ =	sdelay $0x1  }
0x1fb: {  	v0 =	vadd.f32 v1, v0;
	v1 =	vmul.f32 v6, v7;
	_ =	sdelay $0x1  }
0x1fc: {  	v0 =	vadd.f32 v1, v0;
	_ =	sdelay $0x1  }
0x1fd: {  	(xrf2) =	vadd.scan.msk.f32 $0xffff, v0;
	_ =	sdelay $0x2  }
0x1fe: {  	s20 =	sadd.s32 $0xFFFFFFFC, s16  }
0x1ff: {  	s19 =	sadd.s32 $0x4, s20  }
0x200: {  	v0 =	vmov s19  }
0x201: {  	v0 =	vand.u32 $0xFFFFFFFC, v0  }
0x202: {  	v0 =	vbroadcast v0, $0x0;
	_ =	sdelay $0x2  }
0x203: {  	v1, _, _ =	vpop (xrf2)  }
0x204: {  	v1 =	vbroadcast v1, $0xF;
	_ =	sdelay $0x1  }
0x205: {  	[tilespmem:v0+s15+$0x0] =	vst.idx.msk $0x1, v1  }
0x206: {  	v0 =	vld [tilespmem:s18+$0xFFFFFF90]  }
0x207: {  	v1 =	vld [tilespmem:s18+$0xFFFFFF80]  }
0x208: {  	v2 =	vld [tilespmem:s17+$0xFFFFFF90]  }
0x209: {  	v3 =	vld [tilespmem:s17+$0xFFFFFF80]  }
0x20a: {  	v52 =	vld [tilespmem:s18+$0xFFFFFFA0]  }
0x20b: {  	v53 =	vld [tilespmem:s17+$0xFFFFFFA0]  }
0x20c: {  	v54 =	vld [tilespmem:s18+$0xFFFFFFB0]  }
0x20d: {  	v55 =	vld [tilespmem:s17+$0xFFFFFFB0]  }
0x20e: {  	v0 =	vmul.f32 v0, v2;
	v1 =	vmul.f32 v1, v3;
	_ =	sdelay $0x1  }
0x20f: {  	v2 =	vmul.f32 v52, v53;
	v0 =	vadd.f32 v0, v1;
	_ =	sdelay $0x1  }
0x210: {  	v1 =	vmul.f32 v54, v55;
	v0 =	vadd.f32 v2, v0;
	_ =	sdelay $0x1  }
0x211: {  	v0 =	vadd.f32 v1, v0;
	_ =	sdelay $0x1  }
0x212: {  	(xrf2) =	vadd.scan.msk.f32 $0xffff, v0;
	_ =	sdelay $0x3  }
0x213: {  	s23 =	sadd.s32 $0x5, s20  }
0x214: {  	v0 =	vmov s23  }
0x215: {  	v0 =	vand.u32 $0xFFFFFFFD, v0  }
0x216: {  	v0 =	vbroadcast v0, $0x0;
	_ =	sdelay $0x2  }
0x217: {  	v1, _, _ =	vpop (xrf2)  }
0x218: {  	v1 =	vbroadcast v1, $0xF;
	_ =	sdelay $0x1  }
0x219: {  	[tilespmem:v0+s15+$0x0] =	vst.idx.msk $0x1, v1  }
0x21a: {  	v0 =	vld [tilespmem:s17+$0x0]  }
0x21b: {  	v1 =	vld [tilespmem:s18+$0x0]  }
0x21c: {  	v2 =	vld [tilespmem:s18+$0x10]  }
0x21d: {  	v3 =	vld [tilespmem:s17+$0x10]  }
0x21e: {  	v56 =	vld [tilespmem:s18+$0x20]  }
0x21f: {  	v57 =	vld [tilespmem:s17+$0x20]  }
0x220: {  	v58 =	vld [tilespmem:s18+$0x30]  }
0x221: {  	v59 =	vld [tilespmem:s17+$0x30]  }
0x222: {  	v0 =	vmul.f32 v1, v0;
	v1 =	vmul.f32 v2, v3;
	_ =	sdelay $0x1  }
0x223: {  	v0 =	vadd.f32 v1, v0;
	v1 =	vmul.f32 v56, v57;
	_ =	sdelay $0x1  }
0x224: {  	v0 =	vadd.f32 v1, v0;
	v1 =	vmul.f32 v58, v59;
	_ =	sdelay $0x1  }
0x225: {  	v0 =	vadd.f32 v1, v0;
	_ =	sdelay $0x1  }
0x226: {  	(xrf2) =	vadd.scan.msk.f32 $0xffff, v0;
	_ =	sdelay $0x3  }
0x227: {  	s24 =	sadd.s32 $0x6, s20  }
0x228: {  	v0 =	vmov s24  }
0x229: {  	v0 =	vand.u32 $0xFFFFFFFE, v0  }
0x22a: {  	v0 =	vbroadcast v0, $0x0;
	_ =	sdelay $0x2  }
0x22b: {  	v1, _, _ =	vpop (xrf2)  }
0x22c: {  	v1 =	vbroadcast v1, $0xF;
	_ =	sdelay $0x1  }
0x22d: {  	[tilespmem:v0+s15+$0x0] =	vst.idx.msk $0x1, v1  }
0x22e: {  	v0 =	vld [tilespmem:s18+$0x90]  }
0x22f: {  	v1 =	vld [tilespmem:s17+$0x80]  }
0x230: {  	v2 =	vld [tilespmem:s18+$0x80]  }
0x231: {  	v3 =	vld [tilespmem:s17+$0x90]  }
0x232: {  	v60 =	vld [tilespmem:s17+$0xA0]  }
0x233: {  	v61 =	vld [tilespmem:s18+$0xA0]  }
0x234: {  	v62 =	vld [tilespmem:s17+$0xB0]  }
0x235: {  	v63 =	vld [tilespmem:s18+$0xB0]  }
0x236: {  	v1 =	vmul.f32 v2, v1;
	v0 =	vmul.f32 v0, v3;
	_ =	sdelay $0x1  }
0x237: {  	v2 =	vmul.f32 v61, v60;
	v0 =	vadd.f32 v0, v1;
	_ =	sdelay $0x1  }
0x238: {  	v1 =	vmul.f32 v63, v62;
	v0 =	vadd.f32 v2, v0;
	_ =	sdelay $0x1  }
0x239: {  	s20 =	sadd.s32 $0x7, s20;
	s19 =	simm.s32 $0x0;
	v0 =	vadd.f32 v1, v0  }
.LBB2_9:
0x23a: {  	s18 =	sadd.s32 $0x200, s18  }
0x23b: {  	s17 =	sadd.s32 $0x200, s17;
	s21 =	smov.u32 s19;
	s19 =	sadd.s32 $0x4, s19;
	(xrf2) =	vadd.scan.msk.f32 $0xffff, v0  }
0x23c: {  	p1 =	slt.u32 s19, $0xFC;
	_ =	sdelay $0x5  }
0x23d: {  	v0 =	vmov s20;
	_ =	sdelay $0x2  }
0x23e: {  	v1, _, _ =	vpop (xrf2)  }
0x23f: {  	v1 =	vbroadcast v1, $0xF;
	_ =	sdelay $0x1  }
0x240: {  	[tilespmem:v0+s15+$0x0] =	vst.idx.msk $0x1, v1  }
0x241: {  	v0 =	vld [tilespmem:s17+$0xFFFFFF00]  }
0x242: {  	v1 =	vld [tilespmem:s18+$0xFFFFFF10]  }
0x243: {  	v2 =	vld [tilespmem:s17+$0xFFFFFF10]  }
0x244: {  	v3 =	vld [tilespmem:s18+$0xFFFFFF00]  }
0x245: {  	v4 =	vld [tilespmem:s18+$0xFFFFFF20]  }
0x246: {  	v5 =	vld [tilespmem:s17+$0xFFFFFF20]  }
0x247: {  	v6 =	vld [tilespmem:s18+$0xFFFFFF30]  }
0x248: {  	v7 =	vld [tilespmem:s17+$0xFFFFFF30]  }
0x249: {  	v1 =	vmul.f32 v1, v2;
	v0 =	vmul.f32 v3, v0;
	_ =	sdelay $0x1  }
0x24a: {  	v0 =	vadd.f32 v1, v0;
	v1 =	vmul.f32 v4, v5;
	_ =	sdelay $0x1  }
0x24b: {  	v0 =	vadd.f32 v1, v0;
	v1 =	vmul.f32 v6, v7;
	_ =	sdelay $0x1  }
0x24c: {  	v0 =	vadd.f32 v1, v0;
	_ =	sdelay $0x1  }
0x24d: {  	(xrf2) =	vadd.scan.msk.f32 $0xffff, v0;
	_ =	sdelay $0x2  }
0x24e: {  	s20 =	sadd.s32 s21, s16  }
0x24f: {  	s21 =	sadd.s32 $0x4, s20;
	s22 =	sadd.s32 $0x5, s20;
	s23 =	sadd.s32 $0x6, s20  }
0x250: {  	s20 =	sadd.s32 $0x7, s20;
	v2 =	vmov s23;
	v1 =	vmov s22;
	v0 =	vmov s21  }
0x251: {  	v2 =	vand.u32 $0xFFFFFFFE, v2;
	v1 =	vand.u32 $0xFFFFFFFD, v1;
	v0 =	vand.u32 $0xFFFFFFFC, v0  }
0x252: {  	v0 =	vbroadcast v0, $0x0;
	_ =	sdelay $0x2  }
0x253: {  	v3, _, _ =	vpop (xrf2)  }
0x254: {  	v3 =	vbroadcast v3, $0xF;
	_ =	sdelay $0x1  }
0x255: {  	[tilespmem:v0+s15+$0x0] =	vst.idx.msk $0x1, v3  }
0x256: {  	v0 =	vld [tilespmem:s18+$0xFFFFFFA0]  }
0x257: {  	v3 =	vld [tilespmem:s18+$0xFFFFFF90]  }
0x258: {  	v4 =	vld [tilespmem:s17+$0xFFFFFFA0]  }
0x259: {  	v5 =	vld [tilespmem:s18+$0xFFFFFF80]  }
0x25a: {  	v6 =	vld [tilespmem:s17+$0xFFFFFF90]  }
0x25b: {  	v7 =	vld [tilespmem:s17+$0xFFFFFF80];
	_ =	sdelay $0x1  }
0x25c: {  	v0 =	vmul.f32 v0, v4  }
0x25d: {  	v4 =	vld [tilespmem:s18+$0xFFFFFFB0]  }
0x25e: {  	v3 =	vmul.f32 v3, v6;
	v6 =	vld [tilespmem:s17+$0xFFFFFFB0]  }
0x25f: {  	v5 =	vmul.f32 v5, v7;
	_ =	sdelay $0x1  }
0x260: {  	v3 =	vadd.f32 v3, v5;
	_ =	sdelay $0x1  }
0x261: {  	v0 =	vadd.f32 v0, v3;
	v3 =	vmul.f32 v4, v6;
	_ =	sdelay $0x1  }
0x262: {  	v0 =	vadd.f32 v3, v0;
	_ =	sdelay $0x1  }
0x263: {  	(xrf2) =	vadd.scan.msk.f32 $0xffff, v0;
	_ =	sdelay $0x6  }
0x264: {  	v0 =	vbroadcast v1, $0x0;
	_ =	sdelay $0x2  }
0x265: {  	v1, _, _ =	vpop (xrf2)  }
0x266: {  	v1 =	vbroadcast v1, $0xF;
	_ =	sdelay $0x1  }
0x267: {  	[tilespmem:v0+s15+$0x0] =	vst.idx.msk $0x1, v1  }
0x268: {  	v0 =	vld [tilespmem:s17+$0x0]  }
0x269: {  	v1 =	vld [tilespmem:s18+$0x0]  }
0x26a: {  	v3 =	vld [tilespmem:s18+$0x10]  }
0x26b: {  	v4 =	vld [tilespmem:s17+$0x10]  }
0x26c: {  	v5 =	vld [tilespmem:s18+$0x20]  }
0x26d: {  	v6 =	vld [tilespmem:s17+$0x20]  }
0x26e: {  	v0 =	vmul.f32 v1, v0;
	v1 =	vld [tilespmem:s18+$0x30]  }
0x26f: {  	v7 =	vld [tilespmem:s17+$0x30]  }
0x270: {  	v3 =	vmul.f32 v3, v4;
	_ =	sdelay $0x1  }
0x271: {  	v0 =	vadd.f32 v3, v0;
	v3 =	vmul.f32 v5, v6;
	_ =	sdelay $0x1  }
0x272: {  	v0 =	vadd.f32 v3, v0;
	v1 =	vmul.f32 v1, v7;
	_ =	sdelay $0x1  }
0x273: {  	v0 =	vadd.f32 v1, v0;
	_ =	sdelay $0x1  }
0x274: {  	(xrf2) =	vadd.scan.msk.f32 $0xffff, v0;
	_ =	sdelay $0x6  }
0x275: {  	v0 =	vbroadcast v2, $0x0;
	_ =	sdelay $0x2  }
0x276: {  	v1, _, _ =	vpop (xrf2)  }
0x277: {  	v1 =	vbroadcast v1, $0xF;
	_ =	sdelay $0x1  }
0x278: {  	[tilespmem:v0+s15+$0x0] =	vst.idx.msk $0x1, v1  }
0x279: {  	v0 =	vld [tilespmem:s17+$0xA0]  }
0x27a: {  	v1 =	vld [tilespmem:s18+$0x90]  }
0x27b: {  	v2 =	vld [tilespmem:s17+$0x80]  }
0x27c: {  	v3 =	vld [tilespmem:s18+$0x80]  }
0x27d: {  	v4 =	vld [tilespmem:s18+$0xA0]  }
0x27e: {  	v5 =	vld [tilespmem:s17+$0x90]  }
0x27f: {  	v6 =	vld [tilespmem:s17+$0xB0]  }
0x280: {  	v7 =	vld [tilespmem:s18+$0xB0]  }
0x281: {  	v2 =	vmul.f32 v3, v2  }
0x282: {  	v0 =	vmul.f32 v4, v0  }
0x283: {  	v1 =	vmul.f32 v1, v5;
	_ =	sdelay $0x1  }
.Ltmp5:
0x284: {  	v1 =	vadd.f32 v1, v2;
	v2 =	vmul.f32 v7, v6;
	(pc) =	sbr.rel @p1 .LBB2_9-.Ltmp5, $3  }
0x285: {  	_ = 	snop  }
0x286: {  	v0 =	vadd.f32 v0, v1;
	_ =	sdelay $0x1  }
0x287: {  	v0 =	vadd.f32 v2, v0  }
0x288: {  	_ = 	snop  }
0x289: {  	(xrf2) =	vadd.scan.msk.f32 $0xffff, v0;
	_ =	sdelay $0x7  }
0x28a: {  	v63 =	vmov s20  }
.Ltmp6:
0x28b: {  	_ = 	snop;
	(pc) =	sbr.rel @p0 .LBB2_2-.Ltmp6, $3  }
0x28c: {  	v1, _, _ =	vpop (xrf2)  }
0x28d: {  	v1 =	vbroadcast v1, $0xF;
	_ =	sdelay $0x1  }
0x28e: {  	s16 =	simm.s32 $0x100;
	p1 =	por $0x0, $0x0;
	[tilespmem:v63+s15+$0x0] =	vst.idx.msk $0x1, v1  }
0x28f: {  	s16 =	rddreg [dreg:$0x7];
	s17 =	simm.s32 $0x3  }
0x290: {  	[hbm4b:s16+s2] =	stream.linear.scatter [tilespmem:s15], [sflag:$0x3], $0x200, $0x38;
	[tilespmem:$0x10600] =	vst v63  }
0x291: {  	_ =	swait.ge [sflag:s17], $0x200  }
0x292: {  	s18 =	rddreg [dreg:$0x9]  }
0x293: {  	s24 =	rddreg [dreg:$0x8];
	s18 =	sadd.s32 $0x1, s18  }
0x294: {  	p0 =	sne.s32 s18, s24  }
.Ltmp7:
0x295: {  	_ = 	snop;
	(pc) =	sbr.rel @p0 .LBB2_1-.Ltmp7, $3  }
0x296: {  	_ =	sdelay $0x1  }
0x297: {  	[sflag:s17] =	ssyncset.done $0x0  }
0x298: {  	[sflag:s17] =	ssyncadd.s32 $0xFFFFFE00  }
0x299: {  	_ =	sfence.sel $0x180000  }
0x29a: {  	[bflag:$0x0] =	sbarrier.arrive $0xFFFF  }
0x29b: {  	_ =	strace $0x90000047  }
0x29c: {  	s0 =	stileid.u32;
	[bflag:$0x2] =	sbarrier.arrive $0xFFFF  }
0x29d: {  	p0 =	sne.s32 s0, $0x0;
	s0 =	rddreg [dreg:$0x4]  }
0x29e: {  	s0 =	sadd.s32 @!p0 $0x100000, s0  }
0x29f: {  	[sflag:s0] =	ssyncadd.tile.s32 @!p0 $0x1;
	_ =	shalt  }
.Lfunc_end2:
_tile_overlayer_lowered:
.L_overlay_start_2:
0x2a0: {  	(tag) =	ssettag $0x2  }
0x2a1: {  	s0 =	rddreg [dreg:$0x0];
	s2 =	stileid.u32  }
0x2a2: {  	s1 =	rddreg [dreg:$0x1];
	p0 =	sne.s32 s2, $0x0  }
0x2a3: {  	s3 =	rddreg [dreg:$0x2];
	[bflag:$0x3] =	sbarrier.arrive $0xFFFF;
	s2 =	simm.s32 @!p0 $0x1C03  }
0x2a4: {  	[timem:s3], [sflag:s2] =	dma.local @!p0 [hbm:s0], s1  }
0x2a5: {  	s0 =	simm.s32 @!p0 $0x3  }
0x2a6: {  	_ =	swait.ge @!p0 [sflag:s0], s1  }
0x2a7: {  	s1 =	ssub.s32 @!p0 $0x0, s1;
	[sflag:s0] =	ssyncset.done @!p0 $0x0  }
0x2a8: {  	[sflag:s0] =	ssyncadd.s32 @!p0 s1  }
0x2a9: {  	[bflag:$0x3] =	sbarrier.arrive $0xFFFF  }
0x2aa: {  	_ =	shalt  }

</sc_bundles>
